<compile_context>
chip_gen: v7x
topology: tpu7x:2x2x1
jax: 0.10.2.dev20260603
libtpu: 0.0.44.dev20260713+nightly
codegen_flags: <defaults>
</compile_context>

<pallas_src>
import functools

import jax
import jax.numpy as jnp
from jax import lax
from jax.experimental import pallas as pl
from jax.experimental.pallas import tpu as pltpu
from jax.experimental.pallas import tpu_sc as plsc

VOCAB = 1000000
EMB = 64
HID = 128
B = 16384
L = 200

NC = 2
NS = 16
NW = NC * NS
BPW = B // NW
GE = 2
NCHUNK = BPW // GE
NVEC = EMB // 16


RPB = 8
NRB = B // NW // RPB


def _sc_repack_ids(ids):
    mesh = plsc.VectorSubcoreMesh(core_axis_name="c", subcore_axis_name="s")

    @functools.partial(
        pl.kernel,
        mesh=mesh,
        compiler_params=pltpu.CompilerParams(use_tc_tiling_on_sc=True),
        out_type=jax.ShapeDtypeStruct((B * L,), jnp.int32),
        scratch_types=[
            pltpu.VMEM((RPB, 128), jnp.int32),
            pltpu.VMEM((RPB, 72), jnp.int32),
            pltpu.VMEM((RPB * L,), jnp.int32),
        ],
    )
    def k(ids_hbm, out_hbm, v0, v1, flat):
        wid = lax.axis_index("s") * NC + lax.axis_index("c")
        base = wid * (B // NW)

        @pl.loop(0, NRB)
        def _(blk):
            r = base + blk * RPB
            pltpu.sync_copy(ids_hbm.at[pl.ds(r, RPB), pl.ds(0, 128)], v0)
            pltpu.sync_copy(ids_hbm.at[pl.ds(r, RPB), pl.ds(128, 72)], v1)
            for i in range(RPB):
                for j in range(8):
                    flat[pl.ds(i * L + j * 16, 16)] = v0[i, pl.ds(j * 16, 16)]
                for j in range(4):
                    flat[pl.ds(i * L + 128 + j * 16, 16)] = v1[i, pl.ds(j * 16, 16)]
                flat[pl.ds(i * L + 184, 16)] = v1[i, pl.ds(56, 16)]
            pltpu.sync_copy(flat, out_hbm.at[pl.ds(r * L, RPB * L)])

    return k(ids)


def _sc_pool_sums(ids_flat, table):
    mesh = plsc.VectorSubcoreMesh(core_axis_name="c", subcore_axis_name="s")

    @functools.partial(
        pl.kernel,
        mesh=mesh,
        compiler_params=pltpu.CompilerParams(use_tc_tiling_on_sc=False),
        out_type=jax.ShapeDtypeStruct((B, EMB), jnp.float32),
        scratch_types=[
            pltpu.VMEM((2, GE * L), jnp.int32),
            pltpu.VMEM((2, GE * L, EMB), jnp.float32),
            pltpu.VMEM((BPW, EMB), jnp.float32),
            pltpu.SemaphoreType.DMA((2,)),
        ],
    )
    def k(ids_hbm, table_hbm, out_hbm, ids_v, rows_v, out_v, gsem):
        wid = lax.axis_index("s") * NC + lax.axis_index("c")
        base = wid * BPW

        def issue(buf, chunk):
            pltpu.sync_copy(ids_hbm.at[pl.ds((base + chunk * GE) * L, GE * L)],
                            ids_v.at[buf])
            for e in range(GE):
                pltpu.make_async_copy(
                    table_hbm.at[ids_v.at[buf, pl.ds(e * L, L)]],
                    rows_v.at[buf, pl.ds(e * L, L)],
                    gsem.at[buf],
                ).start()

        def consume(buf, chunk):
            for e in range(GE):
                pltpu.make_async_copy(
                    table_hbm.at[ids_v.at[buf, pl.ds(e * L, L)]],
                    rows_v.at[buf, pl.ds(e * L, L)],
                    gsem.at[buf],
                ).wait()
            for e in range(GE):
                def body(i, acc):
                    return tuple(
                        acc[j] + rows_v[buf, e * L + i, pl.ds(j * 16, 16)]
                        for j in range(NVEC)
                    )
                acc = lax.fori_loop(
                    0, L, body,
                    tuple(jnp.zeros((16,), jnp.float32) for _ in range(NVEC)),
                    unroll=2,
                )
                for j in range(NVEC):
                    out_v[chunk * GE + e, pl.ds(j * 16, 16)] = acc[j]

        issue(0, 0)
        issue(1, 1)

        @pl.loop(0, (NCHUNK - 2) // 2)
        def _(it):
            g = it * 2
            for b in range(2):
                consume(b, g + b)
                issue(b, g + b + 2)

        consume(0, NCHUNK - 2)
        consume(1, NCHUNK - 1)

        pltpu.sync_copy(out_v, out_hbm.at[pl.ds(base, BPW)])

    return k(ids_flat, table)


BLK = 512


def _mlp_body(sums_ref, ids_ref, w1_ref, b1_ref, w2_ref, b2_ref, out_ref):
    ids = ids_ref[...]
    cnt = jnp.sum((ids > 0).astype(jnp.float32), axis=1, keepdims=True)
    pooled = sums_ref[...] / (cnt + 1e-9)
    h = jnp.maximum(
        jax.lax.dot_general(
            pooled, w1_ref[...], (((1,), (0,)), ((), ())),
            preferred_element_type=jnp.float32,
            precision=jax.lax.Precision.HIGHEST,
        ) + b1_ref[...],
        0.0,
    )
    out = jax.lax.dot_general(
        h, w2_ref[...], (((1,), (0,)), ((), ())),
        preferred_element_type=jnp.float32,
        precision=jax.lax.Precision.HIGHEST,
    ) + b2_ref[...]
    norm = jnp.maximum(
        jnp.sqrt(jnp.sum(out * out, axis=1, keepdims=True)), 1e-12)
    out_ref[...] = out / norm


def _tc_mlp(sums, ids, W1, b1, W2, b2):
    grid = (B // BLK,)
    return pl.pallas_call(
        _mlp_body,
        grid=grid,
        in_specs=[
            pl.BlockSpec((BLK, EMB), lambda i: (i, 0)),
            pl.BlockSpec((BLK, L), lambda i: (i, 0)),
            pl.BlockSpec((EMB, HID), lambda i: (0, 0)),
            pl.BlockSpec((1, HID), lambda i: (0, 0)),
            pl.BlockSpec((HID, HID), lambda i: (0, 0)),
            pl.BlockSpec((1, HID), lambda i: (0, 0)),
        ],
        out_specs=pl.BlockSpec((BLK, HID), lambda i: (i, 0)),
        out_shape=jax.ShapeDtypeStruct((B, HID), jnp.float32),
    )(sums, ids, W1, b1, W2, b2)


@jax.jit
def kernel(input_ids, table, W1, b1, W2, b2):
    ids = input_ids.astype(jnp.int32)
    ids_flat = _sc_repack_ids(ids)
    sums = _sc_pool_sums(ids_flat, table)
    return _tc_mlp(sums, ids, W1, b1.reshape(1, HID), W2, b2.reshape(1, HID))

# --- scband reference (transcript-rebuilt; emitter-appended) ---
"""Pipeline reference for scband-tower-60069412602133 (READ-ONLY COPY).

The authoritative reference and input builder live on the scoring server;
editing this copy changes nothing except your own understanding.
"""

import jax, jax.numpy as jnp
import numpy as np

VOCAB = 1000000
EMB = 64
HID = 128
B = 16384
L = 200


def setup_inputs(seed: int = 0) -> dict:
    key = jax.random.key(seed)
    k1, k2, k3, k4 = jax.random.split(key, 4)
    input_ids = jax.random.randint(k1, (B, L), 0, VOCAB, dtype=jnp.int64 if jax.config.jax_enable_x64 else jnp.int32)
    table = jax.random.normal(k2, (VOCAB, EMB), dtype=jnp.float32)
    table = table.at[0].set(0.0)  # padding_idx=0
    W1 = jax.random.normal(k3, (EMB, HID), dtype=jnp.float32) * 0.05
    b1 = jnp.zeros((HID,), dtype=jnp.float32)
    W2 = jax.random.normal(k4, (HID, HID), dtype=jnp.float32) * 0.05
    b2 = jnp.zeros((HID,), dtype=jnp.float32)
    return {"input_ids": input_ids, "table": table, "W1": W1, "b1": b1, "W2": W2, "b2": b2}


def reference(input_ids, table, W1, b1, W2, b2):
    mask = (input_ids > 0).astype(jnp.float32)[..., None]          # [B, L, 1]
    embeddings = jnp.take(table, input_ids, axis=0) * mask          # [B, L, EMB]
    pooled = embeddings.sum(axis=1) / (mask.sum(axis=1) + 1e-09)    # [B, EMB]
    h = jnp.maximum(pooled @ W1 + b1, 0.0)                          # [B, HID]
    out = h @ W2 + b2                                               # [B, HID]
    norm = jnp.maximum(jnp.linalg.norm(out, axis=-1, keepdims=True), 1e-12)
    return out / norm

if __name__ == "__main__":
    import jax
    _d = setup_inputs()
    print(jax.jit(kernel)(*tuple(_d.values())))

</pallas_src>

<mosaic_0001>
#map = affine_map<(d0, d1) -> (0, 0)>
#map1 = affine_map<(d0, d1) -> (0)>
module attributes {stable_mosaic.version = 14 : i64} {
  func.func @k(%arg0: i32, %arg1: i32, %arg2: memref<16384x200xi32, #tpu.memory_space<hbm>>, %arg3: memref<3276800xi32, #tpu.memory_space<hbm>>, %arg4: memref<8x128xi32, #tpu.memory_space<vmem>>, %arg5: memref<8x72xi32, #tpu.memory_space<vmem>>, %arg6: memref<1600xi32, #tpu.memory_space<vmem>>) attributes {dimension_semantics = [#tpu.dimension_semantics<core_parallel>, #tpu.dimension_semantics<subcore_parallel>], iteration_bounds = array<i64: 2, 16>, scalar_prefetch = 0 : i64, scratch_operands = 3 : i64, tpu.core_type = #tpu.core_type<sc_vector_subcore>, window_params = [{transform_indices = #map}, {transform_indices = #map1}]} {
    %mul3A = arith.constant 2 : i32
    %mul3A_0 = arith.muli %arg1, %mul3A : i32
    %add3A = arith.addi %mul3A_0, %arg0 : i32
    %mul3A_1 = arith.constant 512 : i32
    %mul3A_2 = arith.muli %add3A, %mul3A_1 : i32
    %scan3A = arith.constant 0 : i32
    %scan3A_3 = arith.constant 64 : i32
    %scan3A_4 = arith.addi %scan3A, %scan3A_3 : i32
    %scan3A_5 = arith.constant 1 : i32
    scf.for %scan3A_7 = %scan3A to %scan3A_4 step %scan3A_5  : i32 {
      %mul3A_8 = arith.constant 1 : i32
      %mul3A_9 = arith.muli %scan3A_7, %mul3A_8 : i32
      %add3A_10 = arith.constant 0 : i32
      %add3A_11 = arith.addi %add3A_10, %mul3A_9 : i32
      %mul3A_12 = arith.constant 8 : i32
      %mul3A_13 = arith.muli %add3A_11, %mul3A_12 : i32
      %add3A_14 = arith.addi %mul3A_2, %mul3A_13 : i32
      "tpu.region"() ({
        %run_scoped3A = tpu.sem_alloc : memref<!tpu.dma_semaphore, #tpu.memory_space<semaphore_mem>>
        %dma_start3A = arith.constant 0 : i32
        %dma_start3A_951 = tpu.memref_slice %arg2[%add3A_14, %dma_start3A] : memref<16384x200xi32, #tpu.memory_space<hbm>> -> memref<8x128xi32, #tpu.memory_space<hbm>>
        %dma_start3A_952 = arith.constant 0 : i32
        %dma_start3A_953 = tpu.memref_slice %arg2[%add3A_14, %dma_start3A_952] : memref<16384x200xi32, #tpu.memory_space<hbm>> -> memref<8x128xi32, #tpu.memory_space<hbm>>
        tpu.enqueue_dma source(%dma_start3A_953 : memref<8x128xi32, #tpu.memory_space<hbm>>) target(%arg4 : memref<8x128xi32, #tpu.memory_space<vmem>>) target_semaphore(%run_scoped3A : memref<!tpu.dma_semaphore, #tpu.memory_space<semaphore_mem>>)
        %dma_wait3A = arith.constant 0 : i32
        %dma_wait3A_954 = tpu.memref_slice %arg2[%add3A_14, %dma_wait3A] : memref<16384x200xi32, #tpu.memory_space<hbm>> -> memref<8x128xi32, #tpu.memory_space<hbm>>
        %dma_wait3A_955 = arith.constant 0 : i32
        %dma_wait3A_956 = tpu.memref_slice %arg2[%add3A_14, %dma_wait3A_955] : memref<16384x200xi32, #tpu.memory_space<hbm>> -> memref<8x128xi32, #tpu.memory_space<hbm>>
        tpu.wait_dma2 semaphore(%run_scoped3A : memref<!tpu.dma_semaphore, #tpu.memory_space<semaphore_mem>>) src(%dma_wait3A_956 : memref<8x128xi32, #tpu.memory_space<hbm>>) dst(%arg4 : memref<8x128xi32, #tpu.memory_space<vmem>>)
        tpu.yield
      }) : () -> ()
      "tpu.region"() ({
        %run_scoped3A = tpu.sem_alloc : memref<!tpu.dma_semaphore, #tpu.memory_space<semaphore_mem>>
        %dma_start3A = arith.constant 128 : i32
        %dma_start3A_951 = tpu.memref_slice %arg2[%add3A_14, %dma_start3A] : memref<16384x200xi32, #tpu.memory_space<hbm>> -> memref<8x72xi32, #tpu.memory_space<hbm>>
        %dma_start3A_952 = arith.constant 128 : i32
        %dma_start3A_953 = tpu.memref_slice %arg2[%add3A_14, %dma_start3A_952] : memref<16384x200xi32, #tpu.memory_space<hbm>> -> memref<8x72xi32, #tpu.memory_space<hbm>>
        tpu.enqueue_dma source(%dma_start3A_953 : memref<8x72xi32, #tpu.memory_space<hbm>>) target(%arg5 : memref<8x72xi32, #tpu.memory_space<vmem>>) target_semaphore(%run_scoped3A : memref<!tpu.dma_semaphore, #tpu.memory_space<semaphore_mem>>)
        %dma_wait3A = arith.constant 128 : i32
        %dma_wait3A_954 = tpu.memref_slice %arg2[%add3A_14, %dma_wait3A] : memref<16384x200xi32, #tpu.memory_space<hbm>> -> memref<8x72xi32, #tpu.memory_space<hbm>>
        %dma_wait3A_955 = arith.constant 128 : i32
        %dma_wait3A_956 = tpu.memref_slice %arg2[%add3A_14, %dma_wait3A_955] : memref<16384x200xi32, #tpu.memory_space<hbm>> -> memref<8x72xi32, #tpu.memory_space<hbm>>
        tpu.wait_dma2 semaphore(%run_scoped3A : memref<!tpu.dma_semaphore, #tpu.memory_space<semaphore_mem>>) src(%dma_wait3A_956 : memref<8x72xi32, #tpu.memory_space<hbm>>) dst(%arg5 : memref<8x72xi32, #tpu.memory_space<vmem>>)
        tpu.yield
      }) : () -> ()
      %get3A = arith.constant 0 : i32
      %get3A_15 = arith.index_cast %get3A : i32 to index
      %get3A_16 = arith.constant 0 : index
      %get3A_17 = tpu.vector_load %arg4[%get3A_15, %get3A_16] {strides = array<i32>} : memref<8x128xi32, #tpu.memory_space<vmem>>, vector<1x16xi32>,
      %get3A_18 = vector.shape_cast %get3A_17 : vector<1x16xi32> to vector<16xi32>
      %swap3A = arith.constant 0 : index
      %swap3A_19 = tpu.vector_load %arg6[%swap3A] {strides = array<i32>} : memref<1600xi32, #tpu.memory_space<vmem>>, vector<16xi32>,
      %swap3A_20 = vector.shape_cast %swap3A_19 : vector<16xi32> to vector<16xi32>
      %swap3A_21 = vector.shape_cast %get3A_18 : vector<16xi32> to vector<16xi32>
      tpu.vector_store %arg6[%swap3A], %swap3A_21 {strides = array<i32>} : memref<1600xi32, #tpu.memory_space<vmem>>, vector<16xi32>,
      %get3A_22 = arith.constant 0 : i32
      %get3A_23 = arith.index_cast %get3A_22 : i32 to index
      %get3A_24 = arith.constant 16 : index
      %get3A_25 = tpu.vector_load %arg4[%get3A_23, %get3A_24] {strides = array<i32>} : memref<8x128xi32, #tpu.memory_space<vmem>>, vector<1x16xi32>,
      %get3A_26 = vector.shape_cast %get3A_25 : vector<1x16xi32> to vector<16xi32>
      %swap3A_27 = arith.constant 16 : index
      %swap3A_28 = tpu.vector_load %arg6[%swap3A_27] {strides = array<i32>} : memref<1600xi32, #tpu.memory_space<vmem>>, vector<16xi32>,
      %swap3A_29 = vector.shape_cast %swap3A_28 : vector<16xi32> to vector<16xi32>
      %swap3A_30 = vector.shape_cast %get3A_26 : vector<16xi32> to vector<16xi32>
      tpu.vector_store %arg6[%swap3A_27], %swap3A_30 {strides = array<i32>} : memref<1600xi32, #tpu.memory_space<vmem>>, vector<16xi32>,
      %get3A_31 = arith.constant 0 : i32
      %get3A_32 = arith.index_cast %get3A_31 : i32 to index
      %get3A_33 = arith.constant 32 : index
      %get3A_34 = tpu.vector_load %arg4[%get3A_32, %get3A_33] {strides = array<i32>} : memref<8x128xi32, #tpu.memory_space<vmem>>, vector<1x16xi32>,
      %get3A_35 = vector.shape_cast %get3A_34 : vector<1x16xi32> to vector<16xi32>
      %swap3A_36 = arith.constant 32 : index
      %swap3A_37 = tpu.vector_load %arg6[%swap3A_36] {strides = array<i32>} : memref<1600xi32, #tpu.memory_space<vmem>>, vector<16xi32>,
      %swap3A_38 = vector.shape_cast %swap3A_37 : vector<16xi32> to vector<16xi32>
      %swap3A_39 = vector.shape_cast %get3A_35 : vector<16xi32> to vector<16xi32>
      tpu.vector_store %arg6[%swap3A_36], %swap3A_39 {strides = array<i32>} : memref<1600xi32, #tpu.memory_space<vmem>>, vector<16xi32>,
      %get3A_40 = arith.constant 0 : i32
      %get3A_41 = arith.index_cast %get3A_40 : i32 to index
      %get3A_42 = arith.constant 48 : index
      %get3A_43 = tpu.vector_load %arg4[%get3A_41, %get3A_42] {strides = array<i32>} : memref<8x128xi32, #tpu.memory_space<vmem>>, vector<1x16xi32>,
      %get3A_44 = vector.shape_cast %get3A_43 : vector<1x16xi32> to vector<16xi32>
      %swap3A_45 = arith.constant 48 : index
      %swap3A_46 = tpu.vector_load %arg6[%swap3A_45] {strides = array<i32>} : memref<1600xi32, #tpu.memory_space<vmem>>, vector<16xi32>,
      %swap3A_47 = vector.shape_cast %swap3A_46 : vector<16xi32> to vector<16xi32>
      %swap3A_48 = vector.shape_cast %get3A_44 : vector<16xi32> to vector<16xi32>
      tpu.vector_store %arg6[%swap3A_45], %swap3A_48 {strides = array<i32>} : memref<1600xi32, #tpu.memory_space<vmem>>, vector<16xi32>,
      %get3A_49 = arith.constant 0 : i32
      %get3A_50 = arith.index_cast %get3A_49 : i32 to index
      %get3A_51 = arith.constant 64 : index
      %get3A_52 = tpu.vector_load %arg4[%get3A_50, %get3A_51] {strides = array<i32>} : memref<8x128xi32, #tpu.memory_space<vmem>>, vector<1x16xi32>,
      %get3A_53 = vector.shape_cast %get3A_52 : vector<1x16xi32> to vector<16xi32>
      %swap3A_54 = arith.constant 64 : index
      %swap3A_55 = tpu.vector_load %arg6[%swap3A_54] {strides = array<i32>} : memref<1600xi32, #tpu.memory_space<vmem>>, vector<16xi32>,
      %swap3A_56 = vector.shape_cast %swap3A_55 : vector<16xi32> to vector<16xi32>
      %swap3A_57 = vector.shape_cast %get3A_53 : vector<16xi32> to vector<16xi32>
      tpu.vector_store %arg6[%swap3A_54], %swap3A_57 {strides = array<i32>} : memref<1600xi32, #tpu.memory_space<vmem>>, vector<16xi32>,
      %get3A_58 = arith.constant 0 : i32
      %get3A_59 = arith.index_cast %get3A_58 : i32 to index
      %get3A_60 = arith.constant 80 : index
      %get3A_61 = tpu.vector_load %arg4[%get3A_59, %get3A_60] {strides = array<i32>} : memref<8x128xi32, #tpu.memory_space<vmem>>, vector<1x16xi32>,
      %get3A_62 = vector.shape_cast %get3A_61 : vector<1x16xi32> to vector<16xi32>
      %swap3A_63 = arith.constant 80 : index
      %swap3A_64 = tpu.vector_load %arg6[%swap3A_63] {strides = array<i32>} : memref<1600xi32, #tpu.memory_space<vmem>>, vector<16xi32>,
      %swap3A_65 = vector.shape_cast %swap3A_64 : vector<16xi32> to vector<16xi32>
      %swap3A_66 = vector.shape_cast %get3A_62 : vector<16xi32> to vector<16xi32>
      tpu.vector_store %arg6[%swap3A_63], %swap3A_66 {strides = array<i32>} : memref<1600xi32, #tpu.memory_space<vmem>>, vector<16xi32>,
      %get3A_67 = arith.constant 0 : i32
      %get3A_68 = arith.index_cast %get3A_67 : i32 to index
      %get3A_69 = arith.constant 96 : index
      %get3A_70 = tpu.vector_load %arg4[%get3A_68, %get3A_69] {strides = array<i32>} : memref<8x128xi32, #tpu.memory_space<vmem>>, vector<1x16xi32>,
      %get3A_71 = vector.shape_cast %get3A_70 : vector<1x16xi32> to vector<16xi32>
      %swap3A_72 = arith.constant 96 : index
      %swap3A_73 = tpu.vector_load %arg6[%swap3A_72] {strides = array<i32>} : memref<1600xi32, #tpu.memory_space<vmem>>, vector<16xi32>,
      %swap3A_74 = vector.shape_cast %swap3A_73 : vector<16xi32> to vector<16xi32>
      %swap3A_75 = vector.shape_cast %get3A_71 : vector<16xi32> to vector<16xi32>
      tpu.vector_store %arg6[%swap3A_72], %swap3A_75 {strides = array<i32>} : memref<1600xi32, #tpu.memory_space<vmem>>, vector<16xi32>,
      %get3A_76 = arith.constant 0 : i32
      %get3A_77 = arith.index_cast %get3A_76 : i32 to index
      %get3A_78 = arith.constant 112 : index
      %get3A_79 = tpu.vector_load %arg4[%get3A_77, %get3A_78] {strides = array<i32>} : memref<8x128xi32, #tpu.memory_space<vmem>>, vector<1x16xi32>,
      %get3A_80 = vector.shape_cast %get3A_79 : vector<1x16xi32> to vector<16xi32>
      %swap3A_81 = arith.constant 112 : index
      %swap3A_82 = tpu.vector_load %arg6[%swap3A_81] {strides = array<i32>} : memref<1600xi32, #tpu.memory_space<vmem>>, vector<16xi32>,
      %swap3A_83 = vector.shape_cast %swap3A_82 : vector<16xi32> to vector<16xi32>
      %swap3A_84 = vector.shape_cast %get3A_80 : vector<16xi32> to vector<16xi32>
      tpu.vector_store %arg6[%swap3A_81], %swap3A_84 {strides = array<i32>} : memref<1600xi32, #tpu.memory_space<vmem>>, vector<16xi32>,
      %get3A_85 = arith.constant 0 : i32
      %get3A_86 = arith.index_cast %get3A_85 : i32 to index
      %get3A_87 = arith.constant 0 : index
      %get3A_88 = tpu.vector_load %arg5[%get3A_86, %get3A_87] {strides = array<i32>} : memref<8x72xi32, #tpu.memory_space<vmem>>, vector<1x16xi32>,
      %get3A_89 = vector.shape_cast %get3A_88 : vector<1x16xi32> to vector<16xi32>
      %swap3A_90 = arith.constant 128 : index
      %swap3A_91 = tpu.vector_load %arg6[%swap3A_90] {strides = array<i32>} : memref<1600xi32, #tpu.memory_space<vmem>>, vector<16xi32>,
      %swap3A_92 = vector.shape_cast %swap3A_91 : vector<16xi32> to vector<16xi32>
      %swap3A_93 = vector.shape_cast %get3A_89 : vector<16xi32> to vector<16xi32>
      tpu.vector_store %arg6[%swap3A_90], %swap3A_93 {strides = array<i32>} : memref<1600xi32, #tpu.memory_space<vmem>>, vector<16xi32>,
      %get3A_94 = arith.constant 0 : i32
      %get3A_95 = arith.index_cast %get3A_94 : i32 to index
      %get3A_96 = arith.constant 16 : index
      %get3A_97 = tpu.vector_load %arg5[%get3A_95, %get3A_96] {strides = array<i32>} : memref<8x72xi32, #tpu.memory_space<vmem>>, vector<1x16xi32>,
      %get3A_98 = vector.shape_cast %get3A_97 : vector<1x16xi32> to vector<16xi32>
      %swap3A_99 = arith.constant 144 : index
      %swap3A_100 = tpu.vector_load %arg6[%swap3A_99] {strides = array<i32>} : memref<1600xi32, #tpu.memory_space<vmem>>, vector<16xi32>,
      %swap3A_101 = vector.shape_cast %swap3A_100 : vector<16xi32> to vector<16xi32>
      %swap3A_102 = vector.shape_cast %get3A_98 : vector<16xi32> to vector<16xi32>
      tpu.vector_store %arg6[%swap3A_99], %swap3A_102 {strides = array<i32>} : memref<1600xi32, #tpu.memory_space<vmem>>, vector<16xi32>,
      %get3A_103 = arith.constant 0 : i32
      %get3A_104 = arith.index_cast %get3A_103 : i32 to index
      %get3A_105 = arith.constant 32 : index
      %get3A_106 = tpu.vector_load %arg5[%get3A_104, %get3A_105] {strides = array<i32>} : memref<8x72xi32, #tpu.memory_space<vmem>>, vector<1x16xi32>,
      %get3A_107 = vector.shape_cast %get3A_106 : vector<1x16xi32> to vector<16xi32>
      %swap3A_108 = arith.constant 160 : index
      %swap3A_109 = tpu.vector_load %arg6[%swap3A_108] {strides = array<i32>} : memref<1600xi32, #tpu.memory_space<vmem>>, vector<16xi32>,
      %swap3A_110 = vector.shape_cast %swap3A_109 : vector<16xi32> to vector<16xi32>
      %swap3A_111 = vector.shape_cast %get3A_107 : vector<16xi32> to vector<16xi32>
      tpu.vector_store %arg6[%swap3A_108], %swap3A_111 {strides = array<i32>} : memref<1600xi32, #tpu.memory_space<vmem>>, vector<16xi32>,
      %get3A_112 = arith.constant 0 : i32
      %get3A_113 = arith.index_cast %get3A_112 : i32 to index
      %get3A_114 = arith.constant 48 : index
      %get3A_115 = tpu.vector_load %arg5[%get3A_113, %get3A_114] {strides = array<i32>} : memref<8x72xi32, #tpu.memory_space<vmem>>, vector<1x16xi32>,
      %get3A_116 = vector.shape_cast %get3A_115 : vector<1x16xi32> to vector<16xi32>
      %swap3A_117 = arith.constant 176 : index
      %swap3A_118 = tpu.vector_load %arg6[%swap3A_117] {strides = array<i32>} : memref<1600xi32, #tpu.memory_space<vmem>>, vector<16xi32>,
      %swap3A_119 = vector.shape_cast %swap3A_118 : vector<16xi32> to vector<16xi32>
      %swap3A_120 = vector.shape_cast %get3A_116 : vector<16xi32> to vector<16xi32>
      tpu.vector_store %arg6[%swap3A_117], %swap3A_120 {strides = array<i32>} : memref<1600xi32, #tpu.memory_space<vmem>>, vector<16xi32>,
      %get3A_121 = arith.constant 0 : i32
      %get3A_122 = arith.index_cast %get3A_121 : i32 to index
      %get3A_123 = arith.constant 56 : index
      %get3A_124 = tpu.vector_load %arg5[%get3A_122, %get3A_123] {strides = array<i32>} : memref<8x72xi32, #tpu.memory_space<vmem>>, vector<1x16xi32>,
      %get3A_125 = vector.shape_cast %get3A_124 : vector<1x16xi32> to vector<16xi32>
      %swap3A_126 = arith.constant 184 : index
      %swap3A_127 = tpu.vector_load %arg6[%swap3A_126] {strides = array<i32>} : memref<1600xi32, #tpu.memory_space<vmem>>, vector<16xi32>,
      %swap3A_128 = vector.shape_cast %swap3A_127 : vector<16xi32> to vector<16xi32>
      %swap3A_129 = vector.shape_cast %get3A_125 : vector<16xi32> to vector<16xi32>
      tpu.vector_store %arg6[%swap3A_126], %swap3A_129 {strides = array<i32>} : memref<1600xi32, #tpu.memory_space<vmem>>, vector<16xi32>,
      %get3A_130 = arith.constant 1 : i32
      %get3A_131 = arith.index_cast %get3A_130 : i32 to index
      %get3A_132 = arith.constant 0 : index
      %get3A_133 = tpu.vector_load %arg4[%get3A_131, %get3A_132] {strides = array<i32>} : memref<8x128xi32, #tpu.memory_space<vmem>>, vector<1x16xi32>,
      %get3A_134 = vector.shape_cast %get3A_133 : vector<1x16xi32> to vector<16xi32>
      %swap3A_135 = arith.constant 200 : index
      %swap3A_136 = tpu.vector_load %arg6[%swap3A_135] {strides = array<i32>} : memref<1600xi32, #tpu.memory_space<vmem>>, vector<16xi32>,
      %swap3A_137 = vector.shape_cast %swap3A_136 : vector<16xi32> to vector<16xi32>
      %swap3A_138 = vector.shape_cast %get3A_134 : vector<16xi32> to vector<16xi32>
      tpu.vector_store %arg6[%swap3A_135], %swap3A_138 {strides = array<i32>} : memref<1600xi32, #tpu.memory_space<vmem>>, vector<16xi32>,
      %get3A_139 = arith.constant 1 : i32
      %get3A_140 = arith.index_cast %get3A_139 : i32 to index
      %get3A_141 = arith.constant 16 : index
      %get3A_142 = tpu.vector_load %arg4[%get3A_140, %get3A_141] {strides = array<i32>} : memref<8x128xi32, #tpu.memory_space<vmem>>, vector<1x16xi32>,
      %get3A_143 = vector.shape_cast %get3A_142 : vector<1x16xi32> to vector<16xi32>
      %swap3A_144 = arith.constant 216 : index
      %swap3A_145 = tpu.vector_load %arg6[%swap3A_144] {strides = array<i32>} : memref<1600xi32, #tpu.memory_space<vmem>>, vector<16xi32>,
      %swap3A_146 = vector.shape_cast %swap3A_145 : vector<16xi32> to vector<16xi32>
      %swap3A_147 = vector.shape_cast %get3A_143 : vector<16xi32> to vector<16xi32>
      tpu.vector_store %arg6[%swap3A_144], %swap3A_147 {strides = array<i32>} : memref<1600xi32, #tpu.memory_space<vmem>>, vector<16xi32>,
      %get3A_148 = arith.constant 1 : i32
      %get3A_149 = arith.index_cast %get3A_148 : i32 to index
      %get3A_150 = arith.constant 32 : index
      %get3A_151 = tpu.vector_load %arg4[%get3A_149, %get3A_150] {strides = array<i32>} : memref<8x128xi32, #tpu.memory_space<vmem>>, vector<1x16xi32>,
      %get3A_152 = vector.shape_cast %get3A_151 : vector<1x16xi32> to vector<16xi32>
      %swap3A_153 = arith.constant 232 : index
      %swap3A_154 = tpu.vector_load %arg6[%swap3A_153] {strides = array<i32>} : memref<1600xi32, #tpu.memory_space<vmem>>, vector<16xi32>,
      %swap3A_155 = vector.shape_cast %swap3A_154 : vector<16xi32> to vector<16xi32>
      %swap3A_156 = vector.shape_cast %get3A_152 : vector<16xi32> to vector<16xi32>
      tpu.vector_store %arg6[%swap3A_153], %swap3A_156 {strides = array<i32>} : memref<1600xi32, #tpu.memory_space<vmem>>, vector<16xi32>,
      %get3A_157 = arith.constant 1 : i32
      %get3A_158 = arith.index_cast %get3A_157 : i32 to index
      %get3A_159 = arith.constant 48 : index
      %get3A_160 = tpu.vector_load %arg4[%get3A_158, %get3A_159] {strides = array<i32>} : memref<8x128xi32, #tpu.memory_space<vmem>>, vector<1x16xi32>,
      %get3A_161 = vector.shape_cast %get3A_160 : vector<1x16xi32> to vector<16xi32>
      %swap3A_162 = arith.constant 248 : index
      %swap3A_163 = tpu.vector_load %arg6[%swap3A_162] {strides = array<i32>} : memref<1600xi32, #tpu.memory_space<vmem>>, vector<16xi32>,
      %swap3A_164 = vector.shape_cast %swap3A_163 : vector<16xi32> to vector<16xi32>
      %swap3A_165 = vector.shape_cast %get3A_161 : vector<16xi32> to vector<16xi32>
      tpu.vector_store %arg6[%swap3A_162], %swap3A_165 {strides = array<i32>} : memref<1600xi32, #tpu.memory_space<vmem>>, vector<16xi32>,
      %get3A_166 = arith.constant 1 : i32
      %get3A_167 = arith.index_cast %get3A_166 : i32 to index
      %get3A_168 = arith.constant 64 : index
      %get3A_169 = tpu.vector_load %arg4[%get3A_167, %get3A_168] {strides = array<i32>} : memref<8x128xi32, #tpu.memory_space<vmem>>, vector<1x16xi32>,
      %get3A_170 = vector.shape_cast %get3A_169 : vector<1x16xi32> to vector<16xi32>
      %swap3A_171 = arith.constant 264 : index
      %swap3A_172 = tpu.vector_load %arg6[%swap3A_171] {strides = array<i32>} : memref<1600xi32, #tpu.memory_space<vmem>>, vector<16xi32>,
      %swap3A_173 = vector.shape_cast %swap3A_172 : vector<16xi32> to vector<16xi32>
      %swap3A_174 = vector.shape_cast %get3A_170 : vector<16xi32> to vector<16xi32>
      tpu.vector_store %arg6[%swap3A_171], %swap3A_174 {strides = array<i32>} : memref<1600xi32, #tpu.memory_space<vmem>>, vector<16xi32>,
      %get3A_175 = arith.constant 1 : i32
      %get3A_176 = arith.index_cast %get3A_175 : i32 to index
      %get3A_177 = arith.constant 80 : index
      %get3A_178 = tpu.vector_load %arg4[%get3A_176, %get3A_177] {strides = array<i32>} : memref<8x128xi32, #tpu.memory_space<vmem>>, vector<1x16xi32>,
      %get3A_179 = vector.shape_cast %get3A_178 : vector<1x16xi32> to vector<16xi32>
      %swap3A_180 = arith.constant 280 : index
      %swap3A_181 = tpu.vector_load %arg6[%swap3A_180] {strides = array<i32>} : memref<1600xi32, #tpu.memory_space<vmem>>, vector<16xi32>,
      %swap3A_182 = vector.shape_cast %swap3A_181 : vector<16xi32> to vector<16xi32>
      %swap3A_183 = vector.shape_cast %get3A_179 : vector<16xi32> to vector<16xi32>
      tpu.vector_store %arg6[%swap3A_180], %swap3A_183 {strides = array<i32>} : memref<1600xi32, #tpu.memory_space<vmem>>, vector<16xi32>,
      %get3A_184 = arith.constant 1 : i32
      %get3A_185 = arith.index_cast %get3A_184 : i32 to index
      %get3A_186 = arith.constant 96 : index
      %get3A_187 = tpu.vector_load %arg4[%get3A_185, %get3A_186] {strides = array<i32>} : memref<8x128xi32, #tpu.memory_space<vmem>>, vector<1x16xi32>,
      %get3A_188 = vector.shape_cast %get3A_187 : vector<1x16xi32> to vector<16xi32>
      %swap3A_189 = arith.constant 296 : index
      %swap3A_190 = tpu.vector_load %arg6[%swap3A_189] {strides = array<i32>} : memref<1600xi32, #tpu.memory_space<vmem>>, vector<16xi32>,
      %swap3A_191 = vector.shape_cast %swap3A_190 : vector<16xi32> to vector<16xi32>
      %swap3A_192 = vector.shape_cast %get3A_188 : vector<16xi32> to vector<16xi32>
      tpu.vector_store %arg6[%swap3A_189], %swap3A_192 {strides = array<i32>} : memref<1600xi32, #tpu.memory_space<vmem>>, vector<16xi32>,
      %get3A_193 = arith.constant 1 : i32
      %get3A_194 = arith.index_cast %get3A_193 : i32 to index
      %get3A_195 = arith.constant 112 : index
      %get3A_196 = tpu.vector_load %arg4[%get3A_194, %get3A_195] {strides = array<i32>} : memref<8x128xi32, #tpu.memory_space<vmem>>, vector<1x16xi32>,
      %get3A_197 = vector.shape_cast %get3A_196 : vector<1x16xi32> to vector<16xi32>
      %swap3A_198 = arith.constant 312 : index
      %swap3A_199 = tpu.vector_load %arg6[%swap3A_198] {strides = array<i32>} : memref<1600xi32, #tpu.memory_space<vmem>>, vector<16xi32>,
      %swap3A_200 = vector.shape_cast %swap3A_199 : vector<16xi32> to vector<16xi32>
      %swap3A_201 = vector.shape_cast %get3A_197 : vector<16xi32> to vector<16xi32>
      tpu.vector_store %arg6[%swap3A_198], %swap3A_201 {strides = array<i32>} : memref<1600xi32, #tpu.memory_space<vmem>>, vector<16xi32>,
      %get3A_202 = arith.constant 1 : i32
      %get3A_203 = arith.index_cast %get3A_202 : i32 to index
      %get3A_204 = arith.constant 0 : index
      %get3A_205 = tpu.vector_load %arg5[%get3A_203, %get3A_204] {strides = array<i32>} : memref<8x72xi32, #tpu.memory_space<vmem>>, vector<1x16xi32>,
      %get3A_206 = vector.shape_cast %get3A_205 : vector<1x16xi32> to vector<16xi32>
      %swap3A_207 = arith.constant 328 : index
      %swap3A_208 = tpu.vector_load %arg6[%swap3A_207] {strides = array<i32>} : memref<1600xi32, #tpu.memory_space<vmem>>, vector<16xi32>,
      %swap3A_209 = vector.shape_cast %swap3A_208 : vector<16xi32> to vector<16xi32>
      %swap3A_210 = vector.shape_cast %get3A_206 : vector<16xi32> to vector<16xi32>
      tpu.vector_store %arg6[%swap3A_207], %swap3A_210 {strides = array<i32>} : memref<1600xi32, #tpu.memory_space<vmem>>, vector<16xi32>,
      %get3A_211 = arith.constant 1 : i32
      %get3A_212 = arith.index_cast %get3A_211 : i32 to index
      %get3A_213 = arith.constant 16 : index
      %get3A_214 = tpu.vector_load %arg5[%get3A_212, %get3A_213] {strides = array<i32>} : memref<8x72xi32, #tpu.memory_space<vmem>>, vector<1x16xi32>,
      %get3A_215 = vector.shape_cast %get3A_214 : vector<1x16xi32> to vector<16xi32>
      %swap3A_216 = arith.constant 344 : index
      %swap3A_217 = tpu.vector_load %arg6[%swap3A_216] {strides = array<i32>} : memref<1600xi32, #tpu.memory_space<vmem>>, vector<16xi32>,
      %swap3A_218 = vector.shape_cast %swap3A_217 : vector<16xi32> to vector<16xi32>
      %swap3A_219 = vector.shape_cast %get3A_215 : vector<16xi32> to vector<16xi32>
      tpu.vector_store %arg6[%swap3A_216], %swap3A_219 {strides = array<i32>} : memref<1600xi32, #tpu.memory_space<vmem>>, vector<16xi32>,
      %get3A_220 = arith.constant 1 : i32
      %get3A_221 = arith.index_cast %get3A_220 : i32 to index
      %get3A_222 = arith.constant 32 : index
      %get3A_223 = tpu.vector_load %arg5[%get3A_221, %get3A_222] {strides = array<i32>} : memref<8x72xi32, #tpu.memory_space<vmem>>, vector<1x16xi32>,
      %get3A_224 = vector.shape_cast %get3A_223 : vector<1x16xi32> to vector<16xi32>
      %swap3A_225 = arith.constant 360 : index
      %swap3A_226 = tpu.vector_load %arg6[%swap3A_225] {strides = array<i32>} : memref<1600xi32, #tpu.memory_space<vmem>>, vector<16xi32>,
      %swap3A_227 = vector.shape_cast %swap3A_226 : vector<16xi32> to vector<16xi32>
      %swap3A_228 = vector.shape_cast %get3A_224 : vector<16xi32> to vector<16xi32>
      tpu.vector_store %arg6[%swap3A_225], %swap3A_228 {strides = array<i32>} : memref<1600xi32, #tpu.memory_space<vmem>>, vector<16xi32>,
      %get3A_229 = arith.constant 1 : i32
      %get3A_230 = arith.index_cast %get3A_229 : i32 to index
      %get3A_231 = arith.constant 48 : index
      %get3A_232 = tpu.vector_load %arg5[%get3A_230, %get3A_231] {strides = array<i32>} : memref<8x72xi32, #tpu.memory_space<vmem>>, vector<1x16xi32>,
      %get3A_233 = vector.shape_cast %get3A_232 : vector<1x16xi32> to vector<16xi32>
      %swap3A_234 = arith.constant 376 : index
      %swap3A_235 = tpu.vector_load %arg6[%swap3A_234] {strides = array<i32>} : memref<1600xi32, #tpu.memory_space<vmem>>, vector<16xi32>,
      %swap3A_236 = vector.shape_cast %swap3A_235 : vector<16xi32> to vector<16xi32>
      %swap3A_237 = vector.shape_cast %get3A_233 : vector<16xi32> to vector<16xi32>
      tpu.vector_store %arg6[%swap3A_234], %swap3A_237 {strides = array<i32>} : memref<1600xi32, #tpu.memory_space<vmem>>, vector<16xi32>,
      %get3A_238 = arith.constant 1 : i32
      %get3A_239 = arith.index_cast %get3A_238 : i32 to index
      %get3A_240 = arith.constant 56 : index
      %get3A_241 = tpu.vector_load %arg5[%get3A_239, %get3A_240] {strides = array<i32>} : memref<8x72xi32, #tpu.memory_space<vmem>>, vector<1x16xi32>,
      %get3A_242 = vector.shape_cast %get3A_241 : vector<1x16xi32> to vector<16xi32>
      %swap3A_243 = arith.constant 384 : index
      %swap3A_244 = tpu.vector_load %arg6[%swap3A_243] {strides = array<i32>} : memref<1600xi32, #tpu.memory_space<vmem>>, vector<16xi32>,
      %swap3A_245 = vector.shape_cast %swap3A_244 : vector<16xi32> to vector<16xi32>
      %swap3A_246 = vector.shape_cast %get3A_242 : vector<16xi32> to vector<16xi32>
      tpu.vector_store %arg6[%swap3A_243], %swap3A_246 {strides = array<i32>} : memref<1600xi32, #tpu.memory_space<vmem>>, vector<16xi32>,
      %get3A_247 = arith.constant 2 : i32
      %get3A_248 = arith.index_cast %get3A_247 : i32 to index
      %get3A_249 = arith.constant 0 : index
      %get3A_250 = tpu.vector_load %arg4[%get3A_248, %get3A_249] {strides = array<i32>} : memref<8x128xi32, #tpu.memory_space<vmem>>, vector<1x16xi32>,
      %get3A_251 = vector.shape_cast %get3A_250 : vector<1x16xi32> to vector<16xi32>
      %swap3A_252 = arith.constant 400 : index
      %swap3A_253 = tpu.vector_load %arg6[%swap3A_252] {strides = array<i32>} : memref<1600xi32, #tpu.memory_space<vmem>>, vector<16xi32>,
      %swap3A_254 = vector.shape_cast %swap3A_253 : vector<16xi32> to vector<16xi32>
      %swap3A_255 = vector.shape_cast %get3A_251 : vector<16xi32> to vector<16xi32>
      tpu.vector_store %arg6[%swap3A_252], %swap3A_255 {strides = array<i32>} : memref<1600xi32, #tpu.memory_space<vmem>>, vector<16xi32>,
      %get3A_256 = arith.constant 2 : i32
      %get3A_257 = arith.index_cast %get3A_256 : i32 to index
      %get3A_258 = arith.constant 16 : index
      %get3A_259 = tpu.vector_load %arg4[%get3A_257, %get3A_258] {strides = array<i32>} : memref<8x128xi32, #tpu.memory_space<vmem>>, vector<1x16xi32>,
      %get3A_260 = vector.shape_cast %get3A_259 : vector<1x16xi32> to vector<16xi32>
      %swap3A_261 = arith.constant 416 : index
      %swap3A_262 = tpu.vector_load %arg6[%swap3A_261] {strides = array<i32>} : memref<1600xi32, #tpu.memory_space<vmem>>, vector<16xi32>,
      %swap3A_263 = vector.shape_cast %swap3A_262 : vector<16xi32> to vector<16xi32>
      %swap3A_264 = vector.shape_cast %get3A_260 : vector<16xi32> to vector<16xi32>
      tpu.vector_store %arg6[%swap3A_261], %swap3A_264 {strides = array<i32>} : memref<1600xi32, #tpu.memory_space<vmem>>, vector<16xi32>,
      %get3A_265 = arith.constant 2 : i32
      %get3A_266 = arith.index_cast %get3A_265 : i32 to index
      %get3A_267 = arith.constant 32 : index
      %get3A_268 = tpu.vector_load %arg4[%get3A_266, %get3A_267] {strides = array<i32>} : memref<8x128xi32, #tpu.memory_space<vmem>>, vector<1x16xi32>,
      %get3A_269 = vector.shape_cast %get3A_268 : vector<1x16xi32> to vector<16xi32>
      %swap3A_270 = arith.constant 432 : index
      %swap3A_271 = tpu.vector_load %arg6[%swap3A_270] {strides = array<i32>} : memref<1600xi32, #tpu.memory_space<vmem>>, vector<16xi32>,
      %swap3A_272 = vector.shape_cast %swap3A_271 : vector<16xi32> to vector<16xi32>
      %swap3A_273 = vector.shape_cast %get3A_269 : vector<16xi32> to vector<16xi32>
      tpu.vector_store %arg6[%swap3A_270], %swap3A_273 {strides = array<i32>} : memref<1600xi32, #tpu.memory_space<vmem>>, vector<16xi32>,
      %get3A_274 = arith.constant 2 : i32
      %get3A_275 = arith.index_cast %get3A_274 : i32 to index
      %get3A_276 = arith.constant 48 : index
      %get3A_277 = tpu.vector_load %arg4[%get3A_275, %get3A_276] {strides = array<i32>} : memref<8x128xi32, #tpu.memory_space<vmem>>, vector<1x16xi32>,
      %get3A_278 = vector.shape_cast %get3A_277 : vector<1x16xi32> to vector<16xi32>
      %swap3A_279 = arith.constant 448 : index
      %swap3A_280 = tpu.vector_load %arg6[%swap3A_279] {strides = array<i32>} : memref<1600xi32, #tpu.memory_space<vmem>>, vector<16xi32>,
      %swap3A_281 = vector.shape_cast %swap3A_280 : vector<16xi32> to vector<16xi32>
      %swap3A_282 = vector.shape_cast %get3A_278 : vector<16xi32> to vector<16xi32>
      tpu.vector_store %arg6[%swap3A_279], %swap3A_282 {strides = array<i32>} : memref<1600xi32, #tpu.memory_space<vmem>>, vector<16xi32>,
      %get3A_283 = arith.constant 2 : i32
      %get3A_284 = arith.index_cast %get3A_283 : i32 to index
      %get3A_285 = arith.constant 64 : index
      %get3A_286 = tpu.vector_load %arg4[%get3A_284, %get3A_285] {strides = array<i32>} : memref<8x128xi32, #tpu.memory_space<vmem>>, vector<1x16xi32>,
      %get3A_287 = vector.shape_cast %get3A_286 : vector<1x16xi32> to vector<16xi32>
      %swap3A_288 = arith.constant 464 : index
      %swap3A_289 = tpu.vector_load %arg6[%swap3A_288] {strides = array<i32>} : memref<1600xi32, #tpu.memory_space<vmem>>, vector<16xi32>,
      %swap3A_290 = vector.shape_cast %swap3A_289 : vector<16xi32> to vector<16xi32>
      %swap3A_291 = vector.shape_cast %get3A_287 : vector<16xi32> to vector<16xi32>
      tpu.vector_store %arg6[%swap3A_288], %swap3A_291 {strides = array<i32>} : memref<1600xi32, #tpu.memory_space<vmem>>, vector<16xi32>,
      %get3A_292 = arith.constant 2 : i32
      %get3A_293 = arith.index_cast %get3A_292 : i32 to index
      %get3A_294 = arith.constant 80 : index
      %get3A_295 = tpu.vector_load %arg4[%get3A_293, %get3A_294] {strides = array<i32>} : memref<8x128xi32, #tpu.memory_space<vmem>>, vector<1x16xi32>,
      %get3A_296 = vector.shape_cast %get3A_295 : vector<1x16xi32> to vector<16xi32>
      %swap3A_297 = arith.constant 480 : index
      %swap3A_298 = tpu.vector_load %arg6[%swap3A_297] {strides = array<i32>} : memref<1600xi32, #tpu.memory_space<vmem>>, vector<16xi32>,
      %swap3A_299 = vector.shape_cast %swap3A_298 : vector<16xi32> to vector<16xi32>
      %swap3A_300 = vector.shape_cast %get3A_296 : vector<16xi32> to vector<16xi32>
      tpu.vector_store %arg6[%swap3A_297], %swap3A_300 {strides = array<i32>} : memref<1600xi32, #tpu.memory_space<vmem>>, vector<16xi32>,
      %get3A_301 = arith.constant 2 : i32
      %get3A_302 = arith.index_cast %get3A_301 : i32 to index
      %get3A_303 = arith.constant 96 : index
      %get3A_304 = tpu.vector_load %arg4[%get3A_302, %get3A_303] {strides = array<i32>} : memref<8x128xi32, #tpu.memory_space<vmem>>, vector<1x16xi32>,
      %get3A_305 = vector.shape_cast %get3A_304 : vector<1x16xi32> to vector<16xi32>
      %swap3A_306 = arith.constant 496 : index
      %swap3A_307 = tpu.vector_load %arg6[%swap3A_306] {strides = array<i32>} : memref<1600xi32, #tpu.memory_space<vmem>>, vector<16xi32>,
      %swap3A_308 = vector.shape_cast %swap3A_307 : vector<16xi32> to vector<16xi32>
      %swap3A_309 = vector.shape_cast %get3A_305 : vector<16xi32> to vector<16xi32>
      tpu.vector_store %arg6[%swap3A_306], %swap3A_309 {strides = array<i32>} : memref<1600xi32, #tpu.memory_space<vmem>>, vector<16xi32>,
      %get3A_310 = arith.constant 2 : i32
      %get3A_311 = arith.index_cast %get3A_310 : i32 to index
      %get3A_312 = arith.constant 112 : index
      %get3A_313 = tpu.vector_load %arg4[%get3A_311, %get3A_312] {strides = array<i32>} : memref<8x128xi32, #tpu.memory_space<vmem>>, vector<1x16xi32>,
      %get3A_314 = vector.shape_cast %get3A_313 : vector<1x16xi32> to vector<16xi32>
      %swap3A_315 = arith.constant 512 : index
      %swap3A_316 = tpu.vector_load %arg6[%swap3A_315] {strides = array<i32>} : memref<1600xi32, #tpu.memory_space<vmem>>, vector<16xi32>,
      %swap3A_317 = vector.shape_cast %swap3A_316 : vector<16xi32> to vector<16xi32>
      %swap3A_318 = vector.shape_cast %get3A_314 : vector<16xi32> to vector<16xi32>
      tpu.vector_store %arg6[%swap3A_315], %swap3A_318 {strides = array<i32>} : memref<1600xi32, #tpu.memory_space<vmem>>, vector<16xi32>,
      %get3A_319 = arith.constant 2 : i32
      %get3A_320 = arith.index_cast %get3A_319 : i32 to index
      %get3A_321 = arith.constant 0 : index
      %get3A_322 = tpu.vector_load %arg5[%get3A_320, %get3A_321] {strides = array<i32>} : memref<8x72xi32, #tpu.memory_space<vmem>>, vector<1x16xi32>,
      %get3A_323 = vector.shape_cast %get3A_322 : vector<1x16xi32> to vector<16xi32>
      %swap3A_324 = arith.constant 528 : index
      %swap3A_325 = tpu.vector_load %arg6[%swap3A_324] {strides = array<i32>} : memref<1600xi32, #tpu.memory_space<vmem>>, vector<16xi32>,
      %swap3A_326 = vector.shape_cast %swap3A_325 : vector<16xi32> to vector<16xi32>
      %swap3A_327 = vector.shape_cast %get3A_323 : vector<16xi32> to vector<16xi32>
      tpu.vector_store %arg6[%swap3A_324], %swap3A_327 {strides = array<i32>} : memref<1600xi32, #tpu.memory_space<vmem>>, vector<16xi32>,
      %get3A_328 = arith.constant 2 : i32
      %get3A_329 = arith.index_cast %get3A_328 : i32 to index
      %get3A_330 = arith.constant 16 : index
      %get3A_331 = tpu.vector_load %arg5[%get3A_329, %get3A_330] {strides = array<i32>} : memref<8x72xi32, #tpu.memory_space<vmem>>, vector<1x16xi32>,
      %get3A_332 = vector.shape_cast %get3A_331 : vector<1x16xi32> to vector<16xi32>
      %swap3A_333 = arith.constant 544 : index
      %swap3A_334 = tpu.vector_load %arg6[%swap3A_333] {strides = array<i32>} : memref<1600xi32, #tpu.memory_space<vmem>>, vector<16xi32>,
      %swap3A_335 = vector.shape_cast %swap3A_334 : vector<16xi32> to vector<16xi32>
      %swap3A_336 = vector.shape_cast %get3A_332 : vector<16xi32> to vector<16xi32>
      tpu.vector_store %arg6[%swap3A_333], %swap3A_336 {strides = array<i32>} : memref<1600xi32, #tpu.memory_space<vmem>>, vector<16xi32>,
      %get3A_337 = arith.constant 2 : i32
      %get3A_338 = arith.index_cast %get3A_337 : i32 to index
      %get3A_339 = arith.constant 32 : index
      %get3A_340 = tpu.vector_load %arg5[%get3A_338, %get3A_339] {strides = array<i32>} : memref<8x72xi32, #tpu.memory_space<vmem>>, vector<1x16xi32>,
      %get3A_341 = vector.shape_cast %get3A_340 : vector<1x16xi32> to vector<16xi32>
      %swap3A_342 = arith.constant 560 : index
      %swap3A_343 = tpu.vector_load %arg6[%swap3A_342] {strides = array<i32>} : memref<1600xi32, #tpu.memory_space<vmem>>, vector<16xi32>,
      %swap3A_344 = vector.shape_cast %swap3A_343 : vector<16xi32> to vector<16xi32>
      %swap3A_345 = vector.shape_cast %get3A_341 : vector<16xi32> to vector<16xi32>
      tpu.vector_store %arg6[%swap3A_342], %swap3A_345 {strides = array<i32>} : memref<1600xi32, #tpu.memory_space<vmem>>, vector<16xi32>,
      %get3A_346 = arith.constant 2 : i32
      %get3A_347 = arith.index_cast %get3A_346 : i32 to index
      %get3A_348 = arith.constant 48 : index
      %get3A_349 = tpu.vector_load %arg5[%get3A_347, %get3A_348] {strides = array<i32>} : memref<8x72xi32, #tpu.memory_space<vmem>>, vector<1x16xi32>,
      %get3A_350 = vector.shape_cast %get3A_349 : vector<1x16xi32> to vector<16xi32>
      %swap3A_351 = arith.constant 576 : index
      %swap3A_352 = tpu.vector_load %arg6[%swap3A_351] {strides = array<i32>} : memref<1600xi32, #tpu.memory_space<vmem>>, vector<16xi32>,
      %swap3A_353 = vector.shape_cast %swap3A_352 : vector<16xi32> to vector<16xi32>
      %swap3A_354 = vector.shape_cast %get3A_350 : vector<16xi32> to vector<16xi32>
      tpu.vector_store %arg6[%swap3A_351], %swap3A_354 {strides = array<i32>} : memref<1600xi32, #tpu.memory_space<vmem>>, vector<16xi32>,
      %get3A_355 = arith.constant 2 : i32
      %get3A_356 = arith.index_cast %get3A_355 : i32 to index
      %get3A_357 = arith.constant 56 : index
      %get3A_358 = tpu.vector_load %arg5[%get3A_356, %get3A_357] {strides = array<i32>} : memref<8x72xi32, #tpu.memory_space<vmem>>, vector<1x16xi32>,
      %get3A_359 = vector.shape_cast %get3A_358 : vector<1x16xi32> to vector<16xi32>
      %swap3A_360 = arith.constant 584 : index
      %swap3A_361 = tpu.vector_load %arg6[%swap3A_360] {strides = array<i32>} : memref<1600xi32, #tpu.memory_space<vmem>>, vector<16xi32>,
      %swap3A_362 = vector.shape_cast %swap3A_361 : vector<16xi32> to vector<16xi32>
      %swap3A_363 = vector.shape_cast %get3A_359 : vector<16xi32> to vector<16xi32>
      tpu.vector_store %arg6[%swap3A_360], %swap3A_363 {strides = array<i32>} : memref<1600xi32, #tpu.memory_space<vmem>>, vector<16xi32>,
      %get3A_364 = arith.constant 3 : i32
      %get3A_365 = arith.index_cast %get3A_364 : i32 to index
      %get3A_366 = arith.constant 0 : index
      %get3A_367 = tpu.vector_load %arg4[%get3A_365, %get3A_366] {strides = array<i32>} : memref<8x128xi32, #tpu.memory_space<vmem>>, vector<1x16xi32>,
      %get3A_368 = vector.shape_cast %get3A_367 : vector<1x16xi32> to vector<16xi32>
      %swap3A_369 = arith.constant 600 : index
      %swap3A_370 = tpu.vector_load %arg6[%swap3A_369] {strides = array<i32>} : memref<1600xi32, #tpu.memory_space<vmem>>, vector<16xi32>,
      %swap3A_371 = vector.shape_cast %swap3A_370 : vector<16xi32> to vector<16xi32>
      %swap3A_372 = vector.shape_cast %get3A_368 : vector<16xi32> to vector<16xi32>
      tpu.vector_store %arg6[%swap3A_369], %swap3A_372 {strides = array<i32>} : memref<1600xi32, #tpu.memory_space<vmem>>, vector<16xi32>,
      %get3A_373 = arith.constant 3 : i32
      %get3A_374 = arith.index_cast %get3A_373 : i32 to index
      %get3A_375 = arith.constant 16 : index
      %get3A_376 = tpu.vector_load %arg4[%get3A_374, %get3A_375] {strides = array<i32>} : memref<8x128xi32, #tpu.memory_space<vmem>>, vector<1x16xi32>,
      %get3A_377 = vector.shape_cast %get3A_376 : vector<1x16xi32> to vector<16xi32>
      %swap3A_378 = arith.constant 616 : index
      %swap3A_379 = tpu.vector_load %arg6[%swap3A_378] {strides = array<i32>} : memref<1600xi32, #tpu.memory_space<vmem>>, vector<16xi32>,
      %swap3A_380 = vector.shape_cast %swap3A_379 : vector<16xi32> to vector<16xi32>
      %swap3A_381 = vector.shape_cast %get3A_377 : vector<16xi32> to vector<16xi32>
      tpu.vector_store %arg6[%swap3A_378], %swap3A_381 {strides = array<i32>} : memref<1600xi32, #tpu.memory_space<vmem>>, vector<16xi32>,
      %get3A_382 = arith.constant 3 : i32
      %get3A_383 = arith.index_cast %get3A_382 : i32 to index
      %get3A_384 = arith.constant 32 : index
      %get3A_385 = tpu.vector_load %arg4[%get3A_383, %get3A_384] {strides = array<i32>} : memref<8x128xi32, #tpu.memory_space<vmem>>, vector<1x16xi32>,
      %get3A_386 = vector.shape_cast %get3A_385 : vector<1x16xi32> to vector<16xi32>
      %swap3A_387 = arith.constant 632 : index
      %swap3A_388 = tpu.vector_load %arg6[%swap3A_387] {strides = array<i32>} : memref<1600xi32, #tpu.memory_space<vmem>>, vector<16xi32>,
      %swap3A_389 = vector.shape_cast %swap3A_388 : vector<16xi32> to vector<16xi32>
      %swap3A_390 = vector.shape_cast %get3A_386 : vector<16xi32> to vector<16xi32>
      tpu.vector_store %arg6[%swap3A_387], %swap3A_390 {strides = array<i32>} : memref<1600xi32, #tpu.memory_space<vmem>>, vector<16xi32>,
      %get3A_391 = arith.constant 3 : i32
      %get3A_392 = arith.index_cast %get3A_391 : i32 to index
      %get3A_393 = arith.constant 48 : index
      %get3A_394 = tpu.vector_load %arg4[%get3A_392, %get3A_393] {strides = array<i32>} : memref<8x128xi32, #tpu.memory_space<vmem>>, vector<1x16xi32>,
      %get3A_395 = vector.shape_cast %get3A_394 : vector<1x16xi32> to vector<16xi32>
      %swap3A_396 = arith.constant 648 : index
      %swap3A_397 = tpu.vector_load %arg6[%swap3A_396] {strides = array<i32>} : memref<1600xi32, #tpu.memory_space<vmem>>, vector<16xi32>,
      %swap3A_398 = vector.shape_cast %swap3A_397 : vector<16xi32> to vector<16xi32>
      %swap3A_399 = vector.shape_cast %get3A_395 : vector<16xi32> to vector<16xi32>
      tpu.vector_store %arg6[%swap3A_396], %swap3A_399 {strides = array<i32>} : memref<1600xi32, #tpu.memory_space<vmem>>, vector<16xi32>,
      %get3A_400 = arith.constant 3 : i32
      %get3A_401 = arith.index_cast %get3A_400 : i32 to index
      %get3A_402 = arith.constant 64 : index
      %get3A_403 = tpu.vector_load %arg4[%get3A_401, %get3A_402] {strides = array<i32>} : memref<8x128xi32, #tpu.memory_space<vmem>>, vector<1x16xi32>,
      %get3A_404 = vector.shape_cast %get3A_403 : vector<1x16xi32> to vector<16xi32>
      %swap3A_405 = arith.constant 664 : index
      %swap3A_406 = tpu.vector_load %arg6[%swap3A_405] {strides = array<i32>} : memref<1600xi32, #tpu.memory_space<vmem>>, vector<16xi32>,
      %swap3A_407 = vector.shape_cast %swap3A_406 : vector<16xi32> to vector<16xi32>
      %swap3A_408 = vector.shape_cast %get3A_404 : vector<16xi32> to vector<16xi32>
      tpu.vector_store %arg6[%swap3A_405], %swap3A_408 {strides = array<i32>} : memref<1600xi32, #tpu.memory_space<vmem>>, vector<16xi32>,
      %get3A_409 = arith.constant 3 : i32
      %get3A_410 = arith.index_cast %get3A_409 : i32 to index
      %get3A_411 = arith.constant 80 : index
      %get3A_412 = tpu.vector_load %arg4[%get3A_410, %get3A_411] {strides = array<i32>} : memref<8x128xi32, #tpu.memory_space<vmem>>, vector<1x16xi32>,
      %get3A_413 = vector.shape_cast %get3A_412 : vector<1x16xi32> to vector<16xi32>
      %swap3A_414 = arith.constant 680 : index
      %swap3A_415 = tpu.vector_load %arg6[%swap3A_414] {strides = array<i32>} : memref<1600xi32, #tpu.memory_space<vmem>>, vector<16xi32>,
      %swap3A_416 = vector.shape_cast %swap3A_415 : vector<16xi32> to vector<16xi32>
      %swap3A_417 = vector.shape_cast %get3A_413 : vector<16xi32> to vector<16xi32>
      tpu.vector_store %arg6[%swap3A_414], %swap3A_417 {strides = array<i32>} : memref<1600xi32, #tpu.memory_space<vmem>>, vector<16xi32>,
      %get3A_418 = arith.constant 3 : i32
      %get3A_419 = arith.index_cast %get3A_418 : i32 to index
      %get3A_420 = arith.constant 96 : index
      %get3A_421 = tpu.vector_load %arg4[%get3A_419, %get3A_420] {strides = array<i32>} : memref<8x128xi32, #tpu.memory_space<vmem>>, vector<1x16xi32>,
      %get3A_422 = vector.shape_cast %get3A_421 : vector<1x16xi32> to vector<16xi32>
      %swap3A_423 = arith.constant 696 : index
      %swap3A_424 = tpu.vector_load %arg6[%swap3A_423] {strides = array<i32>} : memref<1600xi32, #tpu.memory_space<vmem>>, vector<16xi32>,
      %swap3A_425 = vector.shape_cast %swap3A_424 : vector<16xi32> to vector<16xi32>
      %swap3A_426 = vector.shape_cast %get3A_422 : vector<16xi32> to vector<16xi32>
      tpu.vector_store %arg6[%swap3A_423], %swap3A_426 {strides = array<i32>} : memref<1600xi32, #tpu.memory_space<vmem>>, vector<16xi32>,
      %get3A_427 = arith.constant 3 : i32
      %get3A_428 = arith.index_cast %get3A_427 : i32 to index
      %get3A_429 = arith.constant 112 : index
      %get3A_430 = tpu.vector_load %arg4[%get3A_428, %get3A_429] {strides = array<i32>} : memref<8x128xi32, #tpu.memory_space<vmem>>, vector<1x16xi32>,
      %get3A_431 = vector.shape_cast %get3A_430 : vector<1x16xi32> to vector<16xi32>
      %swap3A_432 = arith.constant 712 : index
      %swap3A_433 = tpu.vector_load %arg6[%swap3A_432] {strides = array<i32>} : memref<1600xi32, #tpu.memory_space<vmem>>, vector<16xi32>,
      %swap3A_434 = vector.shape_cast %swap3A_433 : vector<16xi32> to vector<16xi32>
      %swap3A_435 = vector.shape_cast %get3A_431 : vector<16xi32> to vector<16xi32>
      tpu.vector_store %arg6[%swap3A_432], %swap3A_435 {strides = array<i32>} : memref<1600xi32, #tpu.memory_space<vmem>>, vector<16xi32>,
      %get3A_436 = arith.constant 3 : i32
      %get3A_437 = arith.index_cast %get3A_436 : i32 to index
      %get3A_438 = arith.constant 0 : index
      %get3A_439 = tpu.vector_load %arg5[%get3A_437, %get3A_438] {strides = array<i32>} : memref<8x72xi32, #tpu.memory_space<vmem>>, vector<1x16xi32>,
      %get3A_440 = vector.shape_cast %get3A_439 : vector<1x16xi32> to vector<16xi32>
      %swap3A_441 = arith.constant 728 : index
      %swap3A_442 = tpu.vector_load %arg6[%swap3A_441] {strides = array<i32>} : memref<1600xi32, #tpu.memory_space<vmem>>, vector<16xi32>,
      %swap3A_443 = vector.shape_cast %swap3A_442 : vector<16xi32> to vector<16xi32>
      %swap3A_444 = vector.shape_cast %get3A_440 : vector<16xi32> to vector<16xi32>
      tpu.vector_store %arg6[%swap3A_441], %swap3A_444 {strides = array<i32>} : memref<1600xi32, #tpu.memory_space<vmem>>, vector<16xi32>,
      %get3A_445 = arith.constant 3 : i32
      %get3A_446 = arith.index_cast %get3A_445 : i32 to index
      %get3A_447 = arith.constant 16 : index
      %get3A_448 = tpu.vector_load %arg5[%get3A_446, %get3A_447] {strides = array<i32>} : memref<8x72xi32, #tpu.memory_space<vmem>>, vector<1x16xi32>,
      %get3A_449 = vector.shape_cast %get3A_448 : vector<1x16xi32> to vector<16xi32>
      %swap3A_450 = arith.constant 744 : index
      %swap3A_451 = tpu.vector_load %arg6[%swap3A_450] {strides = array<i32>} : memref<1600xi32, #tpu.memory_space<vmem>>, vector<16xi32>,
      %swap3A_452 = vector.shape_cast %swap3A_451 : vector<16xi32> to vector<16xi32>
      %swap3A_453 = vector.shape_cast %get3A_449 : vector<16xi32> to vector<16xi32>
      tpu.vector_store %arg6[%swap3A_450], %swap3A_453 {strides = array<i32>} : memref<1600xi32, #tpu.memory_space<vmem>>, vector<16xi32>,
      %get3A_454 = arith.constant 3 : i32
      %get3A_455 = arith.index_cast %get3A_454 : i32 to index
      %get3A_456 = arith.constant 32 : index
      %get3A_457 = tpu.vector_load %arg5[%get3A_455, %get3A_456] {strides = array<i32>} : memref<8x72xi32, #tpu.memory_space<vmem>>, vector<1x16xi32>,
      %get3A_458 = vector.shape_cast %get3A_457 : vector<1x16xi32> to vector<16xi32>
      %swap3A_459 = arith.constant 760 : index
      %swap3A_460 = tpu.vector_load %arg6[%swap3A_459] {strides = array<i32>} : memref<1600xi32, #tpu.memory_space<vmem>>, vector<16xi32>,
      %swap3A_461 = vector.shape_cast %swap3A_460 : vector<16xi32> to vector<16xi32>
      %swap3A_462 = vector.shape_cast %get3A_458 : vector<16xi32> to vector<16xi32>
      tpu.vector_store %arg6[%swap3A_459], %swap3A_462 {strides = array<i32>} : memref<1600xi32, #tpu.memory_space<vmem>>, vector<16xi32>,
      %get3A_463 = arith.constant 3 : i32
      %get3A_464 = arith.index_cast %get3A_463 : i32 to index
      %get3A_465 = arith.constant 48 : index
      %get3A_466 = tpu.vector_load %arg5[%get3A_464, %get3A_465] {strides = array<i32>} : memref<8x72xi32, #tpu.memory_space<vmem>>, vector<1x16xi32>,
      %get3A_467 = vector.shape_cast %get3A_466 : vector<1x16xi32> to vector<16xi32>
      %swap3A_468 = arith.constant 776 : index
      %swap3A_469 = tpu.vector_load %arg6[%swap3A_468] {strides = array<i32>} : memref<1600xi32, #tpu.memory_space<vmem>>, vector<16xi32>,
      %swap3A_470 = vector.shape_cast %swap3A_469 : vector<16xi32> to vector<16xi32>
      %swap3A_471 = vector.shape_cast %get3A_467 : vector<16xi32> to vector<16xi32>
      tpu.vector_store %arg6[%swap3A_468], %swap3A_471 {strides = array<i32>} : memref<1600xi32, #tpu.memory_space<vmem>>, vector<16xi32>,
      %get3A_472 = arith.constant 3 : i32
      %get3A_473 = arith.index_cast %get3A_472 : i32 to index
      %get3A_474 = arith.constant 56 : index
      %get3A_475 = tpu.vector_load %arg5[%get3A_473, %get3A_474] {strides = array<i32>} : memref<8x72xi32, #tpu.memory_space<vmem>>, vector<1x16xi32>,
      %get3A_476 = vector.shape_cast %get3A_475 : vector<1x16xi32> to vector<16xi32>
      %swap3A_477 = arith.constant 784 : index
      %swap3A_478 = tpu.vector_load %arg6[%swap3A_477] {strides = array<i32>} : memref<1600xi32, #tpu.memory_space<vmem>>, vector<16xi32>,
      %swap3A_479 = vector.shape_cast %swap3A_478 : vector<16xi32> to vector<16xi32>
      %swap3A_480 = vector.shape_cast %get3A_476 : vector<16xi32> to vector<16xi32>
      tpu.vector_store %arg6[%swap3A_477], %swap3A_480 {strides = array<i32>} : memref<1600xi32, #tpu.memory_space<vmem>>, vector<16xi32>,
      %get3A_481 = arith.constant 4 : i32
      %get3A_482 = arith.index_cast %get3A_481 : i32 to index
      %get3A_483 = arith.constant 0 : index
      %get3A_484 = tpu.vector_load %arg4[%get3A_482, %get3A_483] {strides = array<i32>} : memref<8x128xi32, #tpu.memory_space<vmem>>, vector<1x16xi32>,
      %get3A_485 = vector.shape_cast %get3A_484 : vector<1x16xi32> to vector<16xi32>
      %swap3A_486 = arith.constant 800 : index
      %swap3A_487 = tpu.vector_load %arg6[%swap3A_486] {strides = array<i32>} : memref<1600xi32, #tpu.memory_space<vmem>>, vector<16xi32>,
      %swap3A_488 = vector.shape_cast %swap3A_487 : vector<16xi32> to vector<16xi32>
      %swap3A_489 = vector.shape_cast %get3A_485 : vector<16xi32> to vector<16xi32>
      tpu.vector_store %arg6[%swap3A_486], %swap3A_489 {strides = array<i32>} : memref<1600xi32, #tpu.memory_space<vmem>>, vector<16xi32>,
      %get3A_490 = arith.constant 4 : i32
      %get3A_491 = arith.index_cast %get3A_490 : i32 to index
      %get3A_492 = arith.constant 16 : index
      %get3A_493 = tpu.vector_load %arg4[%get3A_491, %get3A_492] {strides = array<i32>} : memref<8x128xi32, #tpu.memory_space<vmem>>, vector<1x16xi32>,
      %get3A_494 = vector.shape_cast %get3A_493 : vector<1x16xi32> to vector<16xi32>
      %swap3A_495 = arith.constant 816 : index
      %swap3A_496 = tpu.vector_load %arg6[%swap3A_495] {strides = array<i32>} : memref<1600xi32, #tpu.memory_space<vmem>>, vector<16xi32>,
      %swap3A_497 = vector.shape_cast %swap3A_496 : vector<16xi32> to vector<16xi32>
      %swap3A_498 = vector.shape_cast %get3A_494 : vector<16xi32> to vector<16xi32>
      tpu.vector_store %arg6[%swap3A_495], %swap3A_498 {strides = array<i32>} : memref<1600xi32, #tpu.memory_space<vmem>>, vector<16xi32>,
      %get3A_499 = arith.constant 4 : i32
      %get3A_500 = arith.index_cast %get3A_499 : i32 to index
      %get3A_501 = arith.constant 32 : index
      %get3A_502 = tpu.vector_load %arg4[%get3A_500, %get3A_501] {strides = array<i32>} : memref<8x128xi32, #tpu.memory_space<vmem>>, vector<1x16xi32>,
      %get3A_503 = vector.shape_cast %get3A_502 : vector<1x16xi32> to vector<16xi32>
      %swap3A_504 = arith.constant 832 : index
      %swap3A_505 = tpu.vector_load %arg6[%swap3A_504] {strides = array<i32>} : memref<1600xi32, #tpu.memory_space<vmem>>, vector<16xi32>,
      %swap3A_506 = vector.shape_cast %swap3A_505 : vector<16xi32> to vector<16xi32>
      %swap3A_507 = vector.shape_cast %get3A_503 : vector<16xi32> to vector<16xi32>
      tpu.vector_store %arg6[%swap3A_504], %swap3A_507 {strides = array<i32>} : memref<1600xi32, #tpu.memory_space<vmem>>, vector<16xi32>,
      %get3A_508 = arith.constant 4 : i32
      %get3A_509 = arith.index_cast %get3A_508 : i32 to index
      %get3A_510 = arith.constant 48 : index
      %get3A_511 = tpu.vector_load %arg4[%get3A_509, %get3A_510] {strides = array<i32>} : memref<8x128xi32, #tpu.memory_space<vmem>>, vector<1x16xi32>,
      %get3A_512 = vector.shape_cast %get3A_511 : vector<1x16xi32> to vector<16xi32>
      %swap3A_513 = arith.constant 848 : index
      %swap3A_514 = tpu.vector_load %arg6[%swap3A_513] {strides = array<i32>} : memref<1600xi32, #tpu.memory_space<vmem>>, vector<16xi32>,
      %swap3A_515 = vector.shape_cast %swap3A_514 : vector<16xi32> to vector<16xi32>
      %swap3A_516 = vector.shape_cast %get3A_512 : vector<16xi32> to vector<16xi32>
      tpu.vector_store %arg6[%swap3A_513], %swap3A_516 {strides = array<i32>} : memref<1600xi32, #tpu.memory_space<vmem>>, vector<16xi32>,
      %get3A_517 = arith.constant 4 : i32
      %get3A_518 = arith.index_cast %get3A_517 : i32 to index
      %get3A_519 = arith.constant 64 : index
      %get3A_520 = tpu.vector_load %arg4[%get3A_518, %get3A_519] {strides = array<i32>} : memref<8x128xi32, #tpu.memory_space<vmem>>, vector<1x16xi32>,
      %get3A_521 = vector.shape_cast %get3A_520 : vector<1x16xi32> to vector<16xi32>
      %swap3A_522 = arith.constant 864 : index
      %swap3A_523 = tpu.vector_load %arg6[%swap3A_522] {strides = array<i32>} : memref<1600xi32, #tpu.memory_space<vmem>>, vector<16xi32>,
      %swap3A_524 = vector.shape_cast %swap3A_523 : vector<16xi32> to vector<16xi32>
      %swap3A_525 = vector.shape_cast %get3A_521 : vector<16xi32> to vector<16xi32>
      tpu.vector_store %arg6[%swap3A_522], %swap3A_525 {strides = array<i32>} : memref<1600xi32, #tpu.memory_space<vmem>>, vector<16xi32>,
      %get3A_526 = arith.constant 4 : i32
      %get3A_527 = arith.index_cast %get3A_526 : i32 to index
      %get3A_528 = arith.constant 80 : index
      %get3A_529 = tpu.vector_load %arg4[%get3A_527, %get3A_528] {strides = array<i32>} : memref<8x128xi32, #tpu.memory_space<vmem>>, vector<1x16xi32>,
      %get3A_530 = vector.shape_cast %get3A_529 : vector<1x16xi32> to vector<16xi32>
      %swap3A_531 = arith.constant 880 : index
      %swap3A_532 = tpu.vector_load %arg6[%swap3A_531] {strides = array<i32>} : memref<1600xi32, #tpu.memory_space<vmem>>, vector<16xi32>,
      %swap3A_533 = vector.shape_cast %swap3A_532 : vector<16xi32> to vector<16xi32>
      %swap3A_534 = vector.shape_cast %get3A_530 : vector<16xi32> to vector<16xi32>
      tpu.vector_store %arg6[%swap3A_531], %swap3A_534 {strides = array<i32>} : memref<1600xi32, #tpu.memory_space<vmem>>, vector<16xi32>,
      %get3A_535 = arith.constant 4 : i32
      %get3A_536 = arith.index_cast %get3A_535 : i32 to index
      %get3A_537 = arith.constant 96 : index
      %get3A_538 = tpu.vector_load %arg4[%get3A_536, %get3A_537] {strides = array<i32>} : memref<8x128xi32, #tpu.memory_space<vmem>>, vector<1x16xi32>,
      %get3A_539 = vector.shape_cast %get3A_538 : vector<1x16xi32> to vector<16xi32>
      %swap3A_540 = arith.constant 896 : index
      %swap3A_541 = tpu.vector_load %arg6[%swap3A_540] {strides = array<i32>} : memref<1600xi32, #tpu.memory_space<vmem>>, vector<16xi32>,
      %swap3A_542 = vector.shape_cast %swap3A_541 : vector<16xi32> to vector<16xi32>
      %swap3A_543 = vector.shape_cast %get3A_539 : vector<16xi32> to vector<16xi32>
      tpu.vector_store %arg6[%swap3A_540], %swap3A_543 {strides = array<i32>} : memref<1600xi32, #tpu.memory_space<vmem>>, vector<16xi32>,
      %get3A_544 = arith.constant 4 : i32
      %get3A_545 = arith.index_cast %get3A_544 : i32 to index
      %get3A_546 = arith.constant 112 : index
      %get3A_547 = tpu.vector_load %arg4[%get3A_545, %get3A_546] {strides = array<i32>} : memref<8x128xi32, #tpu.memory_space<vmem>>, vector<1x16xi32>,
      %get3A_548 = vector.shape_cast %get3A_547 : vector<1x16xi32> to vector<16xi32>
      %swap3A_549 = arith.constant 912 : index
      %swap3A_550 = tpu.vector_load %arg6[%swap3A_549] {strides = array<i32>} : memref<1600xi32, #tpu.memory_space<vmem>>, vector<16xi32>,
      %swap3A_551 = vector.shape_cast %swap3A_550 : vector<16xi32> to vector<16xi32>
      %swap3A_552 = vector.shape_cast %get3A_548 : vector<16xi32> to vector<16xi32>
      tpu.vector_store %arg6[%swap3A_549], %swap3A_552 {strides = array<i32>} : memref<1600xi32, #tpu.memory_space<vmem>>, vector<16xi32>,
      %get3A_553 = arith.constant 4 : i32
      %get3A_554 = arith.index_cast %get3A_553 : i32 to index
      %get3A_555 = arith.constant 0 : index
      %get3A_556 = tpu.vector_load %arg5[%get3A_554, %get3A_555] {strides = array<i32>} : memref<8x72xi32, #tpu.memory_space<vmem>>, vector<1x16xi32>,
      %get3A_557 = vector.shape_cast %get3A_556 : vector<1x16xi32> to vector<16xi32>
      %swap3A_558 = arith.constant 928 : index
      %swap3A_559 = tpu.vector_load %arg6[%swap3A_558] {strides = array<i32>} : memref<1600xi32, #tpu.memory_space<vmem>>, vector<16xi32>,
      %swap3A_560 = vector.shape_cast %swap3A_559 : vector<16xi32> to vector<16xi32>
      %swap3A_561 = vector.shape_cast %get3A_557 : vector<16xi32> to vector<16xi32>
      tpu.vector_store %arg6[%swap3A_558], %swap3A_561 {strides = array<i32>} : memref<1600xi32, #tpu.memory_space<vmem>>, vector<16xi32>,
      %get3A_562 = arith.constant 4 : i32
      %get3A_563 = arith.index_cast %get3A_562 : i32 to index
      %get3A_564 = arith.constant 16 : index
      %get3A_565 = tpu.vector_load %arg5[%get3A_563, %get3A_564] {strides = array<i32>} : memref<8x72xi32, #tpu.memory_space<vmem>>, vector<1x16xi32>,
      %get3A_566 = vector.shape_cast %get3A_565 : vector<1x16xi32> to vector<16xi32>
      %swap3A_567 = arith.constant 944 : index
      %swap3A_568 = tpu.vector_load %arg6[%swap3A_567] {strides = array<i32>} : memref<1600xi32, #tpu.memory_space<vmem>>, vector<16xi32>,
      %swap3A_569 = vector.shape_cast %swap3A_568 : vector<16xi32> to vector<16xi32>
      %swap3A_570 = vector.shape_cast %get3A_566 : vector<16xi32> to vector<16xi32>
      tpu.vector_store %arg6[%swap3A_567], %swap3A_570 {strides = array<i32>} : memref<1600xi32, #tpu.memory_space<vmem>>, vector<16xi32>,
      %get3A_571 = arith.constant 4 : i32
      %get3A_572 = arith.index_cast %get3A_571 : i32 to index
      %get3A_573 = arith.constant 32 : index
      %get3A_574 = tpu.vector_load %arg5[%get3A_572, %get3A_573] {strides = array<i32>} : memref<8x72xi32, #tpu.memory_space<vmem>>, vector<1x16xi32>,
      %get3A_575 = vector.shape_cast %get3A_574 : vector<1x16xi32> to vector<16xi32>
      %swap3A_576 = arith.constant 960 : index
      %swap3A_577 = tpu.vector_load %arg6[%swap3A_576] {strides = array<i32>} : memref<1600xi32, #tpu.memory_space<vmem>>, vector<16xi32>,
      %swap3A_578 = vector.shape_cast %swap3A_577 : vector<16xi32> to vector<16xi32>
      %swap3A_579 = vector.shape_cast %get3A_575 : vector<16xi32> to vector<16xi32>
      tpu.vector_store %arg6[%swap3A_576], %swap3A_579 {strides = array<i32>} : memref<1600xi32, #tpu.memory_space<vmem>>, vector<16xi32>,
      %get3A_580 = arith.constant 4 : i32
      %get3A_581 = arith.index_cast %get3A_580 : i32 to index
      %get3A_582 = arith.constant 48 : index
      %get3A_583 = tpu.vector_load %arg5[%get3A_581, %get3A_582] {strides = array<i32>} : memref<8x72xi32, #tpu.memory_space<vmem>>, vector<1x16xi32>,
      %get3A_584 = vector.shape_cast %get3A_583 : vector<1x16xi32> to vector<16xi32>
      %swap3A_585 = arith.constant 976 : index
      %swap3A_586 = tpu.vector_load %arg6[%swap3A_585] {strides = array<i32>} : memref<1600xi32, #tpu.memory_space<vmem>>, vector<16xi32>,
      %swap3A_587 = vector.shape_cast %swap3A_586 : vector<16xi32> to vector<16xi32>
      %swap3A_588 = vector.shape_cast %get3A_584 : vector<16xi32> to vector<16xi32>
      tpu.vector_store %arg6[%swap3A_585], %swap3A_588 {strides = array<i32>} : memref<1600xi32, #tpu.memory_space<vmem>>, vector<16xi32>,
      %get3A_589 = arith.constant 4 : i32
      %get3A_590 = arith.index_cast %get3A_589 : i32 to index
      %get3A_591 = arith.constant 56 : index
      %get3A_592 = tpu.vector_load %arg5[%get3A_590, %get3A_591] {strides = array<i32>} : memref<8x72xi32, #tpu.memory_space<vmem>>, vector<1x16xi32>,
      %get3A_593 = vector.shape_cast %get3A_592 : vector<1x16xi32> to vector<16xi32>
      %swap3A_594 = arith.constant 984 : index
      %swap3A_595 = tpu.vector_load %arg6[%swap3A_594] {strides = array<i32>} : memref<1600xi32, #tpu.memory_space<vmem>>, vector<16xi32>,
      %swap3A_596 = vector.shape_cast %swap3A_595 : vector<16xi32> to vector<16xi32>
      %swap3A_597 = vector.shape_cast %get3A_593 : vector<16xi32> to vector<16xi32>
      tpu.vector_store %arg6[%swap3A_594], %swap3A_597 {strides = array<i32>} : memref<1600xi32, #tpu.memory_space<vmem>>, vector<16xi32>,
      %get3A_598 = arith.constant 5 : i32
      %get3A_599 = arith.index_cast %get3A_598 : i32 to index
      %get3A_600 = arith.constant 0 : index
      %get3A_601 = tpu.vector_load %arg4[%get3A_599, %get3A_600] {strides = array<i32>} : memref<8x128xi32, #tpu.memory_space<vmem>>, vector<1x16xi32>,
      %get3A_602 = vector.shape_cast %get3A_601 : vector<1x16xi32> to vector<16xi32>
      %swap3A_603 = arith.constant 1000 : index
      %swap3A_604 = tpu.vector_load %arg6[%swap3A_603] {strides = array<i32>} : memref<1600xi32, #tpu.memory_space<vmem>>, vector<16xi32>,
      %swap3A_605 = vector.shape_cast %swap3A_604 : vector<16xi32> to vector<16xi32>
      %swap3A_606 = vector.shape_cast %get3A_602 : vector<16xi32> to vector<16xi32>
      tpu.vector_store %arg6[%swap3A_603], %swap3A_606 {strides = array<i32>} : memref<1600xi32, #tpu.memory_space<vmem>>, vector<16xi32>,
      %get3A_607 = arith.constant 5 : i32
      %get3A_608 = arith.index_cast %get3A_607 : i32 to index
      %get3A_609 = arith.constant 16 : index
      %get3A_610 = tpu.vector_load %arg4[%get3A_608, %get3A_609] {strides = array<i32>} : memref<8x128xi32, #tpu.memory_space<vmem>>, vector<1x16xi32>,
      %get3A_611 = vector.shape_cast %get3A_610 : vector<1x16xi32> to vector<16xi32>
      %swap3A_612 = arith.constant 1016 : index
      %swap3A_613 = tpu.vector_load %arg6[%swap3A_612] {strides = array<i32>} : memref<1600xi32, #tpu.memory_space<vmem>>, vector<16xi32>,
      %swap3A_614 = vector.shape_cast %swap3A_613 : vector<16xi32> to vector<16xi32>
      %swap3A_615 = vector.shape_cast %get3A_611 : vector<16xi32> to vector<16xi32>
      tpu.vector_store %arg6[%swap3A_612], %swap3A_615 {strides = array<i32>} : memref<1600xi32, #tpu.memory_space<vmem>>, vector<16xi32>,
      %get3A_616 = arith.constant 5 : i32
      %get3A_617 = arith.index_cast %get3A_616 : i32 to index
      %get3A_618 = arith.constant 32 : index
      %get3A_619 = tpu.vector_load %arg4[%get3A_617, %get3A_618] {strides = array<i32>} : memref<8x128xi32, #tpu.memory_space<vmem>>, vector<1x16xi32>,
      %get3A_620 = vector.shape_cast %get3A_619 : vector<1x16xi32> to vector<16xi32>
      %swap3A_621 = arith.constant 1032 : index
      %swap3A_622 = tpu.vector_load %arg6[%swap3A_621] {strides = array<i32>} : memref<1600xi32, #tpu.memory_space<vmem>>, vector<16xi32>,
      %swap3A_623 = vector.shape_cast %swap3A_622 : vector<16xi32> to vector<16xi32>
      %swap3A_624 = vector.shape_cast %get3A_620 : vector<16xi32> to vector<16xi32>
      tpu.vector_store %arg6[%swap3A_621], %swap3A_624 {strides = array<i32>} : memref<1600xi32, #tpu.memory_space<vmem>>, vector<16xi32>,
      %get3A_625 = arith.constant 5 : i32
      %get3A_626 = arith.index_cast %get3A_625 : i32 to index
      %get3A_627 = arith.constant 48 : index
      %get3A_628 = tpu.vector_load %arg4[%get3A_626, %get3A_627] {strides = array<i32>} : memref<8x128xi32, #tpu.memory_space<vmem>>, vector<1x16xi32>,
      %get3A_629 = vector.shape_cast %get3A_628 : vector<1x16xi32> to vector<16xi32>
      %swap3A_630 = arith.constant 1048 : index
      %swap3A_631 = tpu.vector_load %arg6[%swap3A_630] {strides = array<i32>} : memref<1600xi32, #tpu.memory_space<vmem>>, vector<16xi32>,
      %swap3A_632 = vector.shape_cast %swap3A_631 : vector<16xi32> to vector<16xi32>
      %swap3A_633 = vector.shape_cast %get3A_629 : vector<16xi32> to vector<16xi32>
      tpu.vector_store %arg6[%swap3A_630], %swap3A_633 {strides = array<i32>} : memref<1600xi32, #tpu.memory_space<vmem>>, vector<16xi32>,
      %get3A_634 = arith.constant 5 : i32
      %get3A_635 = arith.index_cast %get3A_634 : i32 to index
      %get3A_636 = arith.constant 64 : index
      %get3A_637 = tpu.vector_load %arg4[%get3A_635, %get3A_636] {strides = array<i32>} : memref<8x128xi32, #tpu.memory_space<vmem>>, vector<1x16xi32>,
      %get3A_638 = vector.shape_cast %get3A_637 : vector<1x16xi32> to vector<16xi32>
      %swap3A_639 = arith.constant 1064 : index
      %swap3A_640 = tpu.vector_load %arg6[%swap3A_639] {strides = array<i32>} : memref<1600xi32, #tpu.memory_space<vmem>>, vector<16xi32>,
      %swap3A_641 = vector.shape_cast %swap3A_640 : vector<16xi32> to vector<16xi32>
      %swap3A_642 = vector.shape_cast %get3A_638 : vector<16xi32> to vector<16xi32>
      tpu.vector_store %arg6[%swap3A_639], %swap3A_642 {strides = array<i32>} : memref<1600xi32, #tpu.memory_space<vmem>>, vector<16xi32>,
      %get3A_643 = arith.constant 5 : i32
      %get3A_644 = arith.index_cast %get3A_643 : i32 to index
      %get3A_645 = arith.constant 80 : index
      %get3A_646 = tpu.vector_load %arg4[%get3A_644, %get3A_645] {strides = array<i32>} : memref<8x128xi32, #tpu.memory_space<vmem>>, vector<1x16xi32>,
      %get3A_647 = vector.shape_cast %get3A_646 : vector<1x16xi32> to vector<16xi32>
      %swap3A_648 = arith.constant 1080 : index
      %swap3A_649 = tpu.vector_load %arg6[%swap3A_648] {strides = array<i32>} : memref<1600xi32, #tpu.memory_space<vmem>>, vector<16xi32>,
      %swap3A_650 = vector.shape_cast %swap3A_649 : vector<16xi32> to vector<16xi32>
      %swap3A_651 = vector.shape_cast %get3A_647 : vector<16xi32> to vector<16xi32>
      tpu.vector_store %arg6[%swap3A_648], %swap3A_651 {strides = array<i32>} : memref<1600xi32, #tpu.memory_space<vmem>>, vector<16xi32>,
      %get3A_652 = arith.constant 5 : i32
      %get3A_653 = arith.index_cast %get3A_652 : i32 to index
      %get3A_654 = arith.constant 96 : index
      %get3A_655 = tpu.vector_load %arg4[%get3A_653, %get3A_654] {strides = array<i32>} : memref<8x128xi32, #tpu.memory_space<vmem>>, vector<1x16xi32>,
      %get3A_656 = vector.shape_cast %get3A_655 : vector<1x16xi32> to vector<16xi32>
      %swap3A_657 = arith.constant 1096 : index
      %swap3A_658 = tpu.vector_load %arg6[%swap3A_657] {strides = array<i32>} : memref<1600xi32, #tpu.memory_space<vmem>>, vector<16xi32>,
      %swap3A_659 = vector.shape_cast %swap3A_658 : vector<16xi32> to vector<16xi32>
      %swap3A_660 = vector.shape_cast %get3A_656 : vector<16xi32> to vector<16xi32>
      tpu.vector_store %arg6[%swap3A_657], %swap3A_660 {strides = array<i32>} : memref<1600xi32, #tpu.memory_space<vmem>>, vector<16xi32>,
      %get3A_661 = arith.constant 5 : i32
      %get3A_662 = arith.index_cast %get3A_661 : i32 to index
      %get3A_663 = arith.constant 112 : index
      %get3A_664 = tpu.vector_load %arg4[%get3A_662, %get3A_663] {strides = array<i32>} : memref<8x128xi32, #tpu.memory_space<vmem>>, vector<1x16xi32>,
      %get3A_665 = vector.shape_cast %get3A_664 : vector<1x16xi32> to vector<16xi32>
      %swap3A_666 = arith.constant 1112 : index
      %swap3A_667 = tpu.vector_load %arg6[%swap3A_666] {strides = array<i32>} : memref<1600xi32, #tpu.memory_space<vmem>>, vector<16xi32>,
      %swap3A_668 = vector.shape_cast %swap3A_667 : vector<16xi32> to vector<16xi32>
      %swap3A_669 = vector.shape_cast %get3A_665 : vector<16xi32> to vector<16xi32>
      tpu.vector_store %arg6[%swap3A_666], %swap3A_669 {strides = array<i32>} : memref<1600xi32, #tpu.memory_space<vmem>>, vector<16xi32>,
      %get3A_670 = arith.constant 5 : i32
      %get3A_671 = arith.index_cast %get3A_670 : i32 to index
      %get3A_672 = arith.constant 0 : index
      %get3A_673 = tpu.vector_load %arg5[%get3A_671, %get3A_672] {strides = array<i32>} : memref<8x72xi32, #tpu.memory_space<vmem>>, vector<1x16xi32>,
      %get3A_674 = vector.shape_cast %get3A_673 : vector<1x16xi32> to vector<16xi32>
      %swap3A_675 = arith.constant 1128 : index
      %swap3A_676 = tpu.vector_load %arg6[%swap3A_675] {strides = array<i32>} : memref<1600xi32, #tpu.memory_space<vmem>>, vector<16xi32>,
      %swap3A_677 = vector.shape_cast %swap3A_676 : vector<16xi32> to vector<16xi32>
      %swap3A_678 = vector.shape_cast %get3A_674 : vector<16xi32> to vector<16xi32>
      tpu.vector_store %arg6[%swap3A_675], %swap3A_678 {strides = array<i32>} : memref<1600xi32, #tpu.memory_space<vmem>>, vector<16xi32>,
      %get3A_679 = arith.constant 5 : i32
      %get3A_680 = arith.index_cast %get3A_679 : i32 to index
      %get3A_681 = arith.constant 16 : index
      %get3A_682 = tpu.vector_load %arg5[%get3A_680, %get3A_681] {strides = array<i32>} : memref<8x72xi32, #tpu.memory_space<vmem>>, vector<1x16xi32>,
      %get3A_683 = vector.shape_cast %get3A_682 : vector<1x16xi32> to vector<16xi32>
      %swap3A_684 = arith.constant 1144 : index
      %swap3A_685 = tpu.vector_load %arg6[%swap3A_684] {strides = array<i32>} : memref<1600xi32, #tpu.memory_space<vmem>>, vector<16xi32>,
      %swap3A_686 = vector.shape_cast %swap3A_685 : vector<16xi32> to vector<16xi32>
      %swap3A_687 = vector.shape_cast %get3A_683 : vector<16xi32> to vector<16xi32>
      tpu.vector_store %arg6[%swap3A_684], %swap3A_687 {strides = array<i32>} : memref<1600xi32, #tpu.memory_space<vmem>>, vector<16xi32>,
      %get3A_688 = arith.constant 5 : i32
      %get3A_689 = arith.index_cast %get3A_688 : i32 to index
      %get3A_690 = arith.constant 32 : index
      %get3A_691 = tpu.vector_load %arg5[%get3A_689, %get3A_690] {strides = array<i32>} : memref<8x72xi32, #tpu.memory_space<vmem>>, vector<1x16xi32>,
      %get3A_692 = vector.shape_cast %get3A_691 : vector<1x16xi32> to vector<16xi32>
      %swap3A_693 = arith.constant 1160 : index
      %swap3A_694 = tpu.vector_load %arg6[%swap3A_693] {strides = array<i32>} : memref<1600xi32, #tpu.memory_space<vmem>>, vector<16xi32>,
      %swap3A_695 = vector.shape_cast %swap3A_694 : vector<16xi32> to vector<16xi32>
      %swap3A_696 = vector.shape_cast %get3A_692 : vector<16xi32> to vector<16xi32>
      tpu.vector_store %arg6[%swap3A_693], %swap3A_696 {strides = array<i32>} : memref<1600xi32, #tpu.memory_space<vmem>>, vector<16xi32>,
      %get3A_697 = arith.constant 5 : i32
      %get3A_698 = arith.index_cast %get3A_697 : i32 to index
      %get3A_699 = arith.constant 48 : index
      %get3A_700 = tpu.vector_load %arg5[%get3A_698, %get3A_699] {strides = array<i32>} : memref<8x72xi32, #tpu.memory_space<vmem>>, vector<1x16xi32>,
      %get3A_701 = vector.shape_cast %get3A_700 : vector<1x16xi32> to vector<16xi32>
      %swap3A_702 = arith.constant 1176 : index
      %swap3A_703 = tpu.vector_load %arg6[%swap3A_702] {strides = array<i32>} : memref<1600xi32, #tpu.memory_space<vmem>>, vector<16xi32>,
      %swap3A_704 = vector.shape_cast %swap3A_703 : vector<16xi32> to vector<16xi32>
      %swap3A_705 = vector.shape_cast %get3A_701 : vector<16xi32> to vector<16xi32>
      tpu.vector_store %arg6[%swap3A_702], %swap3A_705 {strides = array<i32>} : memref<1600xi32, #tpu.memory_space<vmem>>, vector<16xi32>,
      %get3A_706 = arith.constant 5 : i32
      %get3A_707 = arith.index_cast %get3A_706 : i32 to index
      %get3A_708 = arith.constant 56 : index
      %get3A_709 = tpu.vector_load %arg5[%get3A_707, %get3A_708] {strides = array<i32>} : memref<8x72xi32, #tpu.memory_space<vmem>>, vector<1x16xi32>,
      %get3A_710 = vector.shape_cast %get3A_709 : vector<1x16xi32> to vector<16xi32>
      %swap3A_711 = arith.constant 1184 : index
      %swap3A_712 = tpu.vector_load %arg6[%swap3A_711] {strides = array<i32>} : memref<1600xi32, #tpu.memory_space<vmem>>, vector<16xi32>,
      %swap3A_713 = vector.shape_cast %swap3A_712 : vector<16xi32> to vector<16xi32>
      %swap3A_714 = vector.shape_cast %get3A_710 : vector<16xi32> to vector<16xi32>
      tpu.vector_store %arg6[%swap3A_711], %swap3A_714 {strides = array<i32>} : memref<1600xi32, #tpu.memory_space<vmem>>, vector<16xi32>,
      %get3A_715 = arith.constant 6 : i32
      %get3A_716 = arith.index_cast %get3A_715 : i32 to index
      %get3A_717 = arith.constant 0 : index
      %get3A_718 = tpu.vector_load %arg4[%get3A_716, %get3A_717] {strides = array<i32>} : memref<8x128xi32, #tpu.memory_space<vmem>>, vector<1x16xi32>,
      %get3A_719 = vector.shape_cast %get3A_718 : vector<1x16xi32> to vector<16xi32>
      %swap3A_720 = arith.constant 1200 : index
      %swap3A_721 = tpu.vector_load %arg6[%swap3A_720] {strides = array<i32>} : memref<1600xi32, #tpu.memory_space<vmem>>, vector<16xi32>,
      %swap3A_722 = vector.shape_cast %swap3A_721 : vector<16xi32> to vector<16xi32>
      %swap3A_723 = vector.shape_cast %get3A_719 : vector<16xi32> to vector<16xi32>
      tpu.vector_store %arg6[%swap3A_720], %swap3A_723 {strides = array<i32>} : memref<1600xi32, #tpu.memory_space<vmem>>, vector<16xi32>,
      %get3A_724 = arith.constant 6 : i32
      %get3A_725 = arith.index_cast %get3A_724 : i32 to index
      %get3A_726 = arith.constant 16 : index
      %get3A_727 = tpu.vector_load %arg4[%get3A_725, %get3A_726] {strides = array<i32>} : memref<8x128xi32, #tpu.memory_space<vmem>>, vector<1x16xi32>,
      %get3A_728 = vector.shape_cast %get3A_727 : vector<1x16xi32> to vector<16xi32>
      %swap3A_729 = arith.constant 1216 : index
      %swap3A_730 = tpu.vector_load %arg6[%swap3A_729] {strides = array<i32>} : memref<1600xi32, #tpu.memory_space<vmem>>, vector<16xi32>,
      %swap3A_731 = vector.shape_cast %swap3A_730 : vector<16xi32> to vector<16xi32>
      %swap3A_732 = vector.shape_cast %get3A_728 : vector<16xi32> to vector<16xi32>
      tpu.vector_store %arg6[%swap3A_729], %swap3A_732 {strides = array<i32>} : memref<1600xi32, #tpu.memory_space<vmem>>, vector<16xi32>,
      %get3A_733 = arith.constant 6 : i32
      %get3A_734 = arith.index_cast %get3A_733 : i32 to index
      %get3A_735 = arith.constant 32 : index
      %get3A_736 = tpu.vector_load %arg4[%get3A_734, %get3A_735] {strides = array<i32>} : memref<8x128xi32, #tpu.memory_space<vmem>>, vector<1x16xi32>,
      %get3A_737 = vector.shape_cast %get3A_736 : vector<1x16xi32> to vector<16xi32>
      %swap3A_738 = arith.constant 1232 : index
      %swap3A_739 = tpu.vector_load %arg6[%swap3A_738] {strides = array<i32>} : memref<1600xi32, #tpu.memory_space<vmem>>, vector<16xi32>,
      %swap3A_740 = vector.shape_cast %swap3A_739 : vector<16xi32> to vector<16xi32>
      %swap3A_741 = vector.shape_cast %get3A_737 : vector<16xi32> to vector<16xi32>
      tpu.vector_store %arg6[%swap3A_738], %swap3A_741 {strides = array<i32>} : memref<1600xi32, #tpu.memory_space<vmem>>, vector<16xi32>,
      %get3A_742 = arith.constant 6 : i32
      %get3A_743 = arith.index_cast %get3A_742 : i32 to index
      %get3A_744 = arith.constant 48 : index
      %get3A_745 = tpu.vector_load %arg4[%get3A_743, %get3A_744] {strides = array<i32>} : memref<8x128xi32, #tpu.memory_space<vmem>>, vector<1x16xi32>,
      %get3A_746 = vector.shape_cast %get3A_745 : vector<1x16xi32> to vector<16xi32>
      %swap3A_747 = arith.constant 1248 : index
      %swap3A_748 = tpu.vector_load %arg6[%swap3A_747] {strides = array<i32>} : memref<1600xi32, #tpu.memory_space<vmem>>, vector<16xi32>,
      %swap3A_749 = vector.shape_cast %swap3A_748 : vector<16xi32> to vector<16xi32>
      %swap3A_750 = vector.shape_cast %get3A_746 : vector<16xi32> to vector<16xi32>
      tpu.vector_store %arg6[%swap3A_747], %swap3A_750 {strides = array<i32>} : memref<1600xi32, #tpu.memory_space<vmem>>, vector<16xi32>,
      %get3A_751 = arith.constant 6 : i32
      %get3A_752 = arith.index_cast %get3A_751 : i32 to index
      %get3A_753 = arith.constant 64 : index
      %get3A_754 = tpu.vector_load %arg4[%get3A_752, %get3A_753] {strides = array<i32>} : memref<8x128xi32, #tpu.memory_space<vmem>>, vector<1x16xi32>,
      %get3A_755 = vector.shape_cast %get3A_754 : vector<1x16xi32> to vector<16xi32>
      %swap3A_756 = arith.constant 1264 : index
      %swap3A_757 = tpu.vector_load %arg6[%swap3A_756] {strides = array<i32>} : memref<1600xi32, #tpu.memory_space<vmem>>, vector<16xi32>,
      %swap3A_758 = vector.shape_cast %swap3A_757 : vector<16xi32> to vector<16xi32>
      %swap3A_759 = vector.shape_cast %get3A_755 : vector<16xi32> to vector<16xi32>
      tpu.vector_store %arg6[%swap3A_756], %swap3A_759 {strides = array<i32>} : memref<1600xi32, #tpu.memory_space<vmem>>, vector<16xi32>,
      %get3A_760 = arith.constant 6 : i32
      %get3A_761 = arith.index_cast %get3A_760 : i32 to index
      %get3A_762 = arith.constant 80 : index
      %get3A_763 = tpu.vector_load %arg4[%get3A_761, %get3A_762] {strides = array<i32>} : memref<8x128xi32, #tpu.memory_space<vmem>>, vector<1x16xi32>,
      %get3A_764 = vector.shape_cast %get3A_763 : vector<1x16xi32> to vector<16xi32>
      %swap3A_765 = arith.constant 1280 : index
      %swap3A_766 = tpu.vector_load %arg6[%swap3A_765] {strides = array<i32>} : memref<1600xi32, #tpu.memory_space<vmem>>, vector<16xi32>,
      %swap3A_767 = vector.shape_cast %swap3A_766 : vector<16xi32> to vector<16xi32>
      %swap3A_768 = vector.shape_cast %get3A_764 : vector<16xi32> to vector<16xi32>
      tpu.vector_store %arg6[%swap3A_765], %swap3A_768 {strides = array<i32>} : memref<1600xi32, #tpu.memory_space<vmem>>, vector<16xi32>,
      %get3A_769 = arith.constant 6 : i32
      %get3A_770 = arith.index_cast %get3A_769 : i32 to index
      %get3A_771 = arith.constant 96 : index
      %get3A_772 = tpu.vector_load %arg4[%get3A_770, %get3A_771] {strides = array<i32>} : memref<8x128xi32, #tpu.memory_space<vmem>>, vector<1x16xi32>,
      %get3A_773 = vector.shape_cast %get3A_772 : vector<1x16xi32> to vector<16xi32>
      %swap3A_774 = arith.constant 1296 : index
      %swap3A_775 = tpu.vector_load %arg6[%swap3A_774] {strides = array<i32>} : memref<1600xi32, #tpu.memory_space<vmem>>, vector<16xi32>,
      %swap3A_776 = vector.shape_cast %swap3A_775 : vector<16xi32> to vector<16xi32>
      %swap3A_777 = vector.shape_cast %get3A_773 : vector<16xi32> to vector<16xi32>
      tpu.vector_store %arg6[%swap3A_774], %swap3A_777 {strides = array<i32>} : memref<1600xi32, #tpu.memory_space<vmem>>, vector<16xi32>,
      %get3A_778 = arith.constant 6 : i32
      %get3A_779 = arith.index_cast %get3A_778 : i32 to index
      %get3A_780 = arith.constant 112 : index
      %get3A_781 = tpu.vector_load %arg4[%get3A_779, %get3A_780] {strides = array<i32>} : memref<8x128xi32, #tpu.memory_space<vmem>>, vector<1x16xi32>,
      %get3A_782 = vector.shape_cast %get3A_781 : vector<1x16xi32> to vector<16xi32>
      %swap3A_783 = arith.constant 1312 : index
      %swap3A_784 = tpu.vector_load %arg6[%swap3A_783] {strides = array<i32>} : memref<1600xi32, #tpu.memory_space<vmem>>, vector<16xi32>,
      %swap3A_785 = vector.shape_cast %swap3A_784 : vector<16xi32> to vector<16xi32>
      %swap3A_786 = vector.shape_cast %get3A_782 : vector<16xi32> to vector<16xi32>
      tpu.vector_store %arg6[%swap3A_783], %swap3A_786 {strides = array<i32>} : memref<1600xi32, #tpu.memory_space<vmem>>, vector<16xi32>,
      %get3A_787 = arith.constant 6 : i32
      %get3A_788 = arith.index_cast %get3A_787 : i32 to index
      %get3A_789 = arith.constant 0 : index
      %get3A_790 = tpu.vector_load %arg5[%get3A_788, %get3A_789] {strides = array<i32>} : memref<8x72xi32, #tpu.memory_space<vmem>>, vector<1x16xi32>,
      %get3A_791 = vector.shape_cast %get3A_790 : vector<1x16xi32> to vector<16xi32>
      %swap3A_792 = arith.constant 1328 : index
      %swap3A_793 = tpu.vector_load %arg6[%swap3A_792] {strides = array<i32>} : memref<1600xi32, #tpu.memory_space<vmem>>, vector<16xi32>,
      %swap3A_794 = vector.shape_cast %swap3A_793 : vector<16xi32> to vector<16xi32>
      %swap3A_795 = vector.shape_cast %get3A_791 : vector<16xi32> to vector<16xi32>
      tpu.vector_store %arg6[%swap3A_792], %swap3A_795 {strides = array<i32>} : memref<1600xi32, #tpu.memory_space<vmem>>, vector<16xi32>,
      %get3A_796 = arith.constant 6 : i32
      %get3A_797 = arith.index_cast %get3A_796 : i32 to index
      %get3A_798 = arith.constant 16 : index
      %get3A_799 = tpu.vector_load %arg5[%get3A_797, %get3A_798] {strides = array<i32>} : memref<8x72xi32, #tpu.memory_space<vmem>>, vector<1x16xi32>,
      %get3A_800 = vector.shape_cast %get3A_799 : vector<1x16xi32> to vector<16xi32>
      %swap3A_801 = arith.constant 1344 : index
      %swap3A_802 = tpu.vector_load %arg6[%swap3A_801] {strides = array<i32>} : memref<1600xi32, #tpu.memory_space<vmem>>, vector<16xi32>,
      %swap3A_803 = vector.shape_cast %swap3A_802 : vector<16xi32> to vector<16xi32>
      %swap3A_804 = vector.shape_cast %get3A_800 : vector<16xi32> to vector<16xi32>
      tpu.vector_store %arg6[%swap3A_801], %swap3A_804 {strides = array<i32>} : memref<1600xi32, #tpu.memory_space<vmem>>, vector<16xi32>,
      %get3A_805 = arith.constant 6 : i32
      %get3A_806 = arith.index_cast %get3A_805 : i32 to index
      %get3A_807 = arith.constant 32 : index
      %get3A_808 = tpu.vector_load %arg5[%get3A_806, %get3A_807] {strides = array<i32>} : memref<8x72xi32, #tpu.memory_space<vmem>>, vector<1x16xi32>,
      %get3A_809 = vector.shape_cast %get3A_808 : vector<1x16xi32> to vector<16xi32>
      %swap3A_810 = arith.constant 1360 : index
      %swap3A_811 = tpu.vector_load %arg6[%swap3A_810] {strides = array<i32>} : memref<1600xi32, #tpu.memory_space<vmem>>, vector<16xi32>,
      %swap3A_812 = vector.shape_cast %swap3A_811 : vector<16xi32> to vector<16xi32>
      %swap3A_813 = vector.shape_cast %get3A_809 : vector<16xi32> to vector<16xi32>
      tpu.vector_store %arg6[%swap3A_810], %swap3A_813 {strides = array<i32>} : memref<1600xi32, #tpu.memory_space<vmem>>, vector<16xi32>,
      %get3A_814 = arith.constant 6 : i32
      %get3A_815 = arith.index_cast %get3A_814 : i32 to index
      %get3A_816 = arith.constant 48 : index
      %get3A_817 = tpu.vector_load %arg5[%get3A_815, %get3A_816] {strides = array<i32>} : memref<8x72xi32, #tpu.memory_space<vmem>>, vector<1x16xi32>,
      %get3A_818 = vector.shape_cast %get3A_817 : vector<1x16xi32> to vector<16xi32>
      %swap3A_819 = arith.constant 1376 : index
      %swap3A_820 = tpu.vector_load %arg6[%swap3A_819] {strides = array<i32>} : memref<1600xi32, #tpu.memory_space<vmem>>, vector<16xi32>,
      %swap3A_821 = vector.shape_cast %swap3A_820 : vector<16xi32> to vector<16xi32>
      %swap3A_822 = vector.shape_cast %get3A_818 : vector<16xi32> to vector<16xi32>
      tpu.vector_store %arg6[%swap3A_819], %swap3A_822 {strides = array<i32>} : memref<1600xi32, #tpu.memory_space<vmem>>, vector<16xi32>,
      %get3A_823 = arith.constant 6 : i32
      %get3A_824 = arith.index_cast %get3A_823 : i32 to index
      %get3A_825 = arith.constant 56 : index
      %get3A_826 = tpu.vector_load %arg5[%get3A_824, %get3A_825] {strides = array<i32>} : memref<8x72xi32, #tpu.memory_space<vmem>>, vector<1x16xi32>,
      %get3A_827 = vector.shape_cast %get3A_826 : vector<1x16xi32> to vector<16xi32>
      %swap3A_828 = arith.constant 1384 : index
      %swap3A_829 = tpu.vector_load %arg6[%swap3A_828] {strides = array<i32>} : memref<1600xi32, #tpu.memory_space<vmem>>, vector<16xi32>,
      %swap3A_830 = vector.shape_cast %swap3A_829 : vector<16xi32> to vector<16xi32>
      %swap3A_831 = vector.shape_cast %get3A_827 : vector<16xi32> to vector<16xi32>
      tpu.vector_store %arg6[%swap3A_828], %swap3A_831 {strides = array<i32>} : memref<1600xi32, #tpu.memory_space<vmem>>, vector<16xi32>,
      %get3A_832 = arith.constant 7 : i32
      %get3A_833 = arith.index_cast %get3A_832 : i32 to index
      %get3A_834 = arith.constant 0 : index
      %get3A_835 = tpu.vector_load %arg4[%get3A_833, %get3A_834] {strides = array<i32>} : memref<8x128xi32, #tpu.memory_space<vmem>>, vector<1x16xi32>,
      %get3A_836 = vector.shape_cast %get3A_835 : vector<1x16xi32> to vector<16xi32>
      %swap3A_837 = arith.constant 1400 : index
      %swap3A_838 = tpu.vector_load %arg6[%swap3A_837] {strides = array<i32>} : memref<1600xi32, #tpu.memory_space<vmem>>, vector<16xi32>,
      %swap3A_839 = vector.shape_cast %swap3A_838 : vector<16xi32> to vector<16xi32>
      %swap3A_840 = vector.shape_cast %get3A_836 : vector<16xi32> to vector<16xi32>
      tpu.vector_store %arg6[%swap3A_837], %swap3A_840 {strides = array<i32>} : memref<1600xi32, #tpu.memory_space<vmem>>, vector<16xi32>,
      %get3A_841 = arith.constant 7 : i32
      %get3A_842 = arith.index_cast %get3A_841 : i32 to index
      %get3A_843 = arith.constant 16 : index
      %get3A_844 = tpu.vector_load %arg4[%get3A_842, %get3A_843] {strides = array<i32>} : memref<8x128xi32, #tpu.memory_space<vmem>>, vector<1x16xi32>,
      %get3A_845 = vector.shape_cast %get3A_844 : vector<1x16xi32> to vector<16xi32>
      %swap3A_846 = arith.constant 1416 : index
      %swap3A_847 = tpu.vector_load %arg6[%swap3A_846] {strides = array<i32>} : memref<1600xi32, #tpu.memory_space<vmem>>, vector<16xi32>,
      %swap3A_848 = vector.shape_cast %swap3A_847 : vector<16xi32> to vector<16xi32>
      %swap3A_849 = vector.shape_cast %get3A_845 : vector<16xi32> to vector<16xi32>
      tpu.vector_store %arg6[%swap3A_846], %swap3A_849 {strides = array<i32>} : memref<1600xi32, #tpu.memory_space<vmem>>, vector<16xi32>,
      %get3A_850 = arith.constant 7 : i32
      %get3A_851 = arith.index_cast %get3A_850 : i32 to index
      %get3A_852 = arith.constant 32 : index
      %get3A_853 = tpu.vector_load %arg4[%get3A_851, %get3A_852] {strides = array<i32>} : memref<8x128xi32, #tpu.memory_space<vmem>>, vector<1x16xi32>,
      %get3A_854 = vector.shape_cast %get3A_853 : vector<1x16xi32> to vector<16xi32>
      %swap3A_855 = arith.constant 1432 : index
      %swap3A_856 = tpu.vector_load %arg6[%swap3A_855] {strides = array<i32>} : memref<1600xi32, #tpu.memory_space<vmem>>, vector<16xi32>,
      %swap3A_857 = vector.shape_cast %swap3A_856 : vector<16xi32> to vector<16xi32>
      %swap3A_858 = vector.shape_cast %get3A_854 : vector<16xi32> to vector<16xi32>
      tpu.vector_store %arg6[%swap3A_855], %swap3A_858 {strides = array<i32>} : memref<1600xi32, #tpu.memory_space<vmem>>, vector<16xi32>,
      %get3A_859 = arith.constant 7 : i32
      %get3A_860 = arith.index_cast %get3A_859 : i32 to index
      %get3A_861 = arith.constant 48 : index
      %get3A_862 = tpu.vector_load %arg4[%get3A_860, %get3A_861] {strides = array<i32>} : memref<8x128xi32, #tpu.memory_space<vmem>>, vector<1x16xi32>,
      %get3A_863 = vector.shape_cast %get3A_862 : vector<1x16xi32> to vector<16xi32>
      %swap3A_864 = arith.constant 1448 : index
      %swap3A_865 = tpu.vector_load %arg6[%swap3A_864] {strides = array<i32>} : memref<1600xi32, #tpu.memory_space<vmem>>, vector<16xi32>,
      %swap3A_866 = vector.shape_cast %swap3A_865 : vector<16xi32> to vector<16xi32>
      %swap3A_867 = vector.shape_cast %get3A_863 : vector<16xi32> to vector<16xi32>
      tpu.vector_store %arg6[%swap3A_864], %swap3A_867 {strides = array<i32>} : memref<1600xi32, #tpu.memory_space<vmem>>, vector<16xi32>,
      %get3A_868 = arith.constant 7 : i32
      %get3A_869 = arith.index_cast %get3A_868 : i32 to index
      %get3A_870 = arith.constant 64 : index
      %get3A_871 = tpu.vector_load %arg4[%get3A_869, %get3A_870] {strides = array<i32>} : memref<8x128xi32, #tpu.memory_space<vmem>>, vector<1x16xi32>,
      %get3A_872 = vector.shape_cast %get3A_871 : vector<1x16xi32> to vector<16xi32>
      %swap3A_873 = arith.constant 1464 : index
      %swap3A_874 = tpu.vector_load %arg6[%swap3A_873] {strides = array<i32>} : memref<1600xi32, #tpu.memory_space<vmem>>, vector<16xi32>,
      %swap3A_875 = vector.shape_cast %swap3A_874 : vector<16xi32> to vector<16xi32>
      %swap3A_876 = vector.shape_cast %get3A_872 : vector<16xi32> to vector<16xi32>
      tpu.vector_store %arg6[%swap3A_873], %swap3A_876 {strides = array<i32>} : memref<1600xi32, #tpu.memory_space<vmem>>, vector<16xi32>,
      %get3A_877 = arith.constant 7 : i32
      %get3A_878 = arith.index_cast %get3A_877 : i32 to index
      %get3A_879 = arith.constant 80 : index
      %get3A_880 = tpu.vector_load %arg4[%get3A_878, %get3A_879] {strides = array<i32>} : memref<8x128xi32, #tpu.memory_space<vmem>>, vector<1x16xi32>,
      %get3A_881 = vector.shape_cast %get3A_880 : vector<1x16xi32> to vector<16xi32>
      %swap3A_882 = arith.constant 1480 : index
      %swap3A_883 = tpu.vector_load %arg6[%swap3A_882] {strides = array<i32>} : memref<1600xi32, #tpu.memory_space<vmem>>, vector<16xi32>,
      %swap3A_884 = vector.shape_cast %swap3A_883 : vector<16xi32> to vector<16xi32>
      %swap3A_885 = vector.shape_cast %get3A_881 : vector<16xi32> to vector<16xi32>
      tpu.vector_store %arg6[%swap3A_882], %swap3A_885 {strides = array<i32>} : memref<1600xi32, #tpu.memory_space<vmem>>, vector<16xi32>,
      %get3A_886 = arith.constant 7 : i32
      %get3A_887 = arith.index_cast %get3A_886 : i32 to index
      %get3A_888 = arith.constant 96 : index
      %get3A_889 = tpu.vector_load %arg4[%get3A_887, %get3A_888] {strides = array<i32>} : memref<8x128xi32, #tpu.memory_space<vmem>>, vector<1x16xi32>,
      %get3A_890 = vector.shape_cast %get3A_889 : vector<1x16xi32> to vector<16xi32>
      %swap3A_891 = arith.constant 1496 : index
      %swap3A_892 = tpu.vector_load %arg6[%swap3A_891] {strides = array<i32>} : memref<1600xi32, #tpu.memory_space<vmem>>, vector<16xi32>,
      %swap3A_893 = vector.shape_cast %swap3A_892 : vector<16xi32> to vector<16xi32>
      %swap3A_894 = vector.shape_cast %get3A_890 : vector<16xi32> to vector<16xi32>
      tpu.vector_store %arg6[%swap3A_891], %swap3A_894 {strides = array<i32>} : memref<1600xi32, #tpu.memory_space<vmem>>, vector<16xi32>,
      %get3A_895 = arith.constant 7 : i32
      %get3A_896 = arith.index_cast %get3A_895 : i32 to index
      %get3A_897 = arith.constant 112 : index
      %get3A_898 = tpu.vector_load %arg4[%get3A_896, %get3A_897] {strides = array<i32>} : memref<8x128xi32, #tpu.memory_space<vmem>>, vector<1x16xi32>,
      %get3A_899 = vector.shape_cast %get3A_898 : vector<1x16xi32> to vector<16xi32>
      %swap3A_900 = arith.constant 1512 : index
      %swap3A_901 = tpu.vector_load %arg6[%swap3A_900] {strides = array<i32>} : memref<1600xi32, #tpu.memory_space<vmem>>, vector<16xi32>,
      %swap3A_902 = vector.shape_cast %swap3A_901 : vector<16xi32> to vector<16xi32>
      %swap3A_903 = vector.shape_cast %get3A_899 : vector<16xi32> to vector<16xi32>
      tpu.vector_store %arg6[%swap3A_900], %swap3A_903 {strides = array<i32>} : memref<1600xi32, #tpu.memory_space<vmem>>, vector<16xi32>,
      %get3A_904 = arith.constant 7 : i32
      %get3A_905 = arith.index_cast %get3A_904 : i32 to index
      %get3A_906 = arith.constant 0 : index
      %get3A_907 = tpu.vector_load %arg5[%get3A_905, %get3A_906] {strides = array<i32>} : memref<8x72xi32, #tpu.memory_space<vmem>>, vector<1x16xi32>,
      %get3A_908 = vector.shape_cast %get3A_907 : vector<1x16xi32> to vector<16xi32>
      %swap3A_909 = arith.constant 1528 : index
      %swap3A_910 = tpu.vector_load %arg6[%swap3A_909] {strides = array<i32>} : memref<1600xi32, #tpu.memory_space<vmem>>, vector<16xi32>,
      %swap3A_911 = vector.shape_cast %swap3A_910 : vector<16xi32> to vector<16xi32>
      %swap3A_912 = vector.shape_cast %get3A_908 : vector<16xi32> to vector<16xi32>
      tpu.vector_store %arg6[%swap3A_909], %swap3A_912 {strides = array<i32>} : memref<1600xi32, #tpu.memory_space<vmem>>, vector<16xi32>,
      %get3A_913 = arith.constant 7 : i32
      %get3A_914 = arith.index_cast %get3A_913 : i32 to index
      %get3A_915 = arith.constant 16 : index
      %get3A_916 = tpu.vector_load %arg5[%get3A_914, %get3A_915] {strides = array<i32>} : memref<8x72xi32, #tpu.memory_space<vmem>>, vector<1x16xi32>,
      %get3A_917 = vector.shape_cast %get3A_916 : vector<1x16xi32> to vector<16xi32>
      %swap3A_918 = arith.constant 1544 : index
      %swap3A_919 = tpu.vector_load %arg6[%swap3A_918] {strides = array<i32>} : memref<1600xi32, #tpu.memory_space<vmem>>, vector<16xi32>,
      %swap3A_920 = vector.shape_cast %swap3A_919 : vector<16xi32> to vector<16xi32>
      %swap3A_921 = vector.shape_cast %get3A_917 : vector<16xi32> to vector<16xi32>
      tpu.vector_store %arg6[%swap3A_918], %swap3A_921 {strides = array<i32>} : memref<1600xi32, #tpu.memory_space<vmem>>, vector<16xi32>,
      %get3A_922 = arith.constant 7 : i32
      %get3A_923 = arith.index_cast %get3A_922 : i32 to index
      %get3A_924 = arith.constant 32 : index
      %get3A_925 = tpu.vector_load %arg5[%get3A_923, %get3A_924] {strides = array<i32>} : memref<8x72xi32, #tpu.memory_space<vmem>>, vector<1x16xi32>,
      %get3A_926 = vector.shape_cast %get3A_925 : vector<1x16xi32> to vector<16xi32>
      %swap3A_927 = arith.constant 1560 : index
      %swap3A_928 = tpu.vector_load %arg6[%swap3A_927] {strides = array<i32>} : memref<1600xi32, #tpu.memory_space<vmem>>, vector<16xi32>,
      %swap3A_929 = vector.shape_cast %swap3A_928 : vector<16xi32> to vector<16xi32>
      %swap3A_930 = vector.shape_cast %get3A_926 : vector<16xi32> to vector<16xi32>
      tpu.vector_store %arg6[%swap3A_927], %swap3A_930 {strides = array<i32>} : memref<1600xi32, #tpu.memory_space<vmem>>, vector<16xi32>,
      %get3A_931 = arith.constant 7 : i32
      %get3A_932 = arith.index_cast %get3A_931 : i32 to index
      %get3A_933 = arith.constant 48 : index
      %get3A_934 = tpu.vector_load %arg5[%get3A_932, %get3A_933] {strides = array<i32>} : memref<8x72xi32, #tpu.memory_space<vmem>>, vector<1x16xi32>,
      %get3A_935 = vector.shape_cast %get3A_934 : vector<1x16xi32> to vector<16xi32>
      %swap3A_936 = arith.constant 1576 : index
      %swap3A_937 = tpu.vector_load %arg6[%swap3A_936] {strides = array<i32>} : memref<1600xi32, #tpu.memory_space<vmem>>, vector<16xi32>,
      %swap3A_938 = vector.shape_cast %swap3A_937 : vector<16xi32> to vector<16xi32>
      %swap3A_939 = vector.shape_cast %get3A_935 : vector<16xi32> to vector<16xi32>
      tpu.vector_store %arg6[%swap3A_936], %swap3A_939 {strides = array<i32>} : memref<1600xi32, #tpu.memory_space<vmem>>, vector<16xi32>,
      %get3A_940 = arith.constant 7 : i32
      %get3A_941 = arith.index_cast %get3A_940 : i32 to index
      %get3A_942 = arith.constant 56 : index
      %get3A_943 = tpu.vector_load %arg5[%get3A_941, %get3A_942] {strides = array<i32>} : memref<8x72xi32, #tpu.memory_space<vmem>>, vector<1x16xi32>,
      %get3A_944 = vector.shape_cast %get3A_943 : vector<1x16xi32> to vector<16xi32>
      %swap3A_945 = arith.constant 1584 : index
      %swap3A_946 = tpu.vector_load %arg6[%swap3A_945] {strides = array<i32>} : memref<1600xi32, #tpu.memory_space<vmem>>, vector<16xi32>,
      %swap3A_947 = vector.shape_cast %swap3A_946 : vector<16xi32> to vector<16xi32>
      %swap3A_948 = vector.shape_cast %get3A_944 : vector<16xi32> to vector<16xi32>
      tpu.vector_store %arg6[%swap3A_945], %swap3A_948 {strides = array<i32>} : memref<1600xi32, #tpu.memory_space<vmem>>, vector<16xi32>,
      %mul3A_949 = arith.constant 200 : i32
      %mul3A_950 = arith.muli %add3A_14, %mul3A_949 : i32
      "tpu.region"() ({
        %run_scoped3A = tpu.sem_alloc : memref<!tpu.dma_semaphore, #tpu.memory_space<semaphore_mem>>
        %dma_start3A = tpu.memref_slice %arg3[%mul3A_950] : memref<3276800xi32, #tpu.memory_space<hbm>> -> memref<1600xi32, #tpu.memory_space<hbm>>
        %dma_start3A_951 = tpu.memref_slice %arg3[%mul3A_950] : memref<3276800xi32, #tpu.memory_space<hbm>> -> memref<1600xi32, #tpu.memory_space<hbm>>
        tpu.enqueue_dma source(%arg6 : memref<1600xi32, #tpu.memory_space<vmem>>) target(%dma_start3A_951 : memref<1600xi32, #tpu.memory_space<hbm>>) target_semaphore(%run_scoped3A : memref<!tpu.dma_semaphore, #tpu.memory_space<semaphore_mem>>)
        %dma_wait3A = tpu.memref_slice %arg3[%mul3A_950] : memref<3276800xi32, #tpu.memory_space<hbm>> -> memref<1600xi32, #tpu.memory_space<hbm>>
        %dma_wait3A_952 = tpu.memref_slice %arg3[%mul3A_950] : memref<3276800xi32, #tpu.memory_space<hbm>> -> memref<1600xi32, #tpu.memory_space<hbm>>
        tpu.wait_dma2 semaphore(%run_scoped3A : memref<!tpu.dma_semaphore, #tpu.memory_space<semaphore_mem>>) src(%arg6 : memref<1600xi32, #tpu.memory_space<vmem>>) dst(%dma_wait3A_952 : memref<1600xi32, #tpu.memory_space<hbm>>)
        tpu.yield
      }) : () -> ()
    }
    %scan3A_6 = arith.constant 64 : i32
    return
  }
}

#map = affine_map<(d0, d1) -> (0)>
#map1 = affine_map<(d0, d1) -> (0, 0)>
module attributes {stable_mosaic.version = 14 : i64} {
  func.func @k(%arg0: i32, %arg1: i32, %arg2: memref<3276800xi32, #tpu.memory_space<hbm>>, %arg3: memref<1000000x64xf32, #tpu.memory_space<hbm>>, %arg4: memref<16384x64xf32, #tpu.memory_space<hbm>>, %arg5: memref<2x400xi32, #tpu.memory_space<vmem>>, %arg6: memref<2x400x64xf32, #tpu.memory_space<vmem>>, %arg7: memref<512x64xf32, #tpu.memory_space<vmem>>, %arg8: memref<2x!tpu.dma_semaphore, #tpu.memory_space<semaphore_mem>>) attributes {dimension_semantics = [#tpu.dimension_semantics<core_parallel>, #tpu.dimension_semantics<subcore_parallel>], iteration_bounds = array<i64: 2, 16>, scalar_prefetch = 0 : i64, scratch_operands = 4 : i64, tpu.core_type = #tpu.core_type<sc_vector_subcore>, window_params = [{transform_indices = #map}, {transform_indices = #map1}, {transform_indices = #map1}]} {
    %mul3A = arith.constant 2 : i32
    %mul3A_0 = arith.muli %arg1, %mul3A : i32
    %add3A = arith.addi %mul3A_0, %arg0 : i32
    %mul3A_1 = arith.constant 512 : i32
    %mul3A_2 = arith.muli %add3A, %mul3A_1 : i32
    %add3A_3 = arith.constant 0 : i32
    %add3A_4 = arith.addi %mul3A_2, %add3A_3 : i32
    %mul3A_5 = arith.constant 200 : i32
    %mul3A_6 = arith.muli %add3A_4, %mul3A_5 : i32
    %run_scoped3A = arith.constant 0 : i32
    "tpu.region"() ({
      %run_scoped3A_284 = tpu.sem_alloc : memref<!tpu.dma_semaphore, #tpu.memory_space<semaphore_mem>>
      %dma_start3A_285 = arith.constant 0 : i32
      %dma_start3A_286 = tpu.memref_slice %arg5[%run_scoped3A, %dma_start3A_285] : memref<2x400xi32, #tpu.memory_space<vmem>> -> memref<1x400xi32, #tpu.memory_space<vmem>>
      %dma_start3A_287 = tpu.memref_squeeze %dma_start3A_286 : memref<1x400xi32, #tpu.memory_space<vmem>> -> memref<400xi32, #tpu.memory_space<vmem>>
      %dma_start3A_288 = tpu.memref_slice %arg2[%mul3A_6] : memref<3276800xi32, #tpu.memory_space<hbm>> -> memref<400xi32, #tpu.memory_space<hbm>>
      %dma_start3A_289 = arith.constant 0 : i32
      %dma_start3A_290 = tpu.memref_slice %arg5[%run_scoped3A, %dma_start3A_289] : memref<2x400xi32, #tpu.memory_space<vmem>> -> memref<1x400xi32, #tpu.memory_space<vmem>>
      %dma_start3A_291 = tpu.memref_squeeze %dma_start3A_290 : memref<1x400xi32, #tpu.memory_space<vmem>> -> memref<400xi32, #tpu.memory_space<vmem>>
      %dma_start3A_292 = tpu.memref_slice %arg2[%mul3A_6] : memref<3276800xi32, #tpu.memory_space<hbm>> -> memref<400xi32, #tpu.memory_space<hbm>>
      tpu.enqueue_dma source(%dma_start3A_292 : memref<400xi32, #tpu.memory_space<hbm>>) target(%dma_start3A_291 : memref<400xi32, #tpu.memory_space<vmem>>) target_semaphore(%run_scoped3A_284 : memref<!tpu.dma_semaphore, #tpu.memory_space<semaphore_mem>>)
      %dma_wait3A_293 = arith.constant 0 : i32
      %dma_wait3A_294 = tpu.memref_slice %arg5[%run_scoped3A, %dma_wait3A_293] : memref<2x400xi32, #tpu.memory_space<vmem>> -> memref<1x400xi32, #tpu.memory_space<vmem>>
      %dma_wait3A_295 = tpu.memref_squeeze %dma_wait3A_294 : memref<1x400xi32, #tpu.memory_space<vmem>> -> memref<400xi32, #tpu.memory_space<vmem>>
      %dma_wait3A_296 = tpu.memref_slice %arg2[%mul3A_6] : memref<3276800xi32, #tpu.memory_space<hbm>> -> memref<400xi32, #tpu.memory_space<hbm>>
      %dma_wait3A_297 = arith.constant 0 : i32
      %dma_wait3A_298 = tpu.memref_slice %arg5[%run_scoped3A, %dma_wait3A_297] : memref<2x400xi32, #tpu.memory_space<vmem>> -> memref<1x400xi32, #tpu.memory_space<vmem>>
      %dma_wait3A_299 = tpu.memref_squeeze %dma_wait3A_298 : memref<1x400xi32, #tpu.memory_space<vmem>> -> memref<400xi32, #tpu.memory_space<vmem>>
      %dma_wait3A_300 = tpu.memref_slice %arg2[%mul3A_6] : memref<3276800xi32, #tpu.memory_space<hbm>> -> memref<400xi32, #tpu.memory_space<hbm>>
      tpu.wait_dma2 semaphore(%run_scoped3A_284 : memref<!tpu.dma_semaphore, #tpu.memory_space<semaphore_mem>>) src(%dma_wait3A_300 : memref<400xi32, #tpu.memory_space<hbm>>) dst(%dma_wait3A_299 : memref<400xi32, #tpu.memory_space<vmem>>)
      tpu.yield
    }) : () -> ()
    %dma_start3A = arith.constant 0 : i32
    %dma_start3A_7 = arith.constant 0 : i32
    %dma_start3A_8 = arith.constant 0 : i32
    %dma_start3A_9 = arith.constant 0 : i32
    %dma_start3A_10 = arith.constant 0 : i32
    %dma_start3A_11 = tpu.memref_slice %arg6[%dma_start3A_7, %dma_start3A_9, %dma_start3A_10] : memref<2x400x64xf32, #tpu.memory_space<vmem>> -> memref<1x200x64xf32, #tpu.memory_space<vmem>>
    %dma_start3A_12 = tpu.memref_squeeze %dma_start3A_11 : memref<1x200x64xf32, #tpu.memory_space<vmem>> -> memref<200x64xf32, #tpu.memory_space<vmem>>
    %dma_start3A_13 = arith.constant 0 : i32
    %dma_start3A_14 = tpu.memref_slice %arg5[%dma_start3A, %dma_start3A_13] : memref<2x400xi32, #tpu.memory_space<vmem>> -> memref<1x200xi32, #tpu.memory_space<vmem>>
    %dma_start3A_15 = tpu.memref_squeeze %dma_start3A_14 : memref<1x200xi32, #tpu.memory_space<vmem>> -> memref<200xi32, #tpu.memory_space<vmem>>
    %dma_start3A_16 = arith.constant 0 : i32
    %dma_start3A_17 = arith.constant 0 : i32
    %dma_start3A_18 = tpu.memref_slice %arg3[%dma_start3A_16, %dma_start3A_17] : memref<1000000x64xf32, #tpu.memory_space<hbm>> -> memref<1000000x64xf32, #tpu.memory_space<hbm>>
    %dma_start3A_19 = tpu.memref_slice %arg8[%dma_start3A_8] : memref<2x!tpu.dma_semaphore, #tpu.memory_space<semaphore_mem>> -> memref<1x!tpu.dma_semaphore, #tpu.memory_space<semaphore_mem>>
    %dma_start3A_20 = tpu.memref_squeeze %dma_start3A_19 : memref<1x!tpu.dma_semaphore, #tpu.memory_space<semaphore_mem>> -> memref<!tpu.dma_semaphore, #tpu.memory_space<semaphore_mem>>
    tpu.enqueue_indirect_dma source(%dma_start3A_18 : memref<1000000x64xf32, #tpu.memory_space<hbm>>) target(%dma_start3A_12 : memref<200x64xf32, #tpu.memory_space<vmem>>) offsets(%dma_start3A_15 : memref<200xi32, #tpu.memory_space<vmem>>) semaphore(%dma_start3A_20 : memref<!tpu.dma_semaphore, #tpu.memory_space<semaphore_mem>>)
    %dma_start3A_21 = arith.constant 0 : i32
    %dma_start3A_22 = arith.constant 0 : i32
    %dma_start3A_23 = arith.constant 0 : i32
    %dma_start3A_24 = arith.constant 200 : i32
    %dma_start3A_25 = arith.constant 0 : i32
    %dma_start3A_26 = tpu.memref_slice %arg6[%dma_start3A_22, %dma_start3A_24, %dma_start3A_25] : memref<2x400x64xf32, #tpu.memory_space<vmem>> -> memref<1x200x64xf32, #tpu.memory_space<vmem>>
    %dma_start3A_27 = tpu.memref_squeeze %dma_start3A_26 : memref<1x200x64xf32, #tpu.memory_space<vmem>> -> memref<200x64xf32, #tpu.memory_space<vmem>>
    %dma_start3A_28 = arith.constant 200 : i32
    %dma_start3A_29 = tpu.memref_slice %arg5[%dma_start3A_21, %dma_start3A_28] : memref<2x400xi32, #tpu.memory_space<vmem>> -> memref<1x200xi32, #tpu.memory_space<vmem>>
    %dma_start3A_30 = tpu.memref_squeeze %dma_start3A_29 : memref<1x200xi32, #tpu.memory_space<vmem>> -> memref<200xi32, #tpu.memory_space<vmem>>
    %dma_start3A_31 = arith.constant 0 : i32
    %dma_start3A_32 = arith.constant 0 : i32
    %dma_start3A_33 = tpu.memref_slice %arg3[%dma_start3A_31, %dma_start3A_32] : memref<1000000x64xf32, #tpu.memory_space<hbm>> -> memref<1000000x64xf32, #tpu.memory_space<hbm>>
    %dma_start3A_34 = tpu.memref_slice %arg8[%dma_start3A_23] : memref<2x!tpu.dma_semaphore, #tpu.memory_space<semaphore_mem>> -> memref<1x!tpu.dma_semaphore, #tpu.memory_space<semaphore_mem>>
    %dma_start3A_35 = tpu.memref_squeeze %dma_start3A_34 : memref<1x!tpu.dma_semaphore, #tpu.memory_space<semaphore_mem>> -> memref<!tpu.dma_semaphore, #tpu.memory_space<semaphore_mem>>
    tpu.enqueue_indirect_dma source(%dma_start3A_33 : memref<1000000x64xf32, #tpu.memory_space<hbm>>) target(%dma_start3A_27 : memref<200x64xf32, #tpu.memory_space<vmem>>) offsets(%dma_start3A_30 : memref<200xi32, #tpu.memory_space<vmem>>) semaphore(%dma_start3A_35 : memref<!tpu.dma_semaphore, #tpu.memory_space<semaphore_mem>>)
    %add3A_36 = arith.constant 2 : i32
    %add3A_37 = arith.addi %mul3A_2, %add3A_36 : i32
    %mul3A_38 = arith.constant 200 : i32
    %mul3A_39 = arith.muli %add3A_37, %mul3A_38 : i32
    %run_scoped3A_40 = arith.constant 1 : i32
    "tpu.region"() ({
      %run_scoped3A_284 = tpu.sem_alloc : memref<!tpu.dma_semaphore, #tpu.memory_space<semaphore_mem>>
      %dma_start3A_285 = arith.constant 0 : i32
      %dma_start3A_286 = tpu.memref_slice %arg5[%run_scoped3A_40, %dma_start3A_285] : memref<2x400xi32, #tpu.memory_space<vmem>> -> memref<1x400xi32, #tpu.memory_space<vmem>>
      %dma_start3A_287 = tpu.memref_squeeze %dma_start3A_286 : memref<1x400xi32, #tpu.memory_space<vmem>> -> memref<400xi32, #tpu.memory_space<vmem>>
      %dma_start3A_288 = tpu.memref_slice %arg2[%mul3A_39] : memref<3276800xi32, #tpu.memory_space<hbm>> -> memref<400xi32, #tpu.memory_space<hbm>>
      %dma_start3A_289 = arith.constant 0 : i32
      %dma_start3A_290 = tpu.memref_slice %arg5[%run_scoped3A_40, %dma_start3A_289] : memref<2x400xi32, #tpu.memory_space<vmem>> -> memref<1x400xi32, #tpu.memory_space<vmem>>
      %dma_start3A_291 = tpu.memref_squeeze %dma_start3A_290 : memref<1x400xi32, #tpu.memory_space<vmem>> -> memref<400xi32, #tpu.memory_space<vmem>>
      %dma_start3A_292 = tpu.memref_slice %arg2[%mul3A_39] : memref<3276800xi32, #tpu.memory_space<hbm>> -> memref<400xi32, #tpu.memory_space<hbm>>
      tpu.enqueue_dma source(%dma_start3A_292 : memref<400xi32, #tpu.memory_space<hbm>>) target(%dma_start3A_291 : memref<400xi32, #tpu.memory_space<vmem>>) target_semaphore(%run_scoped3A_284 : memref<!tpu.dma_semaphore, #tpu.memory_space<semaphore_mem>>)
      %dma_wait3A_293 = arith.constant 0 : i32
      %dma_wait3A_294 = tpu.memref_slice %arg5[%run_scoped3A_40, %dma_wait3A_293] : memref<2x400xi32, #tpu.memory_space<vmem>> -> memref<1x400xi32, #tpu.memory_space<vmem>>
      %dma_wait3A_295 = tpu.memref_squeeze %dma_wait3A_294 : memref<1x400xi32, #tpu.memory_space<vmem>> -> memref<400xi32, #tpu.memory_space<vmem>>
      %dma_wait3A_296 = tpu.memref_slice %arg2[%mul3A_39] : memref<3276800xi32, #tpu.memory_space<hbm>> -> memref<400xi32, #tpu.memory_space<hbm>>
      %dma_wait3A_297 = arith.constant 0 : i32
      %dma_wait3A_298 = tpu.memref_slice %arg5[%run_scoped3A_40, %dma_wait3A_297] : memref<2x400xi32, #tpu.memory_space<vmem>> -> memref<1x400xi32, #tpu.memory_space<vmem>>
      %dma_wait3A_299 = tpu.memref_squeeze %dma_wait3A_298 : memref<1x400xi32, #tpu.memory_space<vmem>> -> memref<400xi32, #tpu.memory_space<vmem>>
      %dma_wait3A_300 = tpu.memref_slice %arg2[%mul3A_39] : memref<3276800xi32, #tpu.memory_space<hbm>> -> memref<400xi32, #tpu.memory_space<hbm>>
      tpu.wait_dma2 semaphore(%run_scoped3A_284 : memref<!tpu.dma_semaphore, #tpu.memory_space<semaphore_mem>>) src(%dma_wait3A_300 : memref<400xi32, #tpu.memory_space<hbm>>) dst(%dma_wait3A_299 : memref<400xi32, #tpu.memory_space<vmem>>)
      tpu.yield
    }) : () -> ()
    %dma_start3A_41 = arith.constant 1 : i32
    %dma_start3A_42 = arith.constant 1 : i32
    %dma_start3A_43 = arith.constant 1 : i32
    %dma_start3A_44 = arith.constant 0 : i32
    %dma_start3A_45 = arith.constant 0 : i32
    %dma_start3A_46 = tpu.memref_slice %arg6[%dma_start3A_42, %dma_start3A_44, %dma_start3A_45] : memref<2x400x64xf32, #tpu.memory_space<vmem>> -> memref<1x200x64xf32, #tpu.memory_space<vmem>>
    %dma_start3A_47 = tpu.memref_squeeze %dma_start3A_46 : memref<1x200x64xf32, #tpu.memory_space<vmem>> -> memref<200x64xf32, #tpu.memory_space<vmem>>
    %dma_start3A_48 = arith.constant 0 : i32
    %dma_start3A_49 = tpu.memref_slice %arg5[%dma_start3A_41, %dma_start3A_48] : memref<2x400xi32, #tpu.memory_space<vmem>> -> memref<1x200xi32, #tpu.memory_space<vmem>>
    %dma_start3A_50 = tpu.memref_squeeze %dma_start3A_49 : memref<1x200xi32, #tpu.memory_space<vmem>> -> memref<200xi32, #tpu.memory_space<vmem>>
    %dma_start3A_51 = arith.constant 0 : i32
    %dma_start3A_52 = arith.constant 0 : i32
    %dma_start3A_53 = tpu.memref_slice %arg3[%dma_start3A_51, %dma_start3A_52] : memref<1000000x64xf32, #tpu.memory_space<hbm>> -> memref<1000000x64xf32, #tpu.memory_space<hbm>>
    %dma_start3A_54 = tpu.memref_slice %arg8[%dma_start3A_43] : memref<2x!tpu.dma_semaphore, #tpu.memory_space<semaphore_mem>> -> memref<1x!tpu.dma_semaphore, #tpu.memory_space<semaphore_mem>>
    %dma_start3A_55 = tpu.memref_squeeze %dma_start3A_54 : memref<1x!tpu.dma_semaphore, #tpu.memory_space<semaphore_mem>> -> memref<!tpu.dma_semaphore, #tpu.memory_space<semaphore_mem>>
    tpu.enqueue_indirect_dma source(%dma_start3A_53 : memref<1000000x64xf32, #tpu.memory_space<hbm>>) target(%dma_start3A_47 : memref<200x64xf32, #tpu.memory_space<vmem>>) offsets(%dma_start3A_50 : memref<200xi32, #tpu.memory_space<vmem>>) semaphore(%dma_start3A_55 : memref<!tpu.dma_semaphore, #tpu.memory_space<semaphore_mem>>)
    %dma_start3A_56 = arith.constant 1 : i32
    %dma_start3A_57 = arith.constant 1 : i32
    %dma_start3A_58 = arith.constant 1 : i32
    %dma_start3A_59 = arith.constant 200 : i32
    %dma_start3A_60 = arith.constant 0 : i32
    %dma_start3A_61 = tpu.memref_slice %arg6[%dma_start3A_57, %dma_start3A_59, %dma_start3A_60] : memref<2x400x64xf32, #tpu.memory_space<vmem>> -> memref<1x200x64xf32, #tpu.memory_space<vmem>>
    %dma_start3A_62 = tpu.memref_squeeze %dma_start3A_61 : memref<1x200x64xf32, #tpu.memory_space<vmem>> -> memref<200x64xf32, #tpu.memory_space<vmem>>
    %dma_start3A_63 = arith.constant 200 : i32
    %dma_start3A_64 = tpu.memref_slice %arg5[%dma_start3A_56, %dma_start3A_63] : memref<2x400xi32, #tpu.memory_space<vmem>> -> memref<1x200xi32, #tpu.memory_space<vmem>>
    %dma_start3A_65 = tpu.memref_squeeze %dma_start3A_64 : memref<1x200xi32, #tpu.memory_space<vmem>> -> memref<200xi32, #tpu.memory_space<vmem>>
    %dma_start3A_66 = arith.constant 0 : i32
    %dma_start3A_67 = arith.constant 0 : i32
    %dma_start3A_68 = tpu.memref_slice %arg3[%dma_start3A_66, %dma_start3A_67] : memref<1000000x64xf32, #tpu.memory_space<hbm>> -> memref<1000000x64xf32, #tpu.memory_space<hbm>>
    %dma_start3A_69 = tpu.memref_slice %arg8[%dma_start3A_58] : memref<2x!tpu.dma_semaphore, #tpu.memory_space<semaphore_mem>> -> memref<1x!tpu.dma_semaphore, #tpu.memory_space<semaphore_mem>>
    %dma_start3A_70 = tpu.memref_squeeze %dma_start3A_69 : memref<1x!tpu.dma_semaphore, #tpu.memory_space<semaphore_mem>> -> memref<!tpu.dma_semaphore, #tpu.memory_space<semaphore_mem>>
    tpu.enqueue_indirect_dma source(%dma_start3A_68 : memref<1000000x64xf32, #tpu.memory_space<hbm>>) target(%dma_start3A_62 : memref<200x64xf32, #tpu.memory_space<vmem>>) offsets(%dma_start3A_65 : memref<200xi32, #tpu.memory_space<vmem>>) semaphore(%dma_start3A_70 : memref<!tpu.dma_semaphore, #tpu.memory_space<semaphore_mem>>)
    %scan3A = arith.constant 0 : i32
    %scan3A_71 = arith.constant 127 : i32
    %scan3A_72 = arith.addi %scan3A, %scan3A_71 : i32
    %scan3A_73 = arith.constant 1 : i32
    scf.for %scan3A_284 = %scan3A to %scan3A_72 step %scan3A_73  : i32 {
      %mul3A_285 = arith.constant 1 : i32
      %mul3A_286 = arith.muli %scan3A_284, %mul3A_285 : i32
      %add3A_287 = arith.constant 0 : i32
      %add3A_288 = arith.addi %add3A_287, %mul3A_286 : i32
      %mul3A_289 = arith.constant 2 : i32
      %mul3A_290 = arith.muli %add3A_288, %mul3A_289 : i32
      %add3A_291 = arith.constant 0 : i32
      %add3A_292 = arith.addi %mul3A_290, %add3A_291 : i32
      %dma_wait3A_293 = arith.constant 0 : i32
      %dma_wait3A_294 = arith.constant 0 : i32
      %dma_wait3A_295 = arith.constant 0 : i32
      %dma_wait3A_296 = arith.constant 0 : i32
      %dma_wait3A_297 = arith.constant 0 : i32
      %dma_wait3A_298 = tpu.memref_slice %arg6[%dma_wait3A_294, %dma_wait3A_296, %dma_wait3A_297] : memref<2x400x64xf32, #tpu.memory_space<vmem>> -> memref<1x200x64xf32, #tpu.memory_space<vmem>>
      %dma_wait3A_299 = tpu.memref_squeeze %dma_wait3A_298 : memref<1x200x64xf32, #tpu.memory_space<vmem>> -> memref<200x64xf32, #tpu.memory_space<vmem>>
      %dma_wait3A_300 = arith.constant 0 : i32
      %dma_wait3A_301 = tpu.memref_slice %arg5[%dma_wait3A_293, %dma_wait3A_300] : memref<2x400xi32, #tpu.memory_space<vmem>> -> memref<1x200xi32, #tpu.memory_space<vmem>>
      %dma_wait3A_302 = tpu.memref_squeeze %dma_wait3A_301 : memref<1x200xi32, #tpu.memory_space<vmem>> -> memref<200xi32, #tpu.memory_space<vmem>>
      %dma_wait3A_303 = arith.constant 0 : i32
      %dma_wait3A_304 = arith.constant 0 : i32
      %dma_wait3A_305 = tpu.memref_slice %arg3[%dma_wait3A_303, %dma_wait3A_304] : memref<1000000x64xf32, #tpu.memory_space<hbm>> -> memref<1000000x64xf32, #tpu.memory_space<hbm>>
      %dma_wait3A_306 = tpu.memref_slice %arg8[%dma_wait3A_295] : memref<2x!tpu.dma_semaphore, #tpu.memory_space<semaphore_mem>> -> memref<1x!tpu.dma_semaphore, #tpu.memory_space<semaphore_mem>>
      %dma_wait3A_307 = tpu.memref_squeeze %dma_wait3A_306 : memref<1x!tpu.dma_semaphore, #tpu.memory_space<semaphore_mem>> -> memref<!tpu.dma_semaphore, #tpu.memory_space<semaphore_mem>>
      tpu.wait_indirect_dma semaphore(%dma_wait3A_307 : memref<!tpu.dma_semaphore, #tpu.memory_space<semaphore_mem>>) src(%dma_wait3A_305 : memref<1000000x64xf32, #tpu.memory_space<hbm>>) dst(%dma_wait3A_299 : memref<200x64xf32, #tpu.memory_space<vmem>>)
      %dma_wait3A_308 = arith.constant 0 : i32
      %dma_wait3A_309 = arith.constant 0 : i32
      %dma_wait3A_310 = arith.constant 0 : i32
      %dma_wait3A_311 = arith.constant 200 : i32
      %dma_wait3A_312 = arith.constant 0 : i32
      %dma_wait3A_313 = tpu.memref_slice %arg6[%dma_wait3A_309, %dma_wait3A_311, %dma_wait3A_312] : memref<2x400x64xf32, #tpu.memory_space<vmem>> -> memref<1x200x64xf32, #tpu.memory_space<vmem>>
      %dma_wait3A_314 = tpu.memref_squeeze %dma_wait3A_313 : memref<1x200x64xf32, #tpu.memory_space<vmem>> -> memref<200x64xf32, #tpu.memory_space<vmem>>
      %dma_wait3A_315 = arith.constant 200 : i32
      %dma_wait3A_316 = tpu.memref_slice %arg5[%dma_wait3A_308, %dma_wait3A_315] : memref<2x400xi32, #tpu.memory_space<vmem>> -> memref<1x200xi32, #tpu.memory_space<vmem>>
      %dma_wait3A_317 = tpu.memref_squeeze %dma_wait3A_316 : memref<1x200xi32, #tpu.memory_space<vmem>> -> memref<200xi32, #tpu.memory_space<vmem>>
      %dma_wait3A_318 = arith.constant 0 : i32
      %dma_wait3A_319 = arith.constant 0 : i32
      %dma_wait3A_320 = tpu.memref_slice %arg3[%dma_wait3A_318, %dma_wait3A_319] : memref<1000000x64xf32, #tpu.memory_space<hbm>> -> memref<1000000x64xf32, #tpu.memory_space<hbm>>
      %dma_wait3A_321 = tpu.memref_slice %arg8[%dma_wait3A_310] : memref<2x!tpu.dma_semaphore, #tpu.memory_space<semaphore_mem>> -> memref<1x!tpu.dma_semaphore, #tpu.memory_space<semaphore_mem>>
      %dma_wait3A_322 = tpu.memref_squeeze %dma_wait3A_321 : memref<1x!tpu.dma_semaphore, #tpu.memory_space<semaphore_mem>> -> memref<!tpu.dma_semaphore, #tpu.memory_space<semaphore_mem>>
      tpu.wait_indirect_dma semaphore(%dma_wait3A_322 : memref<!tpu.dma_semaphore, #tpu.memory_space<semaphore_mem>>) src(%dma_wait3A_320 : memref<1000000x64xf32, #tpu.memory_space<hbm>>) dst(%dma_wait3A_314 : memref<200x64xf32, #tpu.memory_space<vmem>>)
      %broadcast_in_dim3A_323 = arith.constant 0.000000e+00 : f32
      %broadcast_in_dim3A_324 = vector.broadcast %broadcast_in_dim3A_323 : f32 to vector<16xf32>
      %broadcast_in_dim3A_325 = arith.constant 0.000000e+00 : f32
      %broadcast_in_dim3A_326 = vector.broadcast %broadcast_in_dim3A_325 : f32 to vector<16xf32>
      %broadcast_in_dim3A_327 = arith.constant 0.000000e+00 : f32
      %broadcast_in_dim3A_328 = vector.broadcast %broadcast_in_dim3A_327 : f32 to vector<16xf32>
      %broadcast_in_dim3A_329 = arith.constant 0.000000e+00 : f32
      %broadcast_in_dim3A_330 = vector.broadcast %broadcast_in_dim3A_329 : f32 to vector<16xf32>
      %scan3A_331 = arith.constant 0 : i32
      %scan3A_332 = arith.constant 200 : i32
      %scan3A_333 = arith.addi %scan3A_331, %scan3A_332 : i32
      %scan3A_334 = arith.constant 2 : i32
      %scan3A_335:4 = scf.for %scan3A_635 = %scan3A_331 to %scan3A_333 step %scan3A_334 iter_args(%scan3A_636 = %broadcast_in_dim3A_324, %scan3A_637 = %broadcast_in_dim3A_326, %scan3A_638 = %broadcast_in_dim3A_328, %scan3A_639 = %broadcast_in_dim3A_330) -> (vector<16xf32>, vector<16xf32>, vector<16xf32>, vector<16xf32>)  : i32 {
        %add3A_640 = arith.constant 0 : i32
        %add3A_641 = arith.addi %add3A_640, %scan3A_635 : i32
        %get3A = arith.constant 0 : i32
        %get3A_642 = arith.index_cast %get3A : i32 to index
        %get3A_643 = arith.index_cast %add3A_641 : i32 to index
        %get3A_644 = arith.constant 0 : index
        %get3A_645 = tpu.vector_load %arg6[%get3A_642, %get3A_643, %get3A_644] {strides = array<i32>} : memref<2x400x64xf32, #tpu.memory_space<vmem>>, vector<1x1x16xf32>,
        %get3A_646 = vector.shape_cast %get3A_645 : vector<1x1x16xf32> to vector<16xf32>
        %add3A_647 = arith.addf %scan3A_636, %get3A_646 : vector<16xf32>
        %add3A_648 = arith.constant 0 : i32
        %add3A_649 = arith.addi %add3A_648, %scan3A_635 : i32
        %get3A_650 = arith.constant 0 : i32
        %get3A_651 = arith.index_cast %get3A_650 : i32 to index
        %get3A_652 = arith.index_cast %add3A_649 : i32 to index
        %get3A_653 = arith.constant 16 : index
        %get3A_654 = tpu.vector_load %arg6[%get3A_651, %get3A_652, %get3A_653] {strides = array<i32>} : memref<2x400x64xf32, #tpu.memory_space<vmem>>, vector<1x1x16xf32>,
        %get3A_655 = vector.shape_cast %get3A_654 : vector<1x1x16xf32> to vector<16xf32>
        %add3A_656 = arith.addf %scan3A_637, %get3A_655 : vector<16xf32>
        %add3A_657 = arith.constant 0 : i32
        %add3A_658 = arith.addi %add3A_657, %scan3A_635 : i32
        %get3A_659 = arith.constant 0 : i32
        %get3A_660 = arith.index_cast %get3A_659 : i32 to index
        %get3A_661 = arith.index_cast %add3A_658 : i32 to index
        %get3A_662 = arith.constant 32 : index
        %get3A_663 = tpu.vector_load %arg6[%get3A_660, %get3A_661, %get3A_662] {strides = array<i32>} : memref<2x400x64xf32, #tpu.memory_space<vmem>>, vector<1x1x16xf32>,
        %get3A_664 = vector.shape_cast %get3A_663 : vector<1x1x16xf32> to vector<16xf32>
        %add3A_665 = arith.addf %scan3A_638, %get3A_664 : vector<16xf32>
        %add3A_666 = arith.constant 0 : i32
        %add3A_667 = arith.addi %add3A_666, %scan3A_635 : i32
        %get3A_668 = arith.constant 0 : i32
        %get3A_669 = arith.index_cast %get3A_668 : i32 to index
        %get3A_670 = arith.index_cast %add3A_667 : i32 to index
        %get3A_671 = arith.constant 48 : index
        %get3A_672 = tpu.vector_load %arg6[%get3A_669, %get3A_670, %get3A_671] {strides = array<i32>} : memref<2x400x64xf32, #tpu.memory_space<vmem>>, vector<1x1x16xf32>,
        %get3A_673 = vector.shape_cast %get3A_672 : vector<1x1x16xf32> to vector<16xf32>
        %add3A_674 = arith.addf %scan3A_639, %get3A_673 : vector<16xf32>
        %scan3A_675 = arith.constant 1 : i32
        %scan3A_676 = arith.addi %scan3A_635, %scan3A_675 : i32
        %add3A_677 = arith.constant 0 : i32
        %add3A_678 = arith.addi %add3A_677, %scan3A_676 : i32
        %get3A_679 = arith.constant 0 : i32
        %get3A_680 = arith.index_cast %get3A_679 : i32 to index
        %get3A_681 = arith.index_cast %add3A_678 : i32 to index
        %get3A_682 = arith.constant 0 : index
        %get3A_683 = tpu.vector_load %arg6[%get3A_680, %get3A_681, %get3A_682] {strides = array<i32>} : memref<2x400x64xf32, #tpu.memory_space<vmem>>, vector<1x1x16xf32>,
        %get3A_684 = vector.shape_cast %get3A_683 : vector<1x1x16xf32> to vector<16xf32>
        %add3A_685 = arith.addf %add3A_647, %get3A_684 : vector<16xf32>
        %add3A_686 = arith.constant 0 : i32
        %add3A_687 = arith.addi %add3A_686, %scan3A_676 : i32
        %get3A_688 = arith.constant 0 : i32
        %get3A_689 = arith.index_cast %get3A_688 : i32 to index
        %get3A_690 = arith.index_cast %add3A_687 : i32 to index
        %get3A_691 = arith.constant 16 : index
        %get3A_692 = tpu.vector_load %arg6[%get3A_689, %get3A_690, %get3A_691] {strides = array<i32>} : memref<2x400x64xf32, #tpu.memory_space<vmem>>, vector<1x1x16xf32>,
        %get3A_693 = vector.shape_cast %get3A_692 : vector<1x1x16xf32> to vector<16xf32>
        %add3A_694 = arith.addf %add3A_656, %get3A_693 : vector<16xf32>
        %add3A_695 = arith.constant 0 : i32
        %add3A_696 = arith.addi %add3A_695, %scan3A_676 : i32
        %get3A_697 = arith.constant 0 : i32
        %get3A_698 = arith.index_cast %get3A_697 : i32 to index
        %get3A_699 = arith.index_cast %add3A_696 : i32 to index
        %get3A_700 = arith.constant 32 : index
        %get3A_701 = tpu.vector_load %arg6[%get3A_698, %get3A_699, %get3A_700] {strides = array<i32>} : memref<2x400x64xf32, #tpu.memory_space<vmem>>, vector<1x1x16xf32>,
        %get3A_702 = vector.shape_cast %get3A_701 : vector<1x1x16xf32> to vector<16xf32>
        %add3A_703 = arith.addf %add3A_665, %get3A_702 : vector<16xf32>
        %add3A_704 = arith.constant 0 : i32
        %add3A_705 = arith.addi %add3A_704, %scan3A_676 : i32
        %get3A_706 = arith.constant 0 : i32
        %get3A_707 = arith.index_cast %get3A_706 : i32 to index
        %get3A_708 = arith.index_cast %add3A_705 : i32 to index
        %get3A_709 = arith.constant 48 : index
        %get3A_710 = tpu.vector_load %arg6[%get3A_707, %get3A_708, %get3A_709] {strides = array<i32>} : memref<2x400x64xf32, #tpu.memory_space<vmem>>, vector<1x1x16xf32>,
        %get3A_711 = vector.shape_cast %get3A_710 : vector<1x1x16xf32> to vector<16xf32>
        %add3A_712 = arith.addf %add3A_674, %get3A_711 : vector<16xf32>
        scf.yield %add3A_685, %add3A_694, %add3A_703, %add3A_712 : vector<16xf32>, vector<16xf32>, vector<16xf32>, vector<16xf32>
      }
      %scan3A_336 = arith.constant 200 : i32
      %mul3A_337 = arith.constant 2 : i32
      %mul3A_338 = arith.muli %add3A_292, %mul3A_337 : i32
      %add3A_339 = arith.constant 0 : i32
      %add3A_340 = arith.addi %mul3A_338, %add3A_339 : i32
      %swap3A_341 = arith.index_cast %add3A_340 : i32 to index
      %swap3A_342 = arith.constant 0 : index
      %swap3A_343 = tpu.vector_load %arg7[%swap3A_341, %swap3A_342] {strides = array<i32>} : memref<512x64xf32, #tpu.memory_space<vmem>>, vector<1x16xf32>,
      %swap3A_344 = vector.shape_cast %swap3A_343 : vector<1x16xf32> to vector<16xf32>
      %swap3A_345 = vector.shape_cast %scan3A_335#0 : vector<16xf32> to vector<1x16xf32>
      tpu.vector_store %arg7[%swap3A_341, %swap3A_342], %swap3A_345 {strides = array<i32>} : memref<512x64xf32, #tpu.memory_space<vmem>>, vector<1x16xf32>,
      %mul3A_346 = arith.constant 2 : i32
      %mul3A_347 = arith.muli %add3A_292, %mul3A_346 : i32
      %add3A_348 = arith.constant 0 : i32
      %add3A_349 = arith.addi %mul3A_347, %add3A_348 : i32
      %swap3A_350 = arith.index_cast %add3A_349 : i32 to index
      %swap3A_351 = arith.constant 16 : index
      %swap3A_352 = tpu.vector_load %arg7[%swap3A_350, %swap3A_351] {strides = array<i32>} : memref<512x64xf32, #tpu.memory_space<vmem>>, vector<1x16xf32>,
      %swap3A_353 = vector.shape_cast %swap3A_352 : vector<1x16xf32> to vector<16xf32>
      %swap3A_354 = vector.shape_cast %scan3A_335#1 : vector<16xf32> to vector<1x16xf32>
      tpu.vector_store %arg7[%swap3A_350, %swap3A_351], %swap3A_354 {strides = array<i32>} : memref<512x64xf32, #tpu.memory_space<vmem>>, vector<1x16xf32>,
      %mul3A_355 = arith.constant 2 : i32
      %mul3A_356 = arith.muli %add3A_292, %mul3A_355 : i32
      %add3A_357 = arith.constant 0 : i32
      %add3A_358 = arith.addi %mul3A_356, %add3A_357 : i32
      %swap3A_359 = arith.index_cast %add3A_358 : i32 to index
      %swap3A_360 = arith.constant 32 : index
      %swap3A_361 = tpu.vector_load %arg7[%swap3A_359, %swap3A_360] {strides = array<i32>} : memref<512x64xf32, #tpu.memory_space<vmem>>, vector<1x16xf32>,
      %swap3A_362 = vector.shape_cast %swap3A_361 : vector<1x16xf32> to vector<16xf32>
      %swap3A_363 = vector.shape_cast %scan3A_335#2 : vector<16xf32> to vector<1x16xf32>
      tpu.vector_store %arg7[%swap3A_359, %swap3A_360], %swap3A_363 {strides = array<i32>} : memref<512x64xf32, #tpu.memory_space<vmem>>, vector<1x16xf32>,
      %mul3A_364 = arith.constant 2 : i32
      %mul3A_365 = arith.muli %add3A_292, %mul3A_364 : i32
      %add3A_366 = arith.constant 0 : i32
      %add3A_367 = arith.addi %mul3A_365, %add3A_366 : i32
      %swap3A_368 = arith.index_cast %add3A_367 : i32 to index
      %swap3A_369 = arith.constant 48 : index
      %swap3A_370 = tpu.vector_load %arg7[%swap3A_368, %swap3A_369] {strides = array<i32>} : memref<512x64xf32, #tpu.memory_space<vmem>>, vector<1x16xf32>,
      %swap3A_371 = vector.shape_cast %swap3A_370 : vector<1x16xf32> to vector<16xf32>
      %swap3A_372 = vector.shape_cast %scan3A_335#3 : vector<16xf32> to vector<1x16xf32>
      tpu.vector_store %arg7[%swap3A_368, %swap3A_369], %swap3A_372 {strides = array<i32>} : memref<512x64xf32, #tpu.memory_space<vmem>>, vector<1x16xf32>,
      %broadcast_in_dim3A_373 = arith.constant 0.000000e+00 : f32
      %broadcast_in_dim3A_374 = vector.broadcast %broadcast_in_dim3A_373 : f32 to vector<16xf32>
      %broadcast_in_dim3A_375 = arith.constant 0.000000e+00 : f32
      %broadcast_in_dim3A_376 = vector.broadcast %broadcast_in_dim3A_375 : f32 to vector<16xf32>
      %broadcast_in_dim3A_377 = arith.constant 0.000000e+00 : f32
      %broadcast_in_dim3A_378 = vector.broadcast %broadcast_in_dim3A_377 : f32 to vector<16xf32>
      %broadcast_in_dim3A_379 = arith.constant 0.000000e+00 : f32
      %broadcast_in_dim3A_380 = vector.broadcast %broadcast_in_dim3A_379 : f32 to vector<16xf32>
      %scan3A_381 = arith.constant 0 : i32
      %scan3A_382 = arith.constant 200 : i32
      %scan3A_383 = arith.addi %scan3A_381, %scan3A_382 : i32
      %scan3A_384 = arith.constant 2 : i32
      %scan3A_385:4 = scf.for %scan3A_635 = %scan3A_381 to %scan3A_383 step %scan3A_384 iter_args(%scan3A_636 = %broadcast_in_dim3A_374, %scan3A_637 = %broadcast_in_dim3A_376, %scan3A_638 = %broadcast_in_dim3A_378, %scan3A_639 = %broadcast_in_dim3A_380) -> (vector<16xf32>, vector<16xf32>, vector<16xf32>, vector<16xf32>)  : i32 {
        %add3A_640 = arith.constant 200 : i32
        %add3A_641 = arith.addi %add3A_640, %scan3A_635 : i32
        %get3A = arith.constant 0 : i32
        %get3A_642 = arith.index_cast %get3A : i32 to index
        %get3A_643 = arith.index_cast %add3A_641 : i32 to index
        %get3A_644 = arith.constant 0 : index
        %get3A_645 = tpu.vector_load %arg6[%get3A_642, %get3A_643, %get3A_644] {strides = array<i32>} : memref<2x400x64xf32, #tpu.memory_space<vmem>>, vector<1x1x16xf32>,
        %get3A_646 = vector.shape_cast %get3A_645 : vector<1x1x16xf32> to vector<16xf32>
        %add3A_647 = arith.addf %scan3A_636, %get3A_646 : vector<16xf32>
        %add3A_648 = arith.constant 200 : i32
        %add3A_649 = arith.addi %add3A_648, %scan3A_635 : i32
        %get3A_650 = arith.constant 0 : i32
        %get3A_651 = arith.index_cast %get3A_650 : i32 to index
        %get3A_652 = arith.index_cast %add3A_649 : i32 to index
        %get3A_653 = arith.constant 16 : index
        %get3A_654 = tpu.vector_load %arg6[%get3A_651, %get3A_652, %get3A_653] {strides = array<i32>} : memref<2x400x64xf32, #tpu.memory_space<vmem>>, vector<1x1x16xf32>,
        %get3A_655 = vector.shape_cast %get3A_654 : vector<1x1x16xf32> to vector<16xf32>
        %add3A_656 = arith.addf %scan3A_637, %get3A_655 : vector<16xf32>
        %add3A_657 = arith.constant 200 : i32
        %add3A_658 = arith.addi %add3A_657, %scan3A_635 : i32
        %get3A_659 = arith.constant 0 : i32
        %get3A_660 = arith.index_cast %get3A_659 : i32 to index
        %get3A_661 = arith.index_cast %add3A_658 : i32 to index
        %get3A_662 = arith.constant 32 : index
        %get3A_663 = tpu.vector_load %arg6[%get3A_660, %get3A_661, %get3A_662] {strides = array<i32>} : memref<2x400x64xf32, #tpu.memory_space<vmem>>, vector<1x1x16xf32>,
        %get3A_664 = vector.shape_cast %get3A_663 : vector<1x1x16xf32> to vector<16xf32>
        %add3A_665 = arith.addf %scan3A_638, %get3A_664 : vector<16xf32>
        %add3A_666 = arith.constant 200 : i32
        %add3A_667 = arith.addi %add3A_666, %scan3A_635 : i32
        %get3A_668 = arith.constant 0 : i32
        %get3A_669 = arith.index_cast %get3A_668 : i32 to index
        %get3A_670 = arith.index_cast %add3A_667 : i32 to index
        %get3A_671 = arith.constant 48 : index
        %get3A_672 = tpu.vector_load %arg6[%get3A_669, %get3A_670, %get3A_671] {strides = array<i32>} : memref<2x400x64xf32, #tpu.memory_space<vmem>>, vector<1x1x16xf32>,
        %get3A_673 = vector.shape_cast %get3A_672 : vector<1x1x16xf32> to vector<16xf32>
        %add3A_674 = arith.addf %scan3A_639, %get3A_673 : vector<16xf32>
        %scan3A_675 = arith.constant 1 : i32
        %scan3A_676 = arith.addi %scan3A_635, %scan3A_675 : i32
        %add3A_677 = arith.constant 200 : i32
        %add3A_678 = arith.addi %add3A_677, %scan3A_676 : i32
        %get3A_679 = arith.constant 0 : i32
        %get3A_680 = arith.index_cast %get3A_679 : i32 to index
        %get3A_681 = arith.index_cast %add3A_678 : i32 to index
        %get3A_682 = arith.constant 0 : index
        %get3A_683 = tpu.vector_load %arg6[%get3A_680, %get3A_681, %get3A_682] {strides = array<i32>} : memref<2x400x64xf32, #tpu.memory_space<vmem>>, vector<1x1x16xf32>,
        %get3A_684 = vector.shape_cast %get3A_683 : vector<1x1x16xf32> to vector<16xf32>
        %add3A_685 = arith.addf %add3A_647, %get3A_684 : vector<16xf32>
        %add3A_686 = arith.constant 200 : i32
        %add3A_687 = arith.addi %add3A_686, %scan3A_676 : i32
        %get3A_688 = arith.constant 0 : i32
        %get3A_689 = arith.index_cast %get3A_688 : i32 to index
        %get3A_690 = arith.index_cast %add3A_687 : i32 to index
        %get3A_691 = arith.constant 16 : index
        %get3A_692 = tpu.vector_load %arg6[%get3A_689, %get3A_690, %get3A_691] {strides = array<i32>} : memref<2x400x64xf32, #tpu.memory_space<vmem>>, vector<1x1x16xf32>,
        %get3A_693 = vector.shape_cast %get3A_692 : vector<1x1x16xf32> to vector<16xf32>
        %add3A_694 = arith.addf %add3A_656, %get3A_693 : vector<16xf32>
        %add3A_695 = arith.constant 200 : i32
        %add3A_696 = arith.addi %add3A_695, %scan3A_676 : i32
        %get3A_697 = arith.constant 0 : i32
        %get3A_698 = arith.index_cast %get3A_697 : i32 to index
        %get3A_699 = arith.index_cast %add3A_696 : i32 to index
        %get3A_700 = arith.constant 32 : index
        %get3A_701 = tpu.vector_load %arg6[%get3A_698, %get3A_699, %get3A_700] {strides = array<i32>} : memref<2x400x64xf32, #tpu.memory_space<vmem>>, vector<1x1x16xf32>,
        %get3A_702 = vector.shape_cast %get3A_701 : vector<1x1x16xf32> to vector<16xf32>
        %add3A_703 = arith.addf %add3A_665, %get3A_702 : vector<16xf32>
        %add3A_704 = arith.constant 200 : i32
        %add3A_705 = arith.addi %add3A_704, %scan3A_676 : i32
        %get3A_706 = arith.constant 0 : i32
        %get3A_707 = arith.index_cast %get3A_706 : i32 to index
        %get3A_708 = arith.index_cast %add3A_705 : i32 to index
        %get3A_709 = arith.constant 48 : index
        %get3A_710 = tpu.vector_load %arg6[%get3A_707, %get3A_708, %get3A_709] {strides = array<i32>} : memref<2x400x64xf32, #tpu.memory_space<vmem>>, vector<1x1x16xf32>,
        %get3A_711 = vector.shape_cast %get3A_710 : vector<1x1x16xf32> to vector<16xf32>
        %add3A_712 = arith.addf %add3A_674, %get3A_711 : vector<16xf32>
        scf.yield %add3A_685, %add3A_694, %add3A_703, %add3A_712 : vector<16xf32>, vector<16xf32>, vector<16xf32>, vector<16xf32>
      }
      %scan3A_386 = arith.constant 200 : i32
      %mul3A_387 = arith.constant 2 : i32
      %mul3A_388 = arith.muli %add3A_292, %mul3A_387 : i32
      %add3A_389 = arith.constant 1 : i32
      %add3A_390 = arith.addi %mul3A_388, %add3A_389 : i32
      %swap3A_391 = arith.index_cast %add3A_390 : i32 to index
      %swap3A_392 = arith.constant 0 : index
      %swap3A_393 = tpu.vector_load %arg7[%swap3A_391, %swap3A_392] {strides = array<i32>} : memref<512x64xf32, #tpu.memory_space<vmem>>, vector<1x16xf32>,
      %swap3A_394 = vector.shape_cast %swap3A_393 : vector<1x16xf32> to vector<16xf32>
      %swap3A_395 = vector.shape_cast %scan3A_385#0 : vector<16xf32> to vector<1x16xf32>
      tpu.vector_store %arg7[%swap3A_391, %swap3A_392], %swap3A_395 {strides = array<i32>} : memref<512x64xf32, #tpu.memory_space<vmem>>, vector<1x16xf32>,
      %mul3A_396 = arith.constant 2 : i32
      %mul3A_397 = arith.muli %add3A_292, %mul3A_396 : i32
      %add3A_398 = arith.constant 1 : i32
      %add3A_399 = arith.addi %mul3A_397, %add3A_398 : i32
      %swap3A_400 = arith.index_cast %add3A_399 : i32 to index
      %swap3A_401 = arith.constant 16 : index
      %swap3A_402 = tpu.vector_load %arg7[%swap3A_400, %swap3A_401] {strides = array<i32>} : memref<512x64xf32, #tpu.memory_space<vmem>>, vector<1x16xf32>,
      %swap3A_403 = vector.shape_cast %swap3A_402 : vector<1x16xf32> to vector<16xf32>
      %swap3A_404 = vector.shape_cast %scan3A_385#1 : vector<16xf32> to vector<1x16xf32>
      tpu.vector_store %arg7[%swap3A_400, %swap3A_401], %swap3A_404 {strides = array<i32>} : memref<512x64xf32, #tpu.memory_space<vmem>>, vector<1x16xf32>,
      %mul3A_405 = arith.constant 2 : i32
      %mul3A_406 = arith.muli %add3A_292, %mul3A_405 : i32
      %add3A_407 = arith.constant 1 : i32
      %add3A_408 = arith.addi %mul3A_406, %add3A_407 : i32
      %swap3A_409 = arith.index_cast %add3A_408 : i32 to index
      %swap3A_410 = arith.constant 32 : index
      %swap3A_411 = tpu.vector_load %arg7[%swap3A_409, %swap3A_410] {strides = array<i32>} : memref<512x64xf32, #tpu.memory_space<vmem>>, vector<1x16xf32>,
      %swap3A_412 = vector.shape_cast %swap3A_411 : vector<1x16xf32> to vector<16xf32>
      %swap3A_413 = vector.shape_cast %scan3A_385#2 : vector<16xf32> to vector<1x16xf32>
      tpu.vector_store %arg7[%swap3A_409, %swap3A_410], %swap3A_413 {strides = array<i32>} : memref<512x64xf32, #tpu.memory_space<vmem>>, vector<1x16xf32>,
      %mul3A_414 = arith.constant 2 : i32
      %mul3A_415 = arith.muli %add3A_292, %mul3A_414 : i32
      %add3A_416 = arith.constant 1 : i32
      %add3A_417 = arith.addi %mul3A_415, %add3A_416 : i32
      %swap3A_418 = arith.index_cast %add3A_417 : i32 to index
      %swap3A_419 = arith.constant 48 : index
      %swap3A_420 = tpu.vector_load %arg7[%swap3A_418, %swap3A_419] {strides = array<i32>} : memref<512x64xf32, #tpu.memory_space<vmem>>, vector<1x16xf32>,
      %swap3A_421 = vector.shape_cast %swap3A_420 : vector<1x16xf32> to vector<16xf32>
      %swap3A_422 = vector.shape_cast %scan3A_385#3 : vector<16xf32> to vector<1x16xf32>
      tpu.vector_store %arg7[%swap3A_418, %swap3A_419], %swap3A_422 {strides = array<i32>} : memref<512x64xf32, #tpu.memory_space<vmem>>, vector<1x16xf32>,
      %add3A_423 = arith.constant 0 : i32
      %add3A_424 = arith.addi %mul3A_290, %add3A_423 : i32
      %add3A_425 = arith.constant 2 : i32
      %add3A_426 = arith.addi %add3A_424, %add3A_425 : i32
      %mul3A_427 = arith.constant 2 : i32
      %mul3A_428 = arith.muli %add3A_426, %mul3A_427 : i32
      %add3A_429 = arith.addi %mul3A_2, %mul3A_428 : i32
      %mul3A_430 = arith.constant 200 : i32
      %mul3A_431 = arith.muli %add3A_429, %mul3A_430 : i32
      %run_scoped3A_432 = arith.constant 0 : i32
      "tpu.region"() ({
        %run_scoped3A_635 = tpu.sem_alloc : memref<!tpu.dma_semaphore, #tpu.memory_space<semaphore_mem>>
        %dma_start3A_636 = arith.constant 0 : i32
        %dma_start3A_637 = tpu.memref_slice %arg5[%run_scoped3A_432, %dma_start3A_636] : memref<2x400xi32, #tpu.memory_space<vmem>> -> memref<1x400xi32, #tpu.memory_space<vmem>>
        %dma_start3A_638 = tpu.memref_squeeze %dma_start3A_637 : memref<1x400xi32, #tpu.memory_space<vmem>> -> memref<400xi32, #tpu.memory_space<vmem>>
        %dma_start3A_639 = tpu.memref_slice %arg2[%mul3A_431] : memref<3276800xi32, #tpu.memory_space<hbm>> -> memref<400xi32, #tpu.memory_space<hbm>>
        %dma_start3A_640 = arith.constant 0 : i32
        %dma_start3A_641 = tpu.memref_slice %arg5[%run_scoped3A_432, %dma_start3A_640] : memref<2x400xi32, #tpu.memory_space<vmem>> -> memref<1x400xi32, #tpu.memory_space<vmem>>
        %dma_start3A_642 = tpu.memref_squeeze %dma_start3A_641 : memref<1x400xi32, #tpu.memory_space<vmem>> -> memref<400xi32, #tpu.memory_space<vmem>>
        %dma_start3A_643 = tpu.memref_slice %arg2[%mul3A_431] : memref<3276800xi32, #tpu.memory_space<hbm>> -> memref<400xi32, #tpu.memory_space<hbm>>
        tpu.enqueue_dma source(%dma_start3A_643 : memref<400xi32, #tpu.memory_space<hbm>>) target(%dma_start3A_642 : memref<400xi32, #tpu.memory_space<vmem>>) target_semaphore(%run_scoped3A_635 : memref<!tpu.dma_semaphore, #tpu.memory_space<semaphore_mem>>)
        %dma_wait3A_644 = arith.constant 0 : i32
        %dma_wait3A_645 = tpu.memref_slice %arg5[%run_scoped3A_432, %dma_wait3A_644] : memref<2x400xi32, #tpu.memory_space<vmem>> -> memref<1x400xi32, #tpu.memory_space<vmem>>
        %dma_wait3A_646 = tpu.memref_squeeze %dma_wait3A_645 : memref<1x400xi32, #tpu.memory_space<vmem>> -> memref<400xi32, #tpu.memory_space<vmem>>
        %dma_wait3A_647 = tpu.memref_slice %arg2[%mul3A_431] : memref<3276800xi32, #tpu.memory_space<hbm>> -> memref<400xi32, #tpu.memory_space<hbm>>
        %dma_wait3A_648 = arith.constant 0 : i32
        %dma_wait3A_649 = tpu.memref_slice %arg5[%run_scoped3A_432, %dma_wait3A_648] : memref<2x400xi32, #tpu.memory_space<vmem>> -> memref<1x400xi32, #tpu.memory_space<vmem>>
        %dma_wait3A_650 = tpu.memref_squeeze %dma_wait3A_649 : memref<1x400xi32, #tpu.memory_space<vmem>> -> memref<400xi32, #tpu.memory_space<vmem>>
        %dma_wait3A_651 = tpu.memref_slice %arg2[%mul3A_431] : memref<3276800xi32, #tpu.memory_space<hbm>> -> memref<400xi32, #tpu.memory_space<hbm>>
        tpu.wait_dma2 semaphore(%run_scoped3A_635 : memref<!tpu.dma_semaphore, #tpu.memory_space<semaphore_mem>>) src(%dma_wait3A_651 : memref<400xi32, #tpu.memory_space<hbm>>) dst(%dma_wait3A_650 : memref<400xi32, #tpu.memory_space<vmem>>)
        tpu.yield
      }) : () -> ()
      %dma_start3A_433 = arith.constant 0 : i32
      %dma_start3A_434 = arith.constant 0 : i32
      %dma_start3A_435 = arith.constant 0 : i32
      %dma_start3A_436 = arith.constant 0 : i32
      %dma_start3A_437 = arith.constant 0 : i32
      %dma_start3A_438 = tpu.memref_slice %arg6[%dma_start3A_434, %dma_start3A_436, %dma_start3A_437] : memref<2x400x64xf32, #tpu.memory_space<vmem>> -> memref<1x200x64xf32, #tpu.memory_space<vmem>>
      %dma_start3A_439 = tpu.memref_squeeze %dma_start3A_438 : memref<1x200x64xf32, #tpu.memory_space<vmem>> -> memref<200x64xf32, #tpu.memory_space<vmem>>
      %dma_start3A_440 = arith.constant 0 : i32
      %dma_start3A_441 = tpu.memref_slice %arg5[%dma_start3A_433, %dma_start3A_440] : memref<2x400xi32, #tpu.memory_space<vmem>> -> memref<1x200xi32, #tpu.memory_space<vmem>>
      %dma_start3A_442 = tpu.memref_squeeze %dma_start3A_441 : memref<1x200xi32, #tpu.memory_space<vmem>> -> memref<200xi32, #tpu.memory_space<vmem>>
      %dma_start3A_443 = arith.constant 0 : i32
      %dma_start3A_444 = arith.constant 0 : i32
      %dma_start3A_445 = tpu.memref_slice %arg3[%dma_start3A_443, %dma_start3A_444] : memref<1000000x64xf32, #tpu.memory_space<hbm>> -> memref<1000000x64xf32, #tpu.memory_space<hbm>>
      %dma_start3A_446 = tpu.memref_slice %arg8[%dma_start3A_435] : memref<2x!tpu.dma_semaphore, #tpu.memory_space<semaphore_mem>> -> memref<1x!tpu.dma_semaphore, #tpu.memory_space<semaphore_mem>>
      %dma_start3A_447 = tpu.memref_squeeze %dma_start3A_446 : memref<1x!tpu.dma_semaphore, #tpu.memory_space<semaphore_mem>> -> memref<!tpu.dma_semaphore, #tpu.memory_space<semaphore_mem>>
      tpu.enqueue_indirect_dma source(%dma_start3A_445 : memref<1000000x64xf32, #tpu.memory_space<hbm>>) target(%dma_start3A_439 : memref<200x64xf32, #tpu.memory_space<vmem>>) offsets(%dma_start3A_442 : memref<200xi32, #tpu.memory_space<vmem>>) semaphore(%dma_start3A_447 : memref<!tpu.dma_semaphore, #tpu.memory_space<semaphore_mem>>)
      %dma_start3A_448 = arith.constant 0 : i32
      %dma_start3A_449 = arith.constant 0 : i32
      %dma_start3A_450 = arith.constant 0 : i32
      %dma_start3A_451 = arith.constant 200 : i32
      %dma_start3A_452 = arith.constant 0 : i32
      %dma_start3A_453 = tpu.memref_slice %arg6[%dma_start3A_449, %dma_start3A_451, %dma_start3A_452] : memref<2x400x64xf32, #tpu.memory_space<vmem>> -> memref<1x200x64xf32, #tpu.memory_space<vmem>>
      %dma_start3A_454 = tpu.memref_squeeze %dma_start3A_453 : memref<1x200x64xf32, #tpu.memory_space<vmem>> -> memref<200x64xf32, #tpu.memory_space<vmem>>
      %dma_start3A_455 = arith.constant 200 : i32
      %dma_start3A_456 = tpu.memref_slice %arg5[%dma_start3A_448, %dma_start3A_455] : memref<2x400xi32, #tpu.memory_space<vmem>> -> memref<1x200xi32, #tpu.memory_space<vmem>>
      %dma_start3A_457 = tpu.memref_squeeze %dma_start3A_456 : memref<1x200xi32, #tpu.memory_space<vmem>> -> memref<200xi32, #tpu.memory_space<vmem>>
      %dma_start3A_458 = arith.constant 0 : i32
      %dma_start3A_459 = arith.constant 0 : i32
      %dma_start3A_460 = tpu.memref_slice %arg3[%dma_start3A_458, %dma_start3A_459] : memref<1000000x64xf32, #tpu.memory_space<hbm>> -> memref<1000000x64xf32, #tpu.memory_space<hbm>>
      %dma_start3A_461 = tpu.memref_slice %arg8[%dma_start3A_450] : memref<2x!tpu.dma_semaphore, #tpu.memory_space<semaphore_mem>> -> memref<1x!tpu.dma_semaphore, #tpu.memory_space<semaphore_mem>>
      %dma_start3A_462 = tpu.memref_squeeze %dma_start3A_461 : memref<1x!tpu.dma_semaphore, #tpu.memory_space<semaphore_mem>> -> memref<!tpu.dma_semaphore, #tpu.memory_space<semaphore_mem>>
      tpu.enqueue_indirect_dma source(%dma_start3A_460 : memref<1000000x64xf32, #tpu.memory_space<hbm>>) target(%dma_start3A_454 : memref<200x64xf32, #tpu.memory_space<vmem>>) offsets(%dma_start3A_457 : memref<200xi32, #tpu.memory_space<vmem>>) semaphore(%dma_start3A_462 : memref<!tpu.dma_semaphore, #tpu.memory_space<semaphore_mem>>)
      %add3A_463 = arith.constant 1 : i32
      %add3A_464 = arith.addi %mul3A_290, %add3A_463 : i32
      %dma_wait3A_465 = arith.constant 1 : i32
      %dma_wait3A_466 = arith.constant 1 : i32
      %dma_wait3A_467 = arith.constant 1 : i32
      %dma_wait3A_468 = arith.constant 0 : i32
      %dma_wait3A_469 = arith.constant 0 : i32
      %dma_wait3A_470 = tpu.memref_slice %arg6[%dma_wait3A_466, %dma_wait3A_468, %dma_wait3A_469] : memref<2x400x64xf32, #tpu.memory_space<vmem>> -> memref<1x200x64xf32, #tpu.memory_space<vmem>>
      %dma_wait3A_471 = tpu.memref_squeeze %dma_wait3A_470 : memref<1x200x64xf32, #tpu.memory_space<vmem>> -> memref<200x64xf32, #tpu.memory_space<vmem>>
      %dma_wait3A_472 = arith.constant 0 : i32
      %dma_wait3A_473 = tpu.memref_slice %arg5[%dma_wait3A_465, %dma_wait3A_472] : memref<2x400xi32, #tpu.memory_space<vmem>> -> memref<1x200xi32, #tpu.memory_space<vmem>>
      %dma_wait3A_474 = tpu.memref_squeeze %dma_wait3A_473 : memref<1x200xi32, #tpu.memory_space<vmem>> -> memref<200xi32, #tpu.memory_space<vmem>>
      %dma_wait3A_475 = arith.constant 0 : i32
      %dma_wait3A_476 = arith.constant 0 : i32
      %dma_wait3A_477 = tpu.memref_slice %arg3[%dma_wait3A_475, %dma_wait3A_476] : memref<1000000x64xf32, #tpu.memory_space<hbm>> -> memref<1000000x64xf32, #tpu.memory_space<hbm>>
      %dma_wait3A_478 = tpu.memref_slice %arg8[%dma_wait3A_467] : memref<2x!tpu.dma_semaphore, #tpu.memory_space<semaphore_mem>> -> memref<1x!tpu.dma_semaphore, #tpu.memory_space<semaphore_mem>>
      %dma_wait3A_479 = tpu.memref_squeeze %dma_wait3A_478 : memref<1x!tpu.dma_semaphore, #tpu.memory_space<semaphore_mem>> -> memref<!tpu.dma_semaphore, #tpu.memory_space<semaphore_mem>>
      tpu.wait_indirect_dma semaphore(%dma_wait3A_479 : memref<!tpu.dma_semaphore, #tpu.memory_space<semaphore_mem>>) src(%dma_wait3A_477 : memref<1000000x64xf32, #tpu.memory_space<hbm>>) dst(%dma_wait3A_471 : memref<200x64xf32, #tpu.memory_space<vmem>>)
      %dma_wait3A_480 = arith.constant 1 : i32
      %dma_wait3A_481 = arith.constant 1 : i32
      %dma_wait3A_482 = arith.constant 1 : i32
      %dma_wait3A_483 = arith.constant 200 : i32
      %dma_wait3A_484 = arith.constant 0 : i32
      %dma_wait3A_485 = tpu.memref_slice %arg6[%dma_wait3A_481, %dma_wait3A_483, %dma_wait3A_484] : memref<2x400x64xf32, #tpu.memory_space<vmem>> -> memref<1x200x64xf32, #tpu.memory_space<vmem>>
      %dma_wait3A_486 = tpu.memref_squeeze %dma_wait3A_485 : memref<1x200x64xf32, #tpu.memory_space<vmem>> -> memref<200x64xf32, #tpu.memory_space<vmem>>
      %dma_wait3A_487 = arith.constant 200 : i32
      %dma_wait3A_488 = tpu.memref_slice %arg5[%dma_wait3A_480, %dma_wait3A_487] : memref<2x400xi32, #tpu.memory_space<vmem>> -> memref<1x200xi32, #tpu.memory_space<vmem>>
      %dma_wait3A_489 = tpu.memref_squeeze %dma_wait3A_488 : memref<1x200xi32, #tpu.memory_space<vmem>> -> memref<200xi32, #tpu.memory_space<vmem>>
      %dma_wait3A_490 = arith.constant 0 : i32
      %dma_wait3A_491 = arith.constant 0 : i32
      %dma_wait3A_492 = tpu.memref_slice %arg3[%dma_wait3A_490, %dma_wait3A_491] : memref<1000000x64xf32, #tpu.memory_space<hbm>> -> memref<1000000x64xf32, #tpu.memory_space<hbm>>
      %dma_wait3A_493 = tpu.memref_slice %arg8[%dma_wait3A_482] : memref<2x!tpu.dma_semaphore, #tpu.memory_space<semaphore_mem>> -> memref<1x!tpu.dma_semaphore, #tpu.memory_space<semaphore_mem>>
      %dma_wait3A_494 = tpu.memref_squeeze %dma_wait3A_493 : memref<1x!tpu.dma_semaphore, #tpu.memory_space<semaphore_mem>> -> memref<!tpu.dma_semaphore, #tpu.memory_space<semaphore_mem>>
      tpu.wait_indirect_dma semaphore(%dma_wait3A_494 : memref<!tpu.dma_semaphore, #tpu.memory_space<semaphore_mem>>) src(%dma_wait3A_492 : memref<1000000x64xf32, #tpu.memory_space<hbm>>) dst(%dma_wait3A_486 : memref<200x64xf32, #tpu.memory_space<vmem>>)
      %broadcast_in_dim3A_495 = arith.constant 0.000000e+00 : f32
      %broadcast_in_dim3A_496 = vector.broadcast %broadcast_in_dim3A_495 : f32 to vector<16xf32>
      %broadcast_in_dim3A_497 = arith.constant 0.000000e+00 : f32
      %broadcast_in_dim3A_498 = vector.broadcast %broadcast_in_dim3A_497 : f32 to vector<16xf32>
      %broadcast_in_dim3A_499 = arith.constant 0.000000e+00 : f32
      %broadcast_in_dim3A_500 = vector.broadcast %broadcast_in_dim3A_499 : f32 to vector<16xf32>
      %broadcast_in_dim3A_501 = arith.constant 0.000000e+00 : f32
      %broadcast_in_dim3A_502 = vector.broadcast %broadcast_in_dim3A_501 : f32 to vector<16xf32>
      %scan3A_503 = arith.constant 0 : i32
      %scan3A_504 = arith.constant 200 : i32
      %scan3A_505 = arith.addi %scan3A_503, %scan3A_504 : i32
      %scan3A_506 = arith.constant 2 : i32
      %scan3A_507:4 = scf.for %scan3A_635 = %scan3A_503 to %scan3A_505 step %scan3A_506 iter_args(%scan3A_636 = %broadcast_in_dim3A_496, %scan3A_637 = %broadcast_in_dim3A_498, %scan3A_638 = %broadcast_in_dim3A_500, %scan3A_639 = %broadcast_in_dim3A_502) -> (vector<16xf32>, vector<16xf32>, vector<16xf32>, vector<16xf32>)  : i32 {
        %add3A_640 = arith.constant 0 : i32
        %add3A_641 = arith.addi %add3A_640, %scan3A_635 : i32
        %get3A = arith.constant 1 : i32
        %get3A_642 = arith.index_cast %get3A : i32 to index
        %get3A_643 = arith.index_cast %add3A_641 : i32 to index
        %get3A_644 = arith.constant 0 : index
        %get3A_645 = tpu.vector_load %arg6[%get3A_642, %get3A_643, %get3A_644] {strides = array<i32>} : memref<2x400x64xf32, #tpu.memory_space<vmem>>, vector<1x1x16xf32>,
        %get3A_646 = vector.shape_cast %get3A_645 : vector<1x1x16xf32> to vector<16xf32>
        %add3A_647 = arith.addf %scan3A_636, %get3A_646 : vector<16xf32>
        %add3A_648 = arith.constant 0 : i32
        %add3A_649 = arith.addi %add3A_648, %scan3A_635 : i32
        %get3A_650 = arith.constant 1 : i32
        %get3A_651 = arith.index_cast %get3A_650 : i32 to index
        %get3A_652 = arith.index_cast %add3A_649 : i32 to index
        %get3A_653 = arith.constant 16 : index
        %get3A_654 = tpu.vector_load %arg6[%get3A_651, %get3A_652, %get3A_653] {strides = array<i32>} : memref<2x400x64xf32, #tpu.memory_space<vmem>>, vector<1x1x16xf32>,
        %get3A_655 = vector.shape_cast %get3A_654 : vector<1x1x16xf32> to vector<16xf32>
        %add3A_656 = arith.addf %scan3A_637, %get3A_655 : vector<16xf32>
        %add3A_657 = arith.constant 0 : i32
        %add3A_658 = arith.addi %add3A_657, %scan3A_635 : i32
        %get3A_659 = arith.constant 1 : i32
        %get3A_660 = arith.index_cast %get3A_659 : i32 to index
        %get3A_661 = arith.index_cast %add3A_658 : i32 to index
        %get3A_662 = arith.constant 32 : index
        %get3A_663 = tpu.vector_load %arg6[%get3A_660, %get3A_661, %get3A_662] {strides = array<i32>} : memref<2x400x64xf32, #tpu.memory_space<vmem>>, vector<1x1x16xf32>,
        %get3A_664 = vector.shape_cast %get3A_663 : vector<1x1x16xf32> to vector<16xf32>
        %add3A_665 = arith.addf %scan3A_638, %get3A_664 : vector<16xf32>
        %add3A_666 = arith.constant 0 : i32
        %add3A_667 = arith.addi %add3A_666, %scan3A_635 : i32
        %get3A_668 = arith.constant 1 : i32
        %get3A_669 = arith.index_cast %get3A_668 : i32 to index
        %get3A_670 = arith.index_cast %add3A_667 : i32 to index
        %get3A_671 = arith.constant 48 : index
        %get3A_672 = tpu.vector_load %arg6[%get3A_669, %get3A_670, %get3A_671] {strides = array<i32>} : memref<2x400x64xf32, #tpu.memory_space<vmem>>, vector<1x1x16xf32>,
        %get3A_673 = vector.shape_cast %get3A_672 : vector<1x1x16xf32> to vector<16xf32>
        %add3A_674 = arith.addf %scan3A_639, %get3A_673 : vector<16xf32>
        %scan3A_675 = arith.constant 1 : i32
        %scan3A_676 = arith.addi %scan3A_635, %scan3A_675 : i32
        %add3A_677 = arith.constant 0 : i32
        %add3A_678 = arith.addi %add3A_677, %scan3A_676 : i32
        %get3A_679 = arith.constant 1 : i32
        %get3A_680 = arith.index_cast %get3A_679 : i32 to index
        %get3A_681 = arith.index_cast %add3A_678 : i32 to index
        %get3A_682 = arith.constant 0 : index
        %get3A_683 = tpu.vector_load %arg6[%get3A_680, %get3A_681, %get3A_682] {strides = array<i32>} : memref<2x400x64xf32, #tpu.memory_space<vmem>>, vector<1x1x16xf32>,
        %get3A_684 = vector.shape_cast %get3A_683 : vector<1x1x16xf32> to vector<16xf32>
        %add3A_685 = arith.addf %add3A_647, %get3A_684 : vector<16xf32>
        %add3A_686 = arith.constant 0 : i32
        %add3A_687 = arith.addi %add3A_686, %scan3A_676 : i32
        %get3A_688 = arith.constant 1 : i32
        %get3A_689 = arith.index_cast %get3A_688 : i32 to index
        %get3A_690 = arith.index_cast %add3A_687 : i32 to index
        %get3A_691 = arith.constant 16 : index
        %get3A_692 = tpu.vector_load %arg6[%get3A_689, %get3A_690, %get3A_691] {strides = array<i32>} : memref<2x400x64xf32, #tpu.memory_space<vmem>>, vector<1x1x16xf32>,
        %get3A_693 = vector.shape_cast %get3A_692 : vector<1x1x16xf32> to vector<16xf32>
        %add3A_694 = arith.addf %add3A_656, %get3A_693 : vector<16xf32>
        %add3A_695 = arith.constant 0 : i32
        %add3A_696 = arith.addi %add3A_695, %scan3A_676 : i32
        %get3A_697 = arith.constant 1 : i32
        %get3A_698 = arith.index_cast %get3A_697 : i32 to index
        %get3A_699 = arith.index_cast %add3A_696 : i32 to index
        %get3A_700 = arith.constant 32 : index
        %get3A_701 = tpu.vector_load %arg6[%get3A_698, %get3A_699, %get3A_700] {strides = array<i32>} : memref<2x400x64xf32, #tpu.memory_space<vmem>>, vector<1x1x16xf32>,
        %get3A_702 = vector.shape_cast %get3A_701 : vector<1x1x16xf32> to vector<16xf32>
        %add3A_703 = arith.addf %add3A_665, %get3A_702 : vector<16xf32>
        %add3A_704 = arith.constant 0 : i32
        %add3A_705 = arith.addi %add3A_704, %scan3A_676 : i32
        %get3A_706 = arith.constant 1 : i32
        %get3A_707 = arith.index_cast %get3A_706 : i32 to index
        %get3A_708 = arith.index_cast %add3A_705 : i32 to index
        %get3A_709 = arith.constant 48 : index
        %get3A_710 = tpu.vector_load %arg6[%get3A_707, %get3A_708, %get3A_709] {strides = array<i32>} : memref<2x400x64xf32, #tpu.memory_space<vmem>>, vector<1x1x16xf32>,
        %get3A_711 = vector.shape_cast %get3A_710 : vector<1x1x16xf32> to vector<16xf32>
        %add3A_712 = arith.addf %add3A_674, %get3A_711 : vector<16xf32>
        scf.yield %add3A_685, %add3A_694, %add3A_703, %add3A_712 : vector<16xf32>, vector<16xf32>, vector<16xf32>, vector<16xf32>
      }
      %scan3A_508 = arith.constant 200 : i32
      %mul3A_509 = arith.constant 2 : i32
      %mul3A_510 = arith.muli %add3A_464, %mul3A_509 : i32
      %add3A_511 = arith.constant 0 : i32
      %add3A_512 = arith.addi %mul3A_510, %add3A_511 : i32
      %swap3A_513 = arith.index_cast %add3A_512 : i32 to index
      %swap3A_514 = arith.constant 0 : index
      %swap3A_515 = tpu.vector_load %arg7[%swap3A_513, %swap3A_514] {strides = array<i32>} : memref<512x64xf32, #tpu.memory_space<vmem>>, vector<1x16xf32>,
      %swap3A_516 = vector.shape_cast %swap3A_515 : vector<1x16xf32> to vector<16xf32>
      %swap3A_517 = vector.shape_cast %scan3A_507#0 : vector<16xf32> to vector<1x16xf32>
      tpu.vector_store %arg7[%swap3A_513, %swap3A_514], %swap3A_517 {strides = array<i32>} : memref<512x64xf32, #tpu.memory_space<vmem>>, vector<1x16xf32>,
      %mul3A_518 = arith.constant 2 : i32
      %mul3A_519 = arith.muli %add3A_464, %mul3A_518 : i32
      %add3A_520 = arith.constant 0 : i32
      %add3A_521 = arith.addi %mul3A_519, %add3A_520 : i32
      %swap3A_522 = arith.index_cast %add3A_521 : i32 to index
      %swap3A_523 = arith.constant 16 : index
      %swap3A_524 = tpu.vector_load %arg7[%swap3A_522, %swap3A_523] {strides = array<i32>} : memref<512x64xf32, #tpu.memory_space<vmem>>, vector<1x16xf32>,
      %swap3A_525 = vector.shape_cast %swap3A_524 : vector<1x16xf32> to vector<16xf32>
      %swap3A_526 = vector.shape_cast %scan3A_507#1 : vector<16xf32> to vector<1x16xf32>
      tpu.vector_store %arg7[%swap3A_522, %swap3A_523], %swap3A_526 {strides = array<i32>} : memref<512x64xf32, #tpu.memory_space<vmem>>, vector<1x16xf32>,
      %mul3A_527 = arith.constant 2 : i32
      %mul3A_528 = arith.muli %add3A_464, %mul3A_527 : i32
      %add3A_529 = arith.constant 0 : i32
      %add3A_530 = arith.addi %mul3A_528, %add3A_529 : i32
      %swap3A_531 = arith.index_cast %add3A_530 : i32 to index
      %swap3A_532 = arith.constant 32 : index
      %swap3A_533 = tpu.vector_load %arg7[%swap3A_531, %swap3A_532] {strides = array<i32>} : memref<512x64xf32, #tpu.memory_space<vmem>>, vector<1x16xf32>,
      %swap3A_534 = vector.shape_cast %swap3A_533 : vector<1x16xf32> to vector<16xf32>
      %swap3A_535 = vector.shape_cast %scan3A_507#2 : vector<16xf32> to vector<1x16xf32>
      tpu.vector_store %arg7[%swap3A_531, %swap3A_532], %swap3A_535 {strides = array<i32>} : memref<512x64xf32, #tpu.memory_space<vmem>>, vector<1x16xf32>,
      %mul3A_536 = arith.constant 2 : i32
      %mul3A_537 = arith.muli %add3A_464, %mul3A_536 : i32
      %add3A_538 = arith.constant 0 : i32
      %add3A_539 = arith.addi %mul3A_537, %add3A_538 : i32
      %swap3A_540 = arith.index_cast %add3A_539 : i32 to index
      %swap3A_541 = arith.constant 48 : index
      %swap3A_542 = tpu.vector_load %arg7[%swap3A_540, %swap3A_541] {strides = array<i32>} : memref<512x64xf32, #tpu.memory_space<vmem>>, vector<1x16xf32>,
      %swap3A_543 = vector.shape_cast %swap3A_542 : vector<1x16xf32> to vector<16xf32>
      %swap3A_544 = vector.shape_cast %scan3A_507#3 : vector<16xf32> to vector<1x16xf32>
      tpu.vector_store %arg7[%swap3A_540, %swap3A_541], %swap3A_544 {strides = array<i32>} : memref<512x64xf32, #tpu.memory_space<vmem>>, vector<1x16xf32>,
      %broadcast_in_dim3A_545 = arith.constant 0.000000e+00 : f32
      %broadcast_in_dim3A_546 = vector.broadcast %broadcast_in_dim3A_545 : f32 to vector<16xf32>
      %broadcast_in_dim3A_547 = arith.constant 0.000000e+00 : f32
      %broadcast_in_dim3A_548 = vector.broadcast %broadcast_in_dim3A_547 : f32 to vector<16xf32>
      %broadcast_in_dim3A_549 = arith.constant 0.000000e+00 : f32
      %broadcast_in_dim3A_550 = vector.broadcast %broadcast_in_dim3A_549 : f32 to vector<16xf32>
      %broadcast_in_dim3A_551 = arith.constant 0.000000e+00 : f32
      %broadcast_in_dim3A_552 = vector.broadcast %broadcast_in_dim3A_551 : f32 to vector<16xf32>
      %scan3A_553 = arith.constant 0 : i32
      %scan3A_554 = arith.constant 200 : i32
      %scan3A_555 = arith.addi %scan3A_553, %scan3A_554 : i32
      %scan3A_556 = arith.constant 2 : i32
      %scan3A_557:4 = scf.for %scan3A_635 = %scan3A_553 to %scan3A_555 step %scan3A_556 iter_args(%scan3A_636 = %broadcast_in_dim3A_546, %scan3A_637 = %broadcast_in_dim3A_548, %scan3A_638 = %broadcast_in_dim3A_550, %scan3A_639 = %broadcast_in_dim3A_552) -> (vector<16xf32>, vector<16xf32>, vector<16xf32>, vector<16xf32>)  : i32 {
        %add3A_640 = arith.constant 200 : i32
        %add3A_641 = arith.addi %add3A_640, %scan3A_635 : i32
        %get3A = arith.constant 1 : i32
        %get3A_642 = arith.index_cast %get3A : i32 to index
        %get3A_643 = arith.index_cast %add3A_641 : i32 to index
        %get3A_644 = arith.constant 0 : index
        %get3A_645 = tpu.vector_load %arg6[%get3A_642, %get3A_643, %get3A_644] {strides = array<i32>} : memref<2x400x64xf32, #tpu.memory_space<vmem>>, vector<1x1x16xf32>,
        %get3A_646 = vector.shape_cast %get3A_645 : vector<1x1x16xf32> to vector<16xf32>
        %add3A_647 = arith.addf %scan3A_636, %get3A_646 : vector<16xf32>
        %add3A_648 = arith.constant 200 : i32
        %add3A_649 = arith.addi %add3A_648, %scan3A_635 : i32
        %get3A_650 = arith.constant 1 : i32
        %get3A_651 = arith.index_cast %get3A_650 : i32 to index
        %get3A_652 = arith.index_cast %add3A_649 : i32 to index
        %get3A_653 = arith.constant 16 : index
        %get3A_654 = tpu.vector_load %arg6[%get3A_651, %get3A_652, %get3A_653] {strides = array<i32>} : memref<2x400x64xf32, #tpu.memory_space<vmem>>, vector<1x1x16xf32>,
        %get3A_655 = vector.shape_cast %get3A_654 : vector<1x1x16xf32> to vector<16xf32>
        %add3A_656 = arith.addf %scan3A_637, %get3A_655 : vector<16xf32>
        %add3A_657 = arith.constant 200 : i32
        %add3A_658 = arith.addi %add3A_657, %scan3A_635 : i32
        %get3A_659 = arith.constant 1 : i32
        %get3A_660 = arith.index_cast %get3A_659 : i32 to index
        %get3A_661 = arith.index_cast %add3A_658 : i32 to index
        %get3A_662 = arith.constant 32 : index
        %get3A_663 = tpu.vector_load %arg6[%get3A_660, %get3A_661, %get3A_662] {strides = array<i32>} : memref<2x400x64xf32, #tpu.memory_space<vmem>>, vector<1x1x16xf32>,
        %get3A_664 = vector.shape_cast %get3A_663 : vector<1x1x16xf32> to vector<16xf32>
        %add3A_665 = arith.addf %scan3A_638, %get3A_664 : vector<16xf32>
        %add3A_666 = arith.constant 200 : i32
        %add3A_667 = arith.addi %add3A_666, %scan3A_635 : i32
        %get3A_668 = arith.constant 1 : i32
        %get3A_669 = arith.index_cast %get3A_668 : i32 to index
        %get3A_670 = arith.index_cast %add3A_667 : i32 to index
        %get3A_671 = arith.constant 48 : index
        %get3A_672 = tpu.vector_load %arg6[%get3A_669, %get3A_670, %get3A_671] {strides = array<i32>} : memref<2x400x64xf32, #tpu.memory_space<vmem>>, vector<1x1x16xf32>,
        %get3A_673 = vector.shape_cast %get3A_672 : vector<1x1x16xf32> to vector<16xf32>
        %add3A_674 = arith.addf %scan3A_639, %get3A_673 : vector<16xf32>
        %scan3A_675 = arith.constant 1 : i32
        %scan3A_676 = arith.addi %scan3A_635, %scan3A_675 : i32
        %add3A_677 = arith.constant 200 : i32
        %add3A_678 = arith.addi %add3A_677, %scan3A_676 : i32
        %get3A_679 = arith.constant 1 : i32
        %get3A_680 = arith.index_cast %get3A_679 : i32 to index
        %get3A_681 = arith.index_cast %add3A_678 : i32 to index
        %get3A_682 = arith.constant 0 : index
        %get3A_683 = tpu.vector_load %arg6[%get3A_680, %get3A_681, %get3A_682] {strides = array<i32>} : memref<2x400x64xf32, #tpu.memory_space<vmem>>, vector<1x1x16xf32>,
        %get3A_684 = vector.shape_cast %get3A_683 : vector<1x1x16xf32> to vector<16xf32>
        %add3A_685 = arith.addf %add3A_647, %get3A_684 : vector<16xf32>
        %add3A_686 = arith.constant 200 : i32
        %add3A_687 = arith.addi %add3A_686, %scan3A_676 : i32
        %get3A_688 = arith.constant 1 : i32
        %get3A_689 = arith.index_cast %get3A_688 : i32 to index
        %get3A_690 = arith.index_cast %add3A_687 : i32 to index
        %get3A_691 = arith.constant 16 : index
        %get3A_692 = tpu.vector_load %arg6[%get3A_689, %get3A_690, %get3A_691] {strides = array<i32>} : memref<2x400x64xf32, #tpu.memory_space<vmem>>, vector<1x1x16xf32>,
        %get3A_693 = vector.shape_cast %get3A_692 : vector<1x1x16xf32> to vector<16xf32>
        %add3A_694 = arith.addf %add3A_656, %get3A_693 : vector<16xf32>
        %add3A_695 = arith.constant 200 : i32
        %add3A_696 = arith.addi %add3A_695, %scan3A_676 : i32
        %get3A_697 = arith.constant 1 : i32
        %get3A_698 = arith.index_cast %get3A_697 : i32 to index
        %get3A_699 = arith.index_cast %add3A_696 : i32 to index
        %get3A_700 = arith.constant 32 : index
        %get3A_701 = tpu.vector_load %arg6[%get3A_698, %get3A_699, %get3A_700] {strides = array<i32>} : memref<2x400x64xf32, #tpu.memory_space<vmem>>, vector<1x1x16xf32>,
        %get3A_702 = vector.shape_cast %get3A_701 : vector<1x1x16xf32> to vector<16xf32>
        %add3A_703 = arith.addf %add3A_665, %get3A_702 : vector<16xf32>
        %add3A_704 = arith.constant 200 : i32
        %add3A_705 = arith.addi %add3A_704, %scan3A_676 : i32
        %get3A_706 = arith.constant 1 : i32
        %get3A_707 = arith.index_cast %get3A_706 : i32 to index
        %get3A_708 = arith.index_cast %add3A_705 : i32 to index
        %get3A_709 = arith.constant 48 : index
        %get3A_710 = tpu.vector_load %arg6[%get3A_707, %get3A_708, %get3A_709] {strides = array<i32>} : memref<2x400x64xf32, #tpu.memory_space<vmem>>, vector<1x1x16xf32>,
        %get3A_711 = vector.shape_cast %get3A_710 : vector<1x1x16xf32> to vector<16xf32>
        %add3A_712 = arith.addf %add3A_674, %get3A_711 : vector<16xf32>
        scf.yield %add3A_685, %add3A_694, %add3A_703, %add3A_712 : vector<16xf32>, vector<16xf32>, vector<16xf32>, vector<16xf32>
      }
      %scan3A_558 = arith.constant 200 : i32
      %mul3A_559 = arith.constant 2 : i32
      %mul3A_560 = arith.muli %add3A_464, %mul3A_559 : i32
      %add3A_561 = arith.constant 1 : i32
      %add3A_562 = arith.addi %mul3A_560, %add3A_561 : i32
      %swap3A_563 = arith.index_cast %add3A_562 : i32 to index
      %swap3A_564 = arith.constant 0 : index
      %swap3A_565 = tpu.vector_load %arg7[%swap3A_563, %swap3A_564] {strides = array<i32>} : memref<512x64xf32, #tpu.memory_space<vmem>>, vector<1x16xf32>,
      %swap3A_566 = vector.shape_cast %swap3A_565 : vector<1x16xf32> to vector<16xf32>
      %swap3A_567 = vector.shape_cast %scan3A_557#0 : vector<16xf32> to vector<1x16xf32>
      tpu.vector_store %arg7[%swap3A_563, %swap3A_564], %swap3A_567 {strides = array<i32>} : memref<512x64xf32, #tpu.memory_space<vmem>>, vector<1x16xf32>,
      %mul3A_568 = arith.constant 2 : i32
      %mul3A_569 = arith.muli %add3A_464, %mul3A_568 : i32
      %add3A_570 = arith.constant 1 : i32
      %add3A_571 = arith.addi %mul3A_569, %add3A_570 : i32
      %swap3A_572 = arith.index_cast %add3A_571 : i32 to index
      %swap3A_573 = arith.constant 16 : index
      %swap3A_574 = tpu.vector_load %arg7[%swap3A_572, %swap3A_573] {strides = array<i32>} : memref<512x64xf32, #tpu.memory_space<vmem>>, vector<1x16xf32>,
      %swap3A_575 = vector.shape_cast %swap3A_574 : vector<1x16xf32> to vector<16xf32>
      %swap3A_576 = vector.shape_cast %scan3A_557#1 : vector<16xf32> to vector<1x16xf32>
      tpu.vector_store %arg7[%swap3A_572, %swap3A_573], %swap3A_576 {strides = array<i32>} : memref<512x64xf32, #tpu.memory_space<vmem>>, vector<1x16xf32>,
      %mul3A_577 = arith.constant 2 : i32
      %mul3A_578 = arith.muli %add3A_464, %mul3A_577 : i32
      %add3A_579 = arith.constant 1 : i32
      %add3A_580 = arith.addi %mul3A_578, %add3A_579 : i32
      %swap3A_581 = arith.index_cast %add3A_580 : i32 to index
      %swap3A_582 = arith.constant 32 : index
      %swap3A_583 = tpu.vector_load %arg7[%swap3A_581, %swap3A_582] {strides = array<i32>} : memref<512x64xf32, #tpu.memory_space<vmem>>, vector<1x16xf32>,
      %swap3A_584 = vector.shape_cast %swap3A_583 : vector<1x16xf32> to vector<16xf32>
      %swap3A_585 = vector.shape_cast %scan3A_557#2 : vector<16xf32> to vector<1x16xf32>
      tpu.vector_store %arg7[%swap3A_581, %swap3A_582], %swap3A_585 {strides = array<i32>} : memref<512x64xf32, #tpu.memory_space<vmem>>, vector<1x16xf32>,
      %mul3A_586 = arith.constant 2 : i32
      %mul3A_587 = arith.muli %add3A_464, %mul3A_586 : i32
      %add3A_588 = arith.constant 1 : i32
      %add3A_589 = arith.addi %mul3A_587, %add3A_588 : i32
      %swap3A_590 = arith.index_cast %add3A_589 : i32 to index
      %swap3A_591 = arith.constant 48 : index
      %swap3A_592 = tpu.vector_load %arg7[%swap3A_590, %swap3A_591] {strides = array<i32>} : memref<512x64xf32, #tpu.memory_space<vmem>>, vector<1x16xf32>,
      %swap3A_593 = vector.shape_cast %swap3A_592 : vector<1x16xf32> to vector<16xf32>
      %swap3A_594 = vector.shape_cast %scan3A_557#3 : vector<16xf32> to vector<1x16xf32>
      tpu.vector_store %arg7[%swap3A_590, %swap3A_591], %swap3A_594 {strides = array<i32>} : memref<512x64xf32, #tpu.memory_space<vmem>>, vector<1x16xf32>,
      %add3A_595 = arith.constant 1 : i32
      %add3A_596 = arith.addi %mul3A_290, %add3A_595 : i32
      %add3A_597 = arith.constant 2 : i32
      %add3A_598 = arith.addi %add3A_596, %add3A_597 : i32
      %mul3A_599 = arith.constant 2 : i32
      %mul3A_600 = arith.muli %add3A_598, %mul3A_599 : i32
      %add3A_601 = arith.addi %mul3A_2, %mul3A_600 : i32
      %mul3A_602 = arith.constant 200 : i32
      %mul3A_603 = arith.muli %add3A_601, %mul3A_602 : i32
      %run_scoped3A_604 = arith.constant 1 : i32
      "tpu.region"() ({
        %run_scoped3A_635 = tpu.sem_alloc : memref<!tpu.dma_semaphore, #tpu.memory_space<semaphore_mem>>
        %dma_start3A_636 = arith.constant 0 : i32
        %dma_start3A_637 = tpu.memref_slice %arg5[%run_scoped3A_604, %dma_start3A_636] : memref<2x400xi32, #tpu.memory_space<vmem>> -> memref<1x400xi32, #tpu.memory_space<vmem>>
        %dma_start3A_638 = tpu.memref_squeeze %dma_start3A_637 : memref<1x400xi32, #tpu.memory_space<vmem>> -> memref<400xi32, #tpu.memory_space<vmem>>
        %dma_start3A_639 = tpu.memref_slice %arg2[%mul3A_603] : memref<3276800xi32, #tpu.memory_space<hbm>> -> memref<400xi32, #tpu.memory_space<hbm>>
        %dma_start3A_640 = arith.constant 0 : i32
        %dma_start3A_641 = tpu.memref_slice %arg5[%run_scoped3A_604, %dma_start3A_640] : memref<2x400xi32, #tpu.memory_space<vmem>> -> memref<1x400xi32, #tpu.memory_space<vmem>>
        %dma_start3A_642 = tpu.memref_squeeze %dma_start3A_641 : memref<1x400xi32, #tpu.memory_space<vmem>> -> memref<400xi32, #tpu.memory_space<vmem>>
        %dma_start3A_643 = tpu.memref_slice %arg2[%mul3A_603] : memref<3276800xi32, #tpu.memory_space<hbm>> -> memref<400xi32, #tpu.memory_space<hbm>>
        tpu.enqueue_dma source(%dma_start3A_643 : memref<400xi32, #tpu.memory_space<hbm>>) target(%dma_start3A_642 : memref<400xi32, #tpu.memory_space<vmem>>) target_semaphore(%run_scoped3A_635 : memref<!tpu.dma_semaphore, #tpu.memory_space<semaphore_mem>>)
        %dma_wait3A_644 = arith.constant 0 : i32
        %dma_wait3A_645 = tpu.memref_slice %arg5[%run_scoped3A_604, %dma_wait3A_644] : memref<2x400xi32, #tpu.memory_space<vmem>> -> memref<1x400xi32, #tpu.memory_space<vmem>>
        %dma_wait3A_646 = tpu.memref_squeeze %dma_wait3A_645 : memref<1x400xi32, #tpu.memory_space<vmem>> -> memref<400xi32, #tpu.memory_space<vmem>>
        %dma_wait3A_647 = tpu.memref_slice %arg2[%mul3A_603] : memref<3276800xi32, #tpu.memory_space<hbm>> -> memref<400xi32, #tpu.memory_space<hbm>>
        %dma_wait3A_648 = arith.constant 0 : i32
        %dma_wait3A_649 = tpu.memref_slice %arg5[%run_scoped3A_604, %dma_wait3A_648] : memref<2x400xi32, #tpu.memory_space<vmem>> -> memref<1x400xi32, #tpu.memory_space<vmem>>
        %dma_wait3A_650 = tpu.memref_squeeze %dma_wait3A_649 : memref<1x400xi32, #tpu.memory_space<vmem>> -> memref<400xi32, #tpu.memory_space<vmem>>
        %dma_wait3A_651 = tpu.memref_slice %arg2[%mul3A_603] : memref<3276800xi32, #tpu.memory_space<hbm>> -> memref<400xi32, #tpu.memory_space<hbm>>
        tpu.wait_dma2 semaphore(%run_scoped3A_635 : memref<!tpu.dma_semaphore, #tpu.memory_space<semaphore_mem>>) src(%dma_wait3A_651 : memref<400xi32, #tpu.memory_space<hbm>>) dst(%dma_wait3A_650 : memref<400xi32, #tpu.memory_space<vmem>>)
        tpu.yield
      }) : () -> ()
      %dma_start3A_605 = arith.constant 1 : i32
      %dma_start3A_606 = arith.constant 1 : i32
      %dma_start3A_607 = arith.constant 1 : i32
      %dma_start3A_608 = arith.constant 0 : i32
      %dma_start3A_609 = arith.constant 0 : i32
      %dma_start3A_610 = tpu.memref_slice %arg6[%dma_start3A_606, %dma_start3A_608, %dma_start3A_609] : memref<2x400x64xf32, #tpu.memory_space<vmem>> -> memref<1x200x64xf32, #tpu.memory_space<vmem>>
      %dma_start3A_611 = tpu.memref_squeeze %dma_start3A_610 : memref<1x200x64xf32, #tpu.memory_space<vmem>> -> memref<200x64xf32, #tpu.memory_space<vmem>>
      %dma_start3A_612 = arith.constant 0 : i32
      %dma_start3A_613 = tpu.memref_slice %arg5[%dma_start3A_605, %dma_start3A_612] : memref<2x400xi32, #tpu.memory_space<vmem>> -> memref<1x200xi32, #tpu.memory_space<vmem>>
      %dma_start3A_614 = tpu.memref_squeeze %dma_start3A_613 : memref<1x200xi32, #tpu.memory_space<vmem>> -> memref<200xi32, #tpu.memory_space<vmem>>
      %dma_start3A_615 = arith.constant 0 : i32
      %dma_start3A_616 = arith.constant 0 : i32
      %dma_start3A_617 = tpu.memref_slice %arg3[%dma_start3A_615, %dma_start3A_616] : memref<1000000x64xf32, #tpu.memory_space<hbm>> -> memref<1000000x64xf32, #tpu.memory_space<hbm>>
      %dma_start3A_618 = tpu.memref_slice %arg8[%dma_start3A_607] : memref<2x!tpu.dma_semaphore, #tpu.memory_space<semaphore_mem>> -> memref<1x!tpu.dma_semaphore, #tpu.memory_space<semaphore_mem>>
      %dma_start3A_619 = tpu.memref_squeeze %dma_start3A_618 : memref<1x!tpu.dma_semaphore, #tpu.memory_space<semaphore_mem>> -> memref<!tpu.dma_semaphore, #tpu.memory_space<semaphore_mem>>
      tpu.enqueue_indirect_dma source(%dma_start3A_617 : memref<1000000x64xf32, #tpu.memory_space<hbm>>) target(%dma_start3A_611 : memref<200x64xf32, #tpu.memory_space<vmem>>) offsets(%dma_start3A_614 : memref<200xi32, #tpu.memory_space<vmem>>) semaphore(%dma_start3A_619 : memref<!tpu.dma_semaphore, #tpu.memory_space<semaphore_mem>>)
      %dma_start3A_620 = arith.constant 1 : i32
      %dma_start3A_621 = arith.constant 1 : i32
      %dma_start3A_622 = arith.constant 1 : i32
      %dma_start3A_623 = arith.constant 200 : i32
      %dma_start3A_624 = arith.constant 0 : i32
      %dma_start3A_625 = tpu.memref_slice %arg6[%dma_start3A_621, %dma_start3A_623, %dma_start3A_624] : memref<2x400x64xf32, #tpu.memory_space<vmem>> -> memref<1x200x64xf32, #tpu.memory_space<vmem>>
      %dma_start3A_626 = tpu.memref_squeeze %dma_start3A_625 : memref<1x200x64xf32, #tpu.memory_space<vmem>> -> memref<200x64xf32, #tpu.memory_space<vmem>>
      %dma_start3A_627 = arith.constant 200 : i32
      %dma_start3A_628 = tpu.memref_slice %arg5[%dma_start3A_620, %dma_start3A_627] : memref<2x400xi32, #tpu.memory_space<vmem>> -> memref<1x200xi32, #tpu.memory_space<vmem>>
      %dma_start3A_629 = tpu.memref_squeeze %dma_start3A_628 : memref<1x200xi32, #tpu.memory_space<vmem>> -> memref<200xi32, #tpu.memory_space<vmem>>
      %dma_start3A_630 = arith.constant 0 : i32
      %dma_start3A_631 = arith.constant 0 : i32
      %dma_start3A_632 = tpu.memref_slice %arg3[%dma_start3A_630, %dma_start3A_631] : memref<1000000x64xf32, #tpu.memory_space<hbm>> -> memref<1000000x64xf32, #tpu.memory_space<hbm>>
      %dma_start3A_633 = tpu.memref_slice %arg8[%dma_start3A_622] : memref<2x!tpu.dma_semaphore, #tpu.memory_space<semaphore_mem>> -> memref<1x!tpu.dma_semaphore, #tpu.memory_space<semaphore_mem>>
      %dma_start3A_634 = tpu.memref_squeeze %dma_start3A_633 : memref<1x!tpu.dma_semaphore, #tpu.memory_space<semaphore_mem>> -> memref<!tpu.dma_semaphore, #tpu.memory_space<semaphore_mem>>
      tpu.enqueue_indirect_dma source(%dma_start3A_632 : memref<1000000x64xf32, #tpu.memory_space<hbm>>) target(%dma_start3A_626 : memref<200x64xf32, #tpu.memory_space<vmem>>) offsets(%dma_start3A_629 : memref<200xi32, #tpu.memory_space<vmem>>) semaphore(%dma_start3A_634 : memref<!tpu.dma_semaphore, #tpu.memory_space<semaphore_mem>>)
    }
    %scan3A_74 = arith.constant 127 : i32
    %dma_wait3A = arith.constant 0 : i32
    %dma_wait3A_75 = arith.constant 0 : i32
    %dma_wait3A_76 = arith.constant 0 : i32
    %dma_wait3A_77 = arith.constant 0 : i32
    %dma_wait3A_78 = arith.constant 0 : i32
    %dma_wait3A_79 = tpu.memref_slice %arg6[%dma_wait3A_75, %dma_wait3A_77, %dma_wait3A_78] : memref<2x400x64xf32, #tpu.memory_space<vmem>> -> memref<1x200x64xf32, #tpu.memory_space<vmem>>
    %dma_wait3A_80 = tpu.memref_squeeze %dma_wait3A_79 : memref<1x200x64xf32, #tpu.memory_space<vmem>> -> memref<200x64xf32, #tpu.memory_space<vmem>>
    %dma_wait3A_81 = arith.constant 0 : i32
    %dma_wait3A_82 = tpu.memref_slice %arg5[%dma_wait3A, %dma_wait3A_81] : memref<2x400xi32, #tpu.memory_space<vmem>> -> memref<1x200xi32, #tpu.memory_space<vmem>>
    %dma_wait3A_83 = tpu.memref_squeeze %dma_wait3A_82 : memref<1x200xi32, #tpu.memory_space<vmem>> -> memref<200xi32, #tpu.memory_space<vmem>>
    %dma_wait3A_84 = arith.constant 0 : i32
    %dma_wait3A_85 = arith.constant 0 : i32
    %dma_wait3A_86 = tpu.memref_slice %arg3[%dma_wait3A_84, %dma_wait3A_85] : memref<1000000x64xf32, #tpu.memory_space<hbm>> -> memref<1000000x64xf32, #tpu.memory_space<hbm>>
    %dma_wait3A_87 = tpu.memref_slice %arg8[%dma_wait3A_76] : memref<2x!tpu.dma_semaphore, #tpu.memory_space<semaphore_mem>> -> memref<1x!tpu.dma_semaphore, #tpu.memory_space<semaphore_mem>>
    %dma_wait3A_88 = tpu.memref_squeeze %dma_wait3A_87 : memref<1x!tpu.dma_semaphore, #tpu.memory_space<semaphore_mem>> -> memref<!tpu.dma_semaphore, #tpu.memory_space<semaphore_mem>>
    tpu.wait_indirect_dma semaphore(%dma_wait3A_88 : memref<!tpu.dma_semaphore, #tpu.memory_space<semaphore_mem>>) src(%dma_wait3A_86 : memref<1000000x64xf32, #tpu.memory_space<hbm>>) dst(%dma_wait3A_80 : memref<200x64xf32, #tpu.memory_space<vmem>>)
    %dma_wait3A_89 = arith.constant 0 : i32
    %dma_wait3A_90 = arith.constant 0 : i32
    %dma_wait3A_91 = arith.constant 0 : i32
    %dma_wait3A_92 = arith.constant 200 : i32
    %dma_wait3A_93 = arith.constant 0 : i32
    %dma_wait3A_94 = tpu.memref_slice %arg6[%dma_wait3A_90, %dma_wait3A_92, %dma_wait3A_93] : memref<2x400x64xf32, #tpu.memory_space<vmem>> -> memref<1x200x64xf32, #tpu.memory_space<vmem>>
    %dma_wait3A_95 = tpu.memref_squeeze %dma_wait3A_94 : memref<1x200x64xf32, #tpu.memory_space<vmem>> -> memref<200x64xf32, #tpu.memory_space<vmem>>
    %dma_wait3A_96 = arith.constant 200 : i32
    %dma_wait3A_97 = tpu.memref_slice %arg5[%dma_wait3A_89, %dma_wait3A_96] : memref<2x400xi32, #tpu.memory_space<vmem>> -> memref<1x200xi32, #tpu.memory_space<vmem>>
    %dma_wait3A_98 = tpu.memref_squeeze %dma_wait3A_97 : memref<1x200xi32, #tpu.memory_space<vmem>> -> memref<200xi32, #tpu.memory_space<vmem>>
    %dma_wait3A_99 = arith.constant 0 : i32
    %dma_wait3A_100 = arith.constant 0 : i32
    %dma_wait3A_101 = tpu.memref_slice %arg3[%dma_wait3A_99, %dma_wait3A_100] : memref<1000000x64xf32, #tpu.memory_space<hbm>> -> memref<1000000x64xf32, #tpu.memory_space<hbm>>
    %dma_wait3A_102 = tpu.memref_slice %arg8[%dma_wait3A_91] : memref<2x!tpu.dma_semaphore, #tpu.memory_space<semaphore_mem>> -> memref<1x!tpu.dma_semaphore, #tpu.memory_space<semaphore_mem>>
    %dma_wait3A_103 = tpu.memref_squeeze %dma_wait3A_102 : memref<1x!tpu.dma_semaphore, #tpu.memory_space<semaphore_mem>> -> memref<!tpu.dma_semaphore, #tpu.memory_space<semaphore_mem>>
    tpu.wait_indirect_dma semaphore(%dma_wait3A_103 : memref<!tpu.dma_semaphore, #tpu.memory_space<semaphore_mem>>) src(%dma_wait3A_101 : memref<1000000x64xf32, #tpu.memory_space<hbm>>) dst(%dma_wait3A_95 : memref<200x64xf32, #tpu.memory_space<vmem>>)
    %broadcast_in_dim3A = arith.constant 0.000000e+00 : f32
    %broadcast_in_dim3A_104 = vector.broadcast %broadcast_in_dim3A : f32 to vector<16xf32>
    %broadcast_in_dim3A_105 = arith.constant 0.000000e+00 : f32
    %broadcast_in_dim3A_106 = vector.broadcast %broadcast_in_dim3A_105 : f32 to vector<16xf32>
    %broadcast_in_dim3A_107 = arith.constant 0.000000e+00 : f32
    %broadcast_in_dim3A_108 = vector.broadcast %broadcast_in_dim3A_107 : f32 to vector<16xf32>
    %broadcast_in_dim3A_109 = arith.constant 0.000000e+00 : f32
    %broadcast_in_dim3A_110 = vector.broadcast %broadcast_in_dim3A_109 : f32 to vector<16xf32>
    %scan3A_111 = arith.constant 0 : i32
    %scan3A_112 = arith.constant 200 : i32
    %scan3A_113 = arith.addi %scan3A_111, %scan3A_112 : i32
    %scan3A_114 = arith.constant 2 : i32
    %scan3A_115:4 = scf.for %scan3A_284 = %scan3A_111 to %scan3A_113 step %scan3A_114 iter_args(%scan3A_285 = %broadcast_in_dim3A_104, %scan3A_286 = %broadcast_in_dim3A_106, %scan3A_287 = %broadcast_in_dim3A_108, %scan3A_288 = %broadcast_in_dim3A_110) -> (vector<16xf32>, vector<16xf32>, vector<16xf32>, vector<16xf32>)  : i32 {
      %add3A_289 = arith.constant 0 : i32
      %add3A_290 = arith.addi %add3A_289, %scan3A_284 : i32
      %get3A = arith.constant 0 : i32
      %get3A_291 = arith.index_cast %get3A : i32 to index
      %get3A_292 = arith.index_cast %add3A_290 : i32 to index
      %get3A_293 = arith.constant 0 : index
      %get3A_294 = tpu.vector_load %arg6[%get3A_291, %get3A_292, %get3A_293] {strides = array<i32>} : memref<2x400x64xf32, #tpu.memory_space<vmem>>, vector<1x1x16xf32>,
      %get3A_295 = vector.shape_cast %get3A_294 : vector<1x1x16xf32> to vector<16xf32>
      %add3A_296 = arith.addf %scan3A_285, %get3A_295 : vector<16xf32>
      %add3A_297 = arith.constant 0 : i32
      %add3A_298 = arith.addi %add3A_297, %scan3A_284 : i32
      %get3A_299 = arith.constant 0 : i32
      %get3A_300 = arith.index_cast %get3A_299 : i32 to index
      %get3A_301 = arith.index_cast %add3A_298 : i32 to index
      %get3A_302 = arith.constant 16 : index
      %get3A_303 = tpu.vector_load %arg6[%get3A_300, %get3A_301, %get3A_302] {strides = array<i32>} : memref<2x400x64xf32, #tpu.memory_space<vmem>>, vector<1x1x16xf32>,
      %get3A_304 = vector.shape_cast %get3A_303 : vector<1x1x16xf32> to vector<16xf32>
      %add3A_305 = arith.addf %scan3A_286, %get3A_304 : vector<16xf32>
      %add3A_306 = arith.constant 0 : i32
      %add3A_307 = arith.addi %add3A_306, %scan3A_284 : i32
      %get3A_308 = arith.constant 0 : i32
      %get3A_309 = arith.index_cast %get3A_308 : i32 to index
      %get3A_310 = arith.index_cast %add3A_307 : i32 to index
      %get3A_311 = arith.constant 32 : index
      %get3A_312 = tpu.vector_load %arg6[%get3A_309, %get3A_310, %get3A_311] {strides = array<i32>} : memref<2x400x64xf32, #tpu.memory_space<vmem>>, vector<1x1x16xf32>,
      %get3A_313 = vector.shape_cast %get3A_312 : vector<1x1x16xf32> to vector<16xf32>
      %add3A_314 = arith.addf %scan3A_287, %get3A_313 : vector<16xf32>
      %add3A_315 = arith.constant 0 : i32
      %add3A_316 = arith.addi %add3A_315, %scan3A_284 : i32
      %get3A_317 = arith.constant 0 : i32
      %get3A_318 = arith.index_cast %get3A_317 : i32 to index
      %get3A_319 = arith.index_cast %add3A_316 : i32 to index
      %get3A_320 = arith.constant 48 : index
      %get3A_321 = tpu.vector_load %arg6[%get3A_318, %get3A_319, %get3A_320] {strides = array<i32>} : memref<2x400x64xf32, #tpu.memory_space<vmem>>, vector<1x1x16xf32>,
      %get3A_322 = vector.shape_cast %get3A_321 : vector<1x1x16xf32> to vector<16xf32>
      %add3A_323 = arith.addf %scan3A_288, %get3A_322 : vector<16xf32>
      %scan3A_324 = arith.constant 1 : i32
      %scan3A_325 = arith.addi %scan3A_284, %scan3A_324 : i32
      %add3A_326 = arith.constant 0 : i32
      %add3A_327 = arith.addi %add3A_326, %scan3A_325 : i32
      %get3A_328 = arith.constant 0 : i32
      %get3A_329 = arith.index_cast %get3A_328 : i32 to index
      %get3A_330 = arith.index_cast %add3A_327 : i32 to index
      %get3A_331 = arith.constant 0 : index
      %get3A_332 = tpu.vector_load %arg6[%get3A_329, %get3A_330, %get3A_331] {strides = array<i32>} : memref<2x400x64xf32, #tpu.memory_space<vmem>>, vector<1x1x16xf32>,
      %get3A_333 = vector.shape_cast %get3A_332 : vector<1x1x16xf32> to vector<16xf32>
      %add3A_334 = arith.addf %add3A_296, %get3A_333 : vector<16xf32>
      %add3A_335 = arith.constant 0 : i32
      %add3A_336 = arith.addi %add3A_335, %scan3A_325 : i32
      %get3A_337 = arith.constant 0 : i32
      %get3A_338 = arith.index_cast %get3A_337 : i32 to index
      %get3A_339 = arith.index_cast %add3A_336 : i32 to index
      %get3A_340 = arith.constant 16 : index
      %get3A_341 = tpu.vector_load %arg6[%get3A_338, %get3A_339, %get3A_340] {strides = array<i32>} : memref<2x400x64xf32, #tpu.memory_space<vmem>>, vector<1x1x16xf32>,
      %get3A_342 = vector.shape_cast %get3A_341 : vector<1x1x16xf32> to vector<16xf32>
      %add3A_343 = arith.addf %add3A_305, %get3A_342 : vector<16xf32>
      %add3A_344 = arith.constant 0 : i32
      %add3A_345 = arith.addi %add3A_344, %scan3A_325 : i32
      %get3A_346 = arith.constant 0 : i32
      %get3A_347 = arith.index_cast %get3A_346 : i32 to index
      %get3A_348 = arith.index_cast %add3A_345 : i32 to index
      %get3A_349 = arith.constant 32 : index
      %get3A_350 = tpu.vector_load %arg6[%get3A_347, %get3A_348, %get3A_349] {strides = array<i32>} : memref<2x400x64xf32, #tpu.memory_space<vmem>>, vector<1x1x16xf32>,
      %get3A_351 = vector.shape_cast %get3A_350 : vector<1x1x16xf32> to vector<16xf32>
      %add3A_352 = arith.addf %add3A_314, %get3A_351 : vector<16xf32>
      %add3A_353 = arith.constant 0 : i32
      %add3A_354 = arith.addi %add3A_353, %scan3A_325 : i32
      %get3A_355 = arith.constant 0 : i32
      %get3A_356 = arith.index_cast %get3A_355 : i32 to index
      %get3A_357 = arith.index_cast %add3A_354 : i32 to index
      %get3A_358 = arith.constant 48 : index
      %get3A_359 = tpu.vector_load %arg6[%get3A_356, %get3A_357, %get3A_358] {strides = array<i32>} : memref<2x400x64xf32, #tpu.memory_space<vmem>>, vector<1x1x16xf32>,
      %get3A_360 = vector.shape_cast %get3A_359 : vector<1x1x16xf32> to vector<16xf32>
      %add3A_361 = arith.addf %add3A_323, %get3A_360 : vector<16xf32>
      scf.yield %add3A_334, %add3A_343, %add3A_352, %add3A_361 : vector<16xf32>, vector<16xf32>, vector<16xf32>, vector<16xf32>
    }
    %scan3A_116 = arith.constant 200 : i32
    %swap3A = arith.constant 508 : i32
    %swap3A_117 = arith.index_cast %swap3A : i32 to index
    %swap3A_118 = arith.constant 0 : index
    %swap3A_119 = tpu.vector_load %arg7[%swap3A_117, %swap3A_118] {strides = array<i32>} : memref<512x64xf32, #tpu.memory_space<vmem>>, vector<1x16xf32>,
    %swap3A_120 = vector.shape_cast %swap3A_119 : vector<1x16xf32> to vector<16xf32>
    %swap3A_121 = vector.shape_cast %scan3A_115#0 : vector<16xf32> to vector<1x16xf32>
    tpu.vector_store %arg7[%swap3A_117, %swap3A_118], %swap3A_121 {strides = array<i32>} : memref<512x64xf32, #tpu.memory_space<vmem>>, vector<1x16xf32>,
    %swap3A_122 = arith.constant 508 : i32
    %swap3A_123 = arith.index_cast %swap3A_122 : i32 to index
    %swap3A_124 = arith.constant 16 : index
    %swap3A_125 = tpu.vector_load %arg7[%swap3A_123, %swap3A_124] {strides = array<i32>} : memref<512x64xf32, #tpu.memory_space<vmem>>, vector<1x16xf32>,
    %swap3A_126 = vector.shape_cast %swap3A_125 : vector<1x16xf32> to vector<16xf32>
    %swap3A_127 = vector.shape_cast %scan3A_115#1 : vector<16xf32> to vector<1x16xf32>
    tpu.vector_store %arg7[%swap3A_123, %swap3A_124], %swap3A_127 {strides = array<i32>} : memref<512x64xf32, #tpu.memory_space<vmem>>, vector<1x16xf32>,
    %swap3A_128 = arith.constant 508 : i32
    %swap3A_129 = arith.index_cast %swap3A_128 : i32 to index
    %swap3A_130 = arith.constant 32 : index
    %swap3A_131 = tpu.vector_load %arg7[%swap3A_129, %swap3A_130] {strides = array<i32>} : memref<512x64xf32, #tpu.memory_space<vmem>>, vector<1x16xf32>,
    %swap3A_132 = vector.shape_cast %swap3A_131 : vector<1x16xf32> to vector<16xf32>
    %swap3A_133 = vector.shape_cast %scan3A_115#2 : vector<16xf32> to vector<1x16xf32>
    tpu.vector_store %arg7[%swap3A_129, %swap3A_130], %swap3A_133 {strides = array<i32>} : memref<512x64xf32, #tpu.memory_space<vmem>>, vector<1x16xf32>,
    %swap3A_134 = arith.constant 508 : i32
    %swap3A_135 = arith.index_cast %swap3A_134 : i32 to index
    %swap3A_136 = arith.constant 48 : index
    %swap3A_137 = tpu.vector_load %arg7[%swap3A_135, %swap3A_136] {strides = array<i32>} : memref<512x64xf32, #tpu.memory_space<vmem>>, vector<1x16xf32>,
    %swap3A_138 = vector.shape_cast %swap3A_137 : vector<1x16xf32> to vector<16xf32>
    %swap3A_139 = vector.shape_cast %scan3A_115#3 : vector<16xf32> to vector<1x16xf32>
    tpu.vector_store %arg7[%swap3A_135, %swap3A_136], %swap3A_139 {strides = array<i32>} : memref<512x64xf32, #tpu.memory_space<vmem>>, vector<1x16xf32>,
    %broadcast_in_dim3A_140 = arith.constant 0.000000e+00 : f32
    %broadcast_in_dim3A_141 = vector.broadcast %broadcast_in_dim3A_140 : f32 to vector<16xf32>
    %broadcast_in_dim3A_142 = arith.constant 0.000000e+00 : f32
    %broadcast_in_dim3A_143 = vector.broadcast %broadcast_in_dim3A_142 : f32 to vector<16xf32>
    %broadcast_in_dim3A_144 = arith.constant 0.000000e+00 : f32
    %broadcast_in_dim3A_145 = vector.broadcast %broadcast_in_dim3A_144 : f32 to vector<16xf32>
    %broadcast_in_dim3A_146 = arith.constant 0.000000e+00 : f32
    %broadcast_in_dim3A_147 = vector.broadcast %broadcast_in_dim3A_146 : f32 to vector<16xf32>
    %scan3A_148 = arith.constant 0 : i32
    %scan3A_149 = arith.constant 200 : i32
    %scan3A_150 = arith.addi %scan3A_148, %scan3A_149 : i32
    %scan3A_151 = arith.constant 2 : i32
    %scan3A_152:4 = scf.for %scan3A_284 = %scan3A_148 to %scan3A_150 step %scan3A_151 iter_args(%scan3A_285 = %broadcast_in_dim3A_141, %scan3A_286 = %broadcast_in_dim3A_143, %scan3A_287 = %broadcast_in_dim3A_145, %scan3A_288 = %broadcast_in_dim3A_147) -> (vector<16xf32>, vector<16xf32>, vector<16xf32>, vector<16xf32>)  : i32 {
      %add3A_289 = arith.constant 200 : i32
      %add3A_290 = arith.addi %add3A_289, %scan3A_284 : i32
      %get3A = arith.constant 0 : i32
      %get3A_291 = arith.index_cast %get3A : i32 to index
      %get3A_292 = arith.index_cast %add3A_290 : i32 to index
      %get3A_293 = arith.constant 0 : index
      %get3A_294 = tpu.vector_load %arg6[%get3A_291, %get3A_292, %get3A_293] {strides = array<i32>} : memref<2x400x64xf32, #tpu.memory_space<vmem>>, vector<1x1x16xf32>,
      %get3A_295 = vector.shape_cast %get3A_294 : vector<1x1x16xf32> to vector<16xf32>
      %add3A_296 = arith.addf %scan3A_285, %get3A_295 : vector<16xf32>
      %add3A_297 = arith.constant 200 : i32
      %add3A_298 = arith.addi %add3A_297, %scan3A_284 : i32
      %get3A_299 = arith.constant 0 : i32
      %get3A_300 = arith.index_cast %get3A_299 : i32 to index
      %get3A_301 = arith.index_cast %add3A_298 : i32 to index
      %get3A_302 = arith.constant 16 : index
      %get3A_303 = tpu.vector_load %arg6[%get3A_300, %get3A_301, %get3A_302] {strides = array<i32>} : memref<2x400x64xf32, #tpu.memory_space<vmem>>, vector<1x1x16xf32>,
      %get3A_304 = vector.shape_cast %get3A_303 : vector<1x1x16xf32> to vector<16xf32>
      %add3A_305 = arith.addf %scan3A_286, %get3A_304 : vector<16xf32>
      %add3A_306 = arith.constant 200 : i32
      %add3A_307 = arith.addi %add3A_306, %scan3A_284 : i32
      %get3A_308 = arith.constant 0 : i32
      %get3A_309 = arith.index_cast %get3A_308 : i32 to index
      %get3A_310 = arith.index_cast %add3A_307 : i32 to index
      %get3A_311 = arith.constant 32 : index
      %get3A_312 = tpu.vector_load %arg6[%get3A_309, %get3A_310, %get3A_311] {strides = array<i32>} : memref<2x400x64xf32, #tpu.memory_space<vmem>>, vector<1x1x16xf32>,
      %get3A_313 = vector.shape_cast %get3A_312 : vector<1x1x16xf32> to vector<16xf32>
      %add3A_314 = arith.addf %scan3A_287, %get3A_313 : vector<16xf32>
      %add3A_315 = arith.constant 200 : i32
      %add3A_316 = arith.addi %add3A_315, %scan3A_284 : i32
      %get3A_317 = arith.constant 0 : i32
      %get3A_318 = arith.index_cast %get3A_317 : i32 to index
      %get3A_319 = arith.index_cast %add3A_316 : i32 to index
      %get3A_320 = arith.constant 48 : index
      %get3A_321 = tpu.vector_load %arg6[%get3A_318, %get3A_319, %get3A_320] {strides = array<i32>} : memref<2x400x64xf32, #tpu.memory_space<vmem>>, vector<1x1x16xf32>,
      %get3A_322 = vector.shape_cast %get3A_321 : vector<1x1x16xf32> to vector<16xf32>
      %add3A_323 = arith.addf %scan3A_288, %get3A_322 : vector<16xf32>
      %scan3A_324 = arith.constant 1 : i32
      %scan3A_325 = arith.addi %scan3A_284, %scan3A_324 : i32
      %add3A_326 = arith.constant 200 : i32
      %add3A_327 = arith.addi %add3A_326, %scan3A_325 : i32
      %get3A_328 = arith.constant 0 : i32
      %get3A_329 = arith.index_cast %get3A_328 : i32 to index
      %get3A_330 = arith.index_cast %add3A_327 : i32 to index
      %get3A_331 = arith.constant 0 : index
      %get3A_332 = tpu.vector_load %arg6[%get3A_329, %get3A_330, %get3A_331] {strides = array<i32>} : memref<2x400x64xf32, #tpu.memory_space<vmem>>, vector<1x1x16xf32>,
      %get3A_333 = vector.shape_cast %get3A_332 : vector<1x1x16xf32> to vector<16xf32>
      %add3A_334 = arith.addf %add3A_296, %get3A_333 : vector<16xf32>
      %add3A_335 = arith.constant 200 : i32
      %add3A_336 = arith.addi %add3A_335, %scan3A_325 : i32
      %get3A_337 = arith.constant 0 : i32
      %get3A_338 = arith.index_cast %get3A_337 : i32 to index
      %get3A_339 = arith.index_cast %add3A_336 : i32 to index
      %get3A_340 = arith.constant 16 : index
      %get3A_341 = tpu.vector_load %arg6[%get3A_338, %get3A_339, %get3A_340] {strides = array<i32>} : memref<2x400x64xf32, #tpu.memory_space<vmem>>, vector<1x1x16xf32>,
      %get3A_342 = vector.shape_cast %get3A_341 : vector<1x1x16xf32> to vector<16xf32>
      %add3A_343 = arith.addf %add3A_305, %get3A_342 : vector<16xf32>
      %add3A_344 = arith.constant 200 : i32
      %add3A_345 = arith.addi %add3A_344, %scan3A_325 : i32
      %get3A_346 = arith.constant 0 : i32
      %get3A_347 = arith.index_cast %get3A_346 : i32 to index
      %get3A_348 = arith.index_cast %add3A_345 : i32 to index
      %get3A_349 = arith.constant 32 : index
      %get3A_350 = tpu.vector_load %arg6[%get3A_347, %get3A_348, %get3A_349] {strides = array<i32>} : memref<2x400x64xf32, #tpu.memory_space<vmem>>, vector<1x1x16xf32>,
      %get3A_351 = vector.shape_cast %get3A_350 : vector<1x1x16xf32> to vector<16xf32>
      %add3A_352 = arith.addf %add3A_314, %get3A_351 : vector<16xf32>
      %add3A_353 = arith.constant 200 : i32
      %add3A_354 = arith.addi %add3A_353, %scan3A_325 : i32
      %get3A_355 = arith.constant 0 : i32
      %get3A_356 = arith.index_cast %get3A_355 : i32 to index
      %get3A_357 = arith.index_cast %add3A_354 : i32 to index
      %get3A_358 = arith.constant 48 : index
      %get3A_359 = tpu.vector_load %arg6[%get3A_356, %get3A_357, %get3A_358] {strides = array<i32>} : memref<2x400x64xf32, #tpu.memory_space<vmem>>, vector<1x1x16xf32>,
      %get3A_360 = vector.shape_cast %get3A_359 : vector<1x1x16xf32> to vector<16xf32>
      %add3A_361 = arith.addf %add3A_323, %get3A_360 : vector<16xf32>
      scf.yield %add3A_334, %add3A_343, %add3A_352, %add3A_361 : vector<16xf32>, vector<16xf32>, vector<16xf32>, vector<16xf32>
    }
    %scan3A_153 = arith.constant 200 : i32
    %swap3A_154 = arith.constant 509 : i32
    %swap3A_155 = arith.index_cast %swap3A_154 : i32 to index
    %swap3A_156 = arith.constant 0 : index
    %swap3A_157 = tpu.vector_load %arg7[%swap3A_155, %swap3A_156] {strides = array<i32>} : memref<512x64xf32, #tpu.memory_space<vmem>>, vector<1x16xf32>,
    %swap3A_158 = vector.shape_cast %swap3A_157 : vector<1x16xf32> to vector<16xf32>
    %swap3A_159 = vector.shape_cast %scan3A_152#0 : vector<16xf32> to vector<1x16xf32>
    tpu.vector_store %arg7[%swap3A_155, %swap3A_156], %swap3A_159 {strides = array<i32>} : memref<512x64xf32, #tpu.memory_space<vmem>>, vector<1x16xf32>,
    %swap3A_160 = arith.constant 509 : i32
    %swap3A_161 = arith.index_cast %swap3A_160 : i32 to index
    %swap3A_162 = arith.constant 16 : index
    %swap3A_163 = tpu.vector_load %arg7[%swap3A_161, %swap3A_162] {strides = array<i32>} : memref<512x64xf32, #tpu.memory_space<vmem>>, vector<1x16xf32>,
    %swap3A_164 = vector.shape_cast %swap3A_163 : vector<1x16xf32> to vector<16xf32>
    %swap3A_165 = vector.shape_cast %scan3A_152#1 : vector<16xf32> to vector<1x16xf32>
    tpu.vector_store %arg7[%swap3A_161, %swap3A_162], %swap3A_165 {strides = array<i32>} : memref<512x64xf32, #tpu.memory_space<vmem>>, vector<1x16xf32>,
    %swap3A_166 = arith.constant 509 : i32
    %swap3A_167 = arith.index_cast %swap3A_166 : i32 to index
    %swap3A_168 = arith.constant 32 : index
    %swap3A_169 = tpu.vector_load %arg7[%swap3A_167, %swap3A_168] {strides = array<i32>} : memref<512x64xf32, #tpu.memory_space<vmem>>, vector<1x16xf32>,
    %swap3A_170 = vector.shape_cast %swap3A_169 : vector<1x16xf32> to vector<16xf32>
    %swap3A_171 = vector.shape_cast %scan3A_152#2 : vector<16xf32> to vector<1x16xf32>
    tpu.vector_store %arg7[%swap3A_167, %swap3A_168], %swap3A_171 {strides = array<i32>} : memref<512x64xf32, #tpu.memory_space<vmem>>, vector<1x16xf32>,
    %swap3A_172 = arith.constant 509 : i32
    %swap3A_173 = arith.index_cast %swap3A_172 : i32 to index
    %swap3A_174 = arith.constant 48 : index
    %swap3A_175 = tpu.vector_load %arg7[%swap3A_173, %swap3A_174] {strides = array<i32>} : memref<512x64xf32, #tpu.memory_space<vmem>>, vector<1x16xf32>,
    %swap3A_176 = vector.shape_cast %swap3A_175 : vector<1x16xf32> to vector<16xf32>
    %swap3A_177 = vector.shape_cast %scan3A_152#3 : vector<16xf32> to vector<1x16xf32>
    tpu.vector_store %arg7[%swap3A_173, %swap3A_174], %swap3A_177 {strides = array<i32>} : memref<512x64xf32, #tpu.memory_space<vmem>>, vector<1x16xf32>,
    %dma_wait3A_178 = arith.constant 1 : i32
    %dma_wait3A_179 = arith.constant 1 : i32
    %dma_wait3A_180 = arith.constant 1 : i32
    %dma_wait3A_181 = arith.constant 0 : i32
    %dma_wait3A_182 = arith.constant 0 : i32
    %dma_wait3A_183 = tpu.memref_slice %arg6[%dma_wait3A_179, %dma_wait3A_181, %dma_wait3A_182] : memref<2x400x64xf32, #tpu.memory_space<vmem>> -> memref<1x200x64xf32, #tpu.memory_space<vmem>>
    %dma_wait3A_184 = tpu.memref_squeeze %dma_wait3A_183 : memref<1x200x64xf32, #tpu.memory_space<vmem>> -> memref<200x64xf32, #tpu.memory_space<vmem>>
    %dma_wait3A_185 = arith.constant 0 : i32
    %dma_wait3A_186 = tpu.memref_slice %arg5[%dma_wait3A_178, %dma_wait3A_185] : memref<2x400xi32, #tpu.memory_space<vmem>> -> memref<1x200xi32, #tpu.memory_space<vmem>>
    %dma_wait3A_187 = tpu.memref_squeeze %dma_wait3A_186 : memref<1x200xi32, #tpu.memory_space<vmem>> -> memref<200xi32, #tpu.memory_space<vmem>>
    %dma_wait3A_188 = arith.constant 0 : i32
    %dma_wait3A_189 = arith.constant 0 : i32
    %dma_wait3A_190 = tpu.memref_slice %arg3[%dma_wait3A_188, %dma_wait3A_189] : memref<1000000x64xf32, #tpu.memory_space<hbm>> -> memref<1000000x64xf32, #tpu.memory_space<hbm>>
    %dma_wait3A_191 = tpu.memref_slice %arg8[%dma_wait3A_180] : memref<2x!tpu.dma_semaphore, #tpu.memory_space<semaphore_mem>> -> memref<1x!tpu.dma_semaphore, #tpu.memory_space<semaphore_mem>>
    %dma_wait3A_192 = tpu.memref_squeeze %dma_wait3A_191 : memref<1x!tpu.dma_semaphore, #tpu.memory_space<semaphore_mem>> -> memref<!tpu.dma_semaphore, #tpu.memory_space<semaphore_mem>>
    tpu.wait_indirect_dma semaphore(%dma_wait3A_192 : memref<!tpu.dma_semaphore, #tpu.memory_space<semaphore_mem>>) src(%dma_wait3A_190 : memref<1000000x64xf32, #tpu.memory_space<hbm>>) dst(%dma_wait3A_184 : memref<200x64xf32, #tpu.memory_space<vmem>>)
    %dma_wait3A_193 = arith.constant 1 : i32
    %dma_wait3A_194 = arith.constant 1 : i32
    %dma_wait3A_195 = arith.constant 1 : i32
    %dma_wait3A_196 = arith.constant 200 : i32
    %dma_wait3A_197 = arith.constant 0 : i32
    %dma_wait3A_198 = tpu.memref_slice %arg6[%dma_wait3A_194, %dma_wait3A_196, %dma_wait3A_197] : memref<2x400x64xf32, #tpu.memory_space<vmem>> -> memref<1x200x64xf32, #tpu.memory_space<vmem>>
    %dma_wait3A_199 = tpu.memref_squeeze %dma_wait3A_198 : memref<1x200x64xf32, #tpu.memory_space<vmem>> -> memref<200x64xf32, #tpu.memory_space<vmem>>
    %dma_wait3A_200 = arith.constant 200 : i32
    %dma_wait3A_201 = tpu.memref_slice %arg5[%dma_wait3A_193, %dma_wait3A_200] : memref<2x400xi32, #tpu.memory_space<vmem>> -> memref<1x200xi32, #tpu.memory_space<vmem>>
    %dma_wait3A_202 = tpu.memref_squeeze %dma_wait3A_201 : memref<1x200xi32, #tpu.memory_space<vmem>> -> memref<200xi32, #tpu.memory_space<vmem>>
    %dma_wait3A_203 = arith.constant 0 : i32
    %dma_wait3A_204 = arith.constant 0 : i32
    %dma_wait3A_205 = tpu.memref_slice %arg3[%dma_wait3A_203, %dma_wait3A_204] : memref<1000000x64xf32, #tpu.memory_space<hbm>> -> memref<1000000x64xf32, #tpu.memory_space<hbm>>
    %dma_wait3A_206 = tpu.memref_slice %arg8[%dma_wait3A_195] : memref<2x!tpu.dma_semaphore, #tpu.memory_space<semaphore_mem>> -> memref<1x!tpu.dma_semaphore, #tpu.memory_space<semaphore_mem>>
    %dma_wait3A_207 = tpu.memref_squeeze %dma_wait3A_206 : memref<1x!tpu.dma_semaphore, #tpu.memory_space<semaphore_mem>> -> memref<!tpu.dma_semaphore, #tpu.memory_space<semaphore_mem>>
    tpu.wait_indirect_dma semaphore(%dma_wait3A_207 : memref<!tpu.dma_semaphore, #tpu.memory_space<semaphore_mem>>) src(%dma_wait3A_205 : memref<1000000x64xf32, #tpu.memory_space<hbm>>) dst(%dma_wait3A_199 : memref<200x64xf32, #tpu.memory_space<vmem>>)
    %broadcast_in_dim3A_208 = arith.constant 0.000000e+00 : f32
    %broadcast_in_dim3A_209 = vector.broadcast %broadcast_in_dim3A_208 : f32 to vector<16xf32>
    %broadcast_in_dim3A_210 = arith.constant 0.000000e+00 : f32
    %broadcast_in_dim3A_211 = vector.broadcast %broadcast_in_dim3A_210 : f32 to vector<16xf32>
    %broadcast_in_dim3A_212 = arith.constant 0.000000e+00 : f32
    %broadcast_in_dim3A_213 = vector.broadcast %broadcast_in_dim3A_212 : f32 to vector<16xf32>
    %broadcast_in_dim3A_214 = arith.constant 0.000000e+00 : f32
    %broadcast_in_dim3A_215 = vector.broadcast %broadcast_in_dim3A_214 : f32 to vector<16xf32>
    %scan3A_216 = arith.constant 0 : i32
    %scan3A_217 = arith.constant 200 : i32
    %scan3A_218 = arith.addi %scan3A_216, %scan3A_217 : i32
    %scan3A_219 = arith.constant 2 : i32
    %scan3A_220:4 = scf.for %scan3A_284 = %scan3A_216 to %scan3A_218 step %scan3A_219 iter_args(%scan3A_285 = %broadcast_in_dim3A_209, %scan3A_286 = %broadcast_in_dim3A_211, %scan3A_287 = %broadcast_in_dim3A_213, %scan3A_288 = %broadcast_in_dim3A_215) -> (vector<16xf32>, vector<16xf32>, vector<16xf32>, vector<16xf32>)  : i32 {
      %add3A_289 = arith.constant 0 : i32
      %add3A_290 = arith.addi %add3A_289, %scan3A_284 : i32
      %get3A = arith.constant 1 : i32
      %get3A_291 = arith.index_cast %get3A : i32 to index
      %get3A_292 = arith.index_cast %add3A_290 : i32 to index
      %get3A_293 = arith.constant 0 : index
      %get3A_294 = tpu.vector_load %arg6[%get3A_291, %get3A_292, %get3A_293] {strides = array<i32>} : memref<2x400x64xf32, #tpu.memory_space<vmem>>, vector<1x1x16xf32>,
      %get3A_295 = vector.shape_cast %get3A_294 : vector<1x1x16xf32> to vector<16xf32>
      %add3A_296 = arith.addf %scan3A_285, %get3A_295 : vector<16xf32>
      %add3A_297 = arith.constant 0 : i32
      %add3A_298 = arith.addi %add3A_297, %scan3A_284 : i32
      %get3A_299 = arith.constant 1 : i32
      %get3A_300 = arith.index_cast %get3A_299 : i32 to index
      %get3A_301 = arith.index_cast %add3A_298 : i32 to index
      %get3A_302 = arith.constant 16 : index
      %get3A_303 = tpu.vector_load %arg6[%get3A_300, %get3A_301, %get3A_302] {strides = array<i32>} : memref<2x400x64xf32, #tpu.memory_space<vmem>>, vector<1x1x16xf32>,
      %get3A_304 = vector.shape_cast %get3A_303 : vector<1x1x16xf32> to vector<16xf32>
      %add3A_305 = arith.addf %scan3A_286, %get3A_304 : vector<16xf32>
      %add3A_306 = arith.constant 0 : i32
      %add3A_307 = arith.addi %add3A_306, %scan3A_284 : i32
      %get3A_308 = arith.constant 1 : i32
      %get3A_309 = arith.index_cast %get3A_308 : i32 to index
      %get3A_310 = arith.index_cast %add3A_307 : i32 to index
      %get3A_311 = arith.constant 32 : index
      %get3A_312 = tpu.vector_load %arg6[%get3A_309, %get3A_310, %get3A_311] {strides = array<i32>} : memref<2x400x64xf32, #tpu.memory_space<vmem>>, vector<1x1x16xf32>,
      %get3A_313 = vector.shape_cast %get3A_312 : vector<1x1x16xf32> to vector<16xf32>
      %add3A_314 = arith.addf %scan3A_287, %get3A_313 : vector<16xf32>
      %add3A_315 = arith.constant 0 : i32
      %add3A_316 = arith.addi %add3A_315, %scan3A_284 : i32
      %get3A_317 = arith.constant 1 : i32
      %get3A_318 = arith.index_cast %get3A_317 : i32 to index
      %get3A_319 = arith.index_cast %add3A_316 : i32 to index
      %get3A_320 = arith.constant 48 : index
      %get3A_321 = tpu.vector_load %arg6[%get3A_318, %get3A_319, %get3A_320] {strides = array<i32>} : memref<2x400x64xf32, #tpu.memory_space<vmem>>, vector<1x1x16xf32>,
      %get3A_322 = vector.shape_cast %get3A_321 : vector<1x1x16xf32> to vector<16xf32>
      %add3A_323 = arith.addf %scan3A_288, %get3A_322 : vector<16xf32>
      %scan3A_324 = arith.constant 1 : i32
      %scan3A_325 = arith.addi %scan3A_284, %scan3A_324 : i32
      %add3A_326 = arith.constant 0 : i32
      %add3A_327 = arith.addi %add3A_326, %scan3A_325 : i32
      %get3A_328 = arith.constant 1 : i32
      %get3A_329 = arith.index_cast %get3A_328 : i32 to index
      %get3A_330 = arith.index_cast %add3A_327 : i32 to index
      %get3A_331 = arith.constant 0 : index
      %get3A_332 = tpu.vector_load %arg6[%get3A_329, %get3A_330, %get3A_331] {strides = array<i32>} : memref<2x400x64xf32, #tpu.memory_space<vmem>>, vector<1x1x16xf32>,
      %get3A_333 = vector.shape_cast %get3A_332 : vector<1x1x16xf32> to vector<16xf32>
      %add3A_334 = arith.addf %add3A_296, %get3A_333 : vector<16xf32>
      %add3A_335 = arith.constant 0 : i32
      %add3A_336 = arith.addi %add3A_335, %scan3A_325 : i32
      %get3A_337 = arith.constant 1 : i32
      %get3A_338 = arith.index_cast %get3A_337 : i32 to index
      %get3A_339 = arith.index_cast %add3A_336 : i32 to index
      %get3A_340 = arith.constant 16 : index
      %get3A_341 = tpu.vector_load %arg6[%get3A_338, %get3A_339, %get3A_340] {strides = array<i32>} : memref<2x400x64xf32, #tpu.memory_space<vmem>>, vector<1x1x16xf32>,
      %get3A_342 = vector.shape_cast %get3A_341 : vector<1x1x16xf32> to vector<16xf32>
      %add3A_343 = arith.addf %add3A_305, %get3A_342 : vector<16xf32>
      %add3A_344 = arith.constant 0 : i32
      %add3A_345 = arith.addi %add3A_344, %scan3A_325 : i32
      %get3A_346 = arith.constant 1 : i32
      %get3A_347 = arith.index_cast %get3A_346 : i32 to index
      %get3A_348 = arith.index_cast %add3A_345 : i32 to index
      %get3A_349 = arith.constant 32 : index
      %get3A_350 = tpu.vector_load %arg6[%get3A_347, %get3A_348, %get3A_349] {strides = array<i32>} : memref<2x400x64xf32, #tpu.memory_space<vmem>>, vector<1x1x16xf32>,
      %get3A_351 = vector.shape_cast %get3A_350 : vector<1x1x16xf32> to vector<16xf32>
      %add3A_352 = arith.addf %add3A_314, %get3A_351 : vector<16xf32>
      %add3A_353 = arith.constant 0 : i32
      %add3A_354 = arith.addi %add3A_353, %scan3A_325 : i32
      %get3A_355 = arith.constant 1 : i32
      %get3A_356 = arith.index_cast %get3A_355 : i32 to index
      %get3A_357 = arith.index_cast %add3A_354 : i32 to index
      %get3A_358 = arith.constant 48 : index
      %get3A_359 = tpu.vector_load %arg6[%get3A_356, %get3A_357, %get3A_358] {strides = array<i32>} : memref<2x400x64xf32, #tpu.memory_space<vmem>>, vector<1x1x16xf32>,
      %get3A_360 = vector.shape_cast %get3A_359 : vector<1x1x16xf32> to vector<16xf32>
      %add3A_361 = arith.addf %add3A_323, %get3A_360 : vector<16xf32>
      scf.yield %add3A_334, %add3A_343, %add3A_352, %add3A_361 : vector<16xf32>, vector<16xf32>, vector<16xf32>, vector<16xf32>
    }
    %scan3A_221 = arith.constant 200 : i32
    %swap3A_222 = arith.constant 510 : i32
    %swap3A_223 = arith.index_cast %swap3A_222 : i32 to index
    %swap3A_224 = arith.constant 0 : index
    %swap3A_225 = tpu.vector_load %arg7[%swap3A_223, %swap3A_224] {strides = array<i32>} : memref<512x64xf32, #tpu.memory_space<vmem>>, vector<1x16xf32>,
    %swap3A_226 = vector.shape_cast %swap3A_225 : vector<1x16xf32> to vector<16xf32>
    %swap3A_227 = vector.shape_cast %scan3A_220#0 : vector<16xf32> to vector<1x16xf32>
    tpu.vector_store %arg7[%swap3A_223, %swap3A_224], %swap3A_227 {strides = array<i32>} : memref<512x64xf32, #tpu.memory_space<vmem>>, vector<1x16xf32>,
    %swap3A_228 = arith.constant 510 : i32
    %swap3A_229 = arith.index_cast %swap3A_228 : i32 to index
    %swap3A_230 = arith.constant 16 : index
    %swap3A_231 = tpu.vector_load %arg7[%swap3A_229, %swap3A_230] {strides = array<i32>} : memref<512x64xf32, #tpu.memory_space<vmem>>, vector<1x16xf32>,
    %swap3A_232 = vector.shape_cast %swap3A_231 : vector<1x16xf32> to vector<16xf32>
    %swap3A_233 = vector.shape_cast %scan3A_220#1 : vector<16xf32> to vector<1x16xf32>
    tpu.vector_store %arg7[%swap3A_229, %swap3A_230], %swap3A_233 {strides = array<i32>} : memref<512x64xf32, #tpu.memory_space<vmem>>, vector<1x16xf32>,
    %swap3A_234 = arith.constant 510 : i32
    %swap3A_235 = arith.index_cast %swap3A_234 : i32 to index
    %swap3A_236 = arith.constant 32 : index
    %swap3A_237 = tpu.vector_load %arg7[%swap3A_235, %swap3A_236] {strides = array<i32>} : memref<512x64xf32, #tpu.memory_space<vmem>>, vector<1x16xf32>,
    %swap3A_238 = vector.shape_cast %swap3A_237 : vector<1x16xf32> to vector<16xf32>
    %swap3A_239 = vector.shape_cast %scan3A_220#2 : vector<16xf32> to vector<1x16xf32>
    tpu.vector_store %arg7[%swap3A_235, %swap3A_236], %swap3A_239 {strides = array<i32>} : memref<512x64xf32, #tpu.memory_space<vmem>>, vector<1x16xf32>,
    %swap3A_240 = arith.constant 510 : i32
    %swap3A_241 = arith.index_cast %swap3A_240 : i32 to index
    %swap3A_242 = arith.constant 48 : index
    %swap3A_243 = tpu.vector_load %arg7[%swap3A_241, %swap3A_242] {strides = array<i32>} : memref<512x64xf32, #tpu.memory_space<vmem>>, vector<1x16xf32>,
    %swap3A_244 = vector.shape_cast %swap3A_243 : vector<1x16xf32> to vector<16xf32>
    %swap3A_245 = vector.shape_cast %scan3A_220#3 : vector<16xf32> to vector<1x16xf32>
    tpu.vector_store %arg7[%swap3A_241, %swap3A_242], %swap3A_245 {strides = array<i32>} : memref<512x64xf32, #tpu.memory_space<vmem>>, vector<1x16xf32>,
    %broadcast_in_dim3A_246 = arith.constant 0.000000e+00 : f32
    %broadcast_in_dim3A_247 = vector.broadcast %broadcast_in_dim3A_246 : f32 to vector<16xf32>
    %broadcast_in_dim3A_248 = arith.constant 0.000000e+00 : f32
    %broadcast_in_dim3A_249 = vector.broadcast %broadcast_in_dim3A_248 : f32 to vector<16xf32>
    %broadcast_in_dim3A_250 = arith.constant 0.000000e+00 : f32
    %broadcast_in_dim3A_251 = vector.broadcast %broadcast_in_dim3A_250 : f32 to vector<16xf32>
    %broadcast_in_dim3A_252 = arith.constant 0.000000e+00 : f32
    %broadcast_in_dim3A_253 = vector.broadcast %broadcast_in_dim3A_252 : f32 to vector<16xf32>
    %scan3A_254 = arith.constant 0 : i32
    %scan3A_255 = arith.constant 200 : i32
    %scan3A_256 = arith.addi %scan3A_254, %scan3A_255 : i32
    %scan3A_257 = arith.constant 2 : i32
    %scan3A_258:4 = scf.for %scan3A_284 = %scan3A_254 to %scan3A_256 step %scan3A_257 iter_args(%scan3A_285 = %broadcast_in_dim3A_247, %scan3A_286 = %broadcast_in_dim3A_249, %scan3A_287 = %broadcast_in_dim3A_251, %scan3A_288 = %broadcast_in_dim3A_253) -> (vector<16xf32>, vector<16xf32>, vector<16xf32>, vector<16xf32>)  : i32 {
      %add3A_289 = arith.constant 200 : i32
      %add3A_290 = arith.addi %add3A_289, %scan3A_284 : i32
      %get3A = arith.constant 1 : i32
      %get3A_291 = arith.index_cast %get3A : i32 to index
      %get3A_292 = arith.index_cast %add3A_290 : i32 to index
      %get3A_293 = arith.constant 0 : index
      %get3A_294 = tpu.vector_load %arg6[%get3A_291, %get3A_292, %get3A_293] {strides = array<i32>} : memref<2x400x64xf32, #tpu.memory_space<vmem>>, vector<1x1x16xf32>,
      %get3A_295 = vector.shape_cast %get3A_294 : vector<1x1x16xf32> to vector<16xf32>
      %add3A_296 = arith.addf %scan3A_285, %get3A_295 : vector<16xf32>
      %add3A_297 = arith.constant 200 : i32
      %add3A_298 = arith.addi %add3A_297, %scan3A_284 : i32
      %get3A_299 = arith.constant 1 : i32
      %get3A_300 = arith.index_cast %get3A_299 : i32 to index
      %get3A_301 = arith.index_cast %add3A_298 : i32 to index
      %get3A_302 = arith.constant 16 : index
      %get3A_303 = tpu.vector_load %arg6[%get3A_300, %get3A_301, %get3A_302] {strides = array<i32>} : memref<2x400x64xf32, #tpu.memory_space<vmem>>, vector<1x1x16xf32>,
      %get3A_304 = vector.shape_cast %get3A_303 : vector<1x1x16xf32> to vector<16xf32>
      %add3A_305 = arith.addf %scan3A_286, %get3A_304 : vector<16xf32>
      %add3A_306 = arith.constant 200 : i32
      %add3A_307 = arith.addi %add3A_306, %scan3A_284 : i32
      %get3A_308 = arith.constant 1 : i32
      %get3A_309 = arith.index_cast %get3A_308 : i32 to index
      %get3A_310 = arith.index_cast %add3A_307 : i32 to index
      %get3A_311 = arith.constant 32 : index
      %get3A_312 = tpu.vector_load %arg6[%get3A_309, %get3A_310, %get3A_311] {strides = array<i32>} : memref<2x400x64xf32, #tpu.memory_space<vmem>>, vector<1x1x16xf32>,
      %get3A_313 = vector.shape_cast %get3A_312 : vector<1x1x16xf32> to vector<16xf32>
      %add3A_314 = arith.addf %scan3A_287, %get3A_313 : vector<16xf32>
      %add3A_315 = arith.constant 200 : i32
      %add3A_316 = arith.addi %add3A_315, %scan3A_284 : i32
      %get3A_317 = arith.constant 1 : i32
      %get3A_318 = arith.index_cast %get3A_317 : i32 to index
      %get3A_319 = arith.index_cast %add3A_316 : i32 to index
      %get3A_320 = arith.constant 48 : index
      %get3A_321 = tpu.vector_load %arg6[%get3A_318, %get3A_319, %get3A_320] {strides = array<i32>} : memref<2x400x64xf32, #tpu.memory_space<vmem>>, vector<1x1x16xf32>,
      %get3A_322 = vector.shape_cast %get3A_321 : vector<1x1x16xf32> to vector<16xf32>
      %add3A_323 = arith.addf %scan3A_288, %get3A_322 : vector<16xf32>
      %scan3A_324 = arith.constant 1 : i32
      %scan3A_325 = arith.addi %scan3A_284, %scan3A_324 : i32
      %add3A_326 = arith.constant 200 : i32
      %add3A_327 = arith.addi %add3A_326, %scan3A_325 : i32
      %get3A_328 = arith.constant 1 : i32
      %get3A_329 = arith.index_cast %get3A_328 : i32 to index
      %get3A_330 = arith.index_cast %add3A_327 : i32 to index
      %get3A_331 = arith.constant 0 : index
      %get3A_332 = tpu.vector_load %arg6[%get3A_329, %get3A_330, %get3A_331] {strides = array<i32>} : memref<2x400x64xf32, #tpu.memory_space<vmem>>, vector<1x1x16xf32>,
      %get3A_333 = vector.shape_cast %get3A_332 : vector<1x1x16xf32> to vector<16xf32>
      %add3A_334 = arith.addf %add3A_296, %get3A_333 : vector<16xf32>
      %add3A_335 = arith.constant 200 : i32
      %add3A_336 = arith.addi %add3A_335, %scan3A_325 : i32
      %get3A_337 = arith.constant 1 : i32
      %get3A_338 = arith.index_cast %get3A_337 : i32 to index
      %get3A_339 = arith.index_cast %add3A_336 : i32 to index
      %get3A_340 = arith.constant 16 : index
      %get3A_341 = tpu.vector_load %arg6[%get3A_338, %get3A_339, %get3A_340] {strides = array<i32>} : memref<2x400x64xf32, #tpu.memory_space<vmem>>, vector<1x1x16xf32>,
      %get3A_342 = vector.shape_cast %get3A_341 : vector<1x1x16xf32> to vector<16xf32>
      %add3A_343 = arith.addf %add3A_305, %get3A_342 : vector<16xf32>
      %add3A_344 = arith.constant 200 : i32
      %add3A_345 = arith.addi %add3A_344, %scan3A_325 : i32
      %get3A_346 = arith.constant 1 : i32
      %get3A_347 = arith.index_cast %get3A_346 : i32 to index
      %get3A_348 = arith.index_cast %add3A_345 : i32 to index
      %get3A_349 = arith.constant 32 : index
      %get3A_350 = tpu.vector_load %arg6[%get3A_347, %get3A_348, %get3A_349] {strides = array<i32>} : memref<2x400x64xf32, #tpu.memory_space<vmem>>, vector<1x1x16xf32>,
      %get3A_351 = vector.shape_cast %get3A_350 : vector<1x1x16xf32> to vector<16xf32>
      %add3A_352 = arith.addf %add3A_314, %get3A_351 : vector<16xf32>
      %add3A_353 = arith.constant 200 : i32
      %add3A_354 = arith.addi %add3A_353, %scan3A_325 : i32
      %get3A_355 = arith.constant 1 : i32
      %get3A_356 = arith.index_cast %get3A_355 : i32 to index
      %get3A_357 = arith.index_cast %add3A_354 : i32 to index
      %get3A_358 = arith.constant 48 : index
      %get3A_359 = tpu.vector_load %arg6[%get3A_356, %get3A_357, %get3A_358] {strides = array<i32>} : memref<2x400x64xf32, #tpu.memory_space<vmem>>, vector<1x1x16xf32>,
      %get3A_360 = vector.shape_cast %get3A_359 : vector<1x1x16xf32> to vector<16xf32>
      %add3A_361 = arith.addf %add3A_323, %get3A_360 : vector<16xf32>
      scf.yield %add3A_334, %add3A_343, %add3A_352, %add3A_361 : vector<16xf32>, vector<16xf32>, vector<16xf32>, vector<16xf32>
    }
    %scan3A_259 = arith.constant 200 : i32
    %swap3A_260 = arith.constant 511 : i32
    %swap3A_261 = arith.index_cast %swap3A_260 : i32 to index
    %swap3A_262 = arith.constant 0 : index
    %swap3A_263 = tpu.vector_load %arg7[%swap3A_261, %swap3A_262] {strides = array<i32>} : memref<512x64xf32, #tpu.memory_space<vmem>>, vector<1x16xf32>,
    %swap3A_264 = vector.shape_cast %swap3A_263 : vector<1x16xf32> to vector<16xf32>
    %swap3A_265 = vector.shape_cast %scan3A_258#0 : vector<16xf32> to vector<1x16xf32>
    tpu.vector_store %arg7[%swap3A_261, %swap3A_262], %swap3A_265 {strides = array<i32>} : memref<512x64xf32, #tpu.memory_space<vmem>>, vector<1x16xf32>,
    %swap3A_266 = arith.constant 511 : i32
    %swap3A_267 = arith.index_cast %swap3A_266 : i32 to index
    %swap3A_268 = arith.constant 16 : index
    %swap3A_269 = tpu.vector_load %arg7[%swap3A_267, %swap3A_268] {strides = array<i32>} : memref<512x64xf32, #tpu.memory_space<vmem>>, vector<1x16xf32>,
    %swap3A_270 = vector.shape_cast %swap3A_269 : vector<1x16xf32> to vector<16xf32>
    %swap3A_271 = vector.shape_cast %scan3A_258#1 : vector<16xf32> to vector<1x16xf32>
    tpu.vector_store %arg7[%swap3A_267, %swap3A_268], %swap3A_271 {strides = array<i32>} : memref<512x64xf32, #tpu.memory_space<vmem>>, vector<1x16xf32>,
    %swap3A_272 = arith.constant 511 : i32
    %swap3A_273 = arith.index_cast %swap3A_272 : i32 to index
    %swap3A_274 = arith.constant 32 : index
    %swap3A_275 = tpu.vector_load %arg7[%swap3A_273, %swap3A_274] {strides = array<i32>} : memref<512x64xf32, #tpu.memory_space<vmem>>, vector<1x16xf32>,
    %swap3A_276 = vector.shape_cast %swap3A_275 : vector<1x16xf32> to vector<16xf32>
    %swap3A_277 = vector.shape_cast %scan3A_258#2 : vector<16xf32> to vector<1x16xf32>
    tpu.vector_store %arg7[%swap3A_273, %swap3A_274], %swap3A_277 {strides = array<i32>} : memref<512x64xf32, #tpu.memory_space<vmem>>, vector<1x16xf32>,
    %swap3A_278 = arith.constant 511 : i32
    %swap3A_279 = arith.index_cast %swap3A_278 : i32 to index
    %swap3A_280 = arith.constant 48 : index
    %swap3A_281 = tpu.vector_load %arg7[%swap3A_279, %swap3A_280] {strides = array<i32>} : memref<512x64xf32, #tpu.memory_space<vmem>>, vector<1x16xf32>,
    %swap3A_282 = vector.shape_cast %swap3A_281 : vector<1x16xf32> to vector<16xf32>
    %swap3A_283 = vector.shape_cast %scan3A_258#3 : vector<16xf32> to vector<1x16xf32>
    tpu.vector_store %arg7[%swap3A_279, %swap3A_280], %swap3A_283 {strides = array<i32>} : memref<512x64xf32, #tpu.memory_space<vmem>>, vector<1x16xf32>,
    "tpu.region"() ({
      %run_scoped3A_284 = tpu.sem_alloc : memref<!tpu.dma_semaphore, #tpu.memory_space<semaphore_mem>>
      %dma_start3A_285 = arith.constant 0 : i32
      %dma_start3A_286 = tpu.memref_slice %arg4[%mul3A_2, %dma_start3A_285] : memref<16384x64xf32, #tpu.memory_space<hbm>> -> memref<512x64xf32, #tpu.memory_space<hbm>>
      %dma_start3A_287 = arith.constant 0 : i32
      %dma_start3A_288 = tpu.memref_slice %arg4[%mul3A_2, %dma_start3A_287] : memref<16384x64xf32, #tpu.memory_space<hbm>> -> memref<512x64xf32, #tpu.memory_space<hbm>>
      tpu.enqueue_dma source(%arg7 : memref<512x64xf32, #tpu.memory_space<vmem>>) target(%dma_start3A_288 : memref<512x64xf32, #tpu.memory_space<hbm>>) target_semaphore(%run_scoped3A_284 : memref<!tpu.dma_semaphore, #tpu.memory_space<semaphore_mem>>)
      %dma_wait3A_289 = arith.constant 0 : i32
      %dma_wait3A_290 = tpu.memref_slice %arg4[%mul3A_2, %dma_wait3A_289] : memref<16384x64xf32, #tpu.memory_space<hbm>> -> memref<512x64xf32, #tpu.memory_space<hbm>>
      %dma_wait3A_291 = arith.constant 0 : i32
      %dma_wait3A_292 = tpu.memref_slice %arg4[%mul3A_2, %dma_wait3A_291] : memref<16384x64xf32, #tpu.memory_space<hbm>> -> memref<512x64xf32, #tpu.memory_space<hbm>>
      tpu.wait_dma2 semaphore(%run_scoped3A_284 : memref<!tpu.dma_semaphore, #tpu.memory_space<semaphore_mem>>) src(%arg7 : memref<512x64xf32, #tpu.memory_space<vmem>>) dst(%dma_wait3A_292 : memref<512x64xf32, #tpu.memory_space<hbm>>)
      tpu.yield
    }) : () -> ()
    return
  }
}

module attributes {stable_mosaic.version = 14 : i64} {
  func.func @_mlp_body(%arg0: i32, %arg1: memref<512x64xf32, #tpu.memory_space<vmem>>, %arg2: memref<512x200xi32, #tpu.memory_space<vmem>>, %arg3: memref<64x128xf32, #tpu.memory_space<vmem>>, %arg4: memref<1x128xf32, #tpu.memory_space<vmem>>, %arg5: memref<128x128xf32, #tpu.memory_space<vmem>>, %arg6: memref<1x128xf32, #tpu.memory_space<vmem>>, %arg7: memref<512x128xf32, #tpu.memory_space<vmem>>) attributes {dimension_semantics = [#tpu.dimension_semantics<arbitrary>], iteration_bounds = array<i64: 32>, scalar_prefetch = 0 : i64, scratch_operands = 0 : i64, tpu.core_type = #tpu.core_type<tc>, window_params = [{transform_indices = @transform_0, window_bounds = array<i64: 512, 64>}, {transform_indices = @transform_1, window_bounds = array<i64: 512, 200>}, {pipeline_mode = #tpu.pipeline_mode<synchronous>, transform_indices = @transform_2, window_bounds = array<i64: 64, 128>}, {pipeline_mode = #tpu.pipeline_mode<synchronous>, transform_indices = @transform_3, window_bounds = array<i64: 1, 128>}, {pipeline_mode = #tpu.pipeline_mode<synchronous>, transform_indices = @transform_4, window_bounds = array<i64: 128, 128>}, {pipeline_mode = #tpu.pipeline_mode<synchronous>, transform_indices = @transform_5, window_bounds = array<i64: 1, 128>}, {transform_indices = @transform_6, window_bounds = array<i64: 512, 128>}]} {
    %get3A = arith.constant 0 : index
    %get3A_0 = arith.constant 0 : index
    %get3A_1 = vector.load %arg2[%get3A, %get3A_0] : memref<512x200xi32, #tpu.memory_space<vmem>>, vector<512x200xi32>
    %gt3A = arith.constant 0 : i32
    %gt3A_2 = vector.broadcast %gt3A : i32 to vector<512x200xi32>
    %gt3A_3 = arith.cmpi sgt, %get3A_1, %gt3A_2 : vector<512x200xi32>
    %convert_element_type3A = arith.extui %gt3A_3 : vector<512x200xi1> to vector<512x200xi32>
    %convert_element_type3A_4 = arith.sitofp %convert_element_type3A : vector<512x200xi32> to vector<512x200xf32>
    %reduce_sum3A = arith.constant dense<0.000000e+00> : vector<512xf32>
    %reduce_sum3A_5 = vector.multi_reduction <add>, %convert_element_type3A_4, %reduce_sum3A [1] : vector<512x200xf32> to vector<512xf32>
    %broadcast_in_dim3A = vector.shape_cast %reduce_sum3A_5 : vector<512xf32> to vector<512x1xf32>
    %get3A_6 = arith.constant 0 : index
    %get3A_7 = arith.constant 0 : index
    %get3A_8 = vector.load %arg1[%get3A_6, %get3A_7] : memref<512x64xf32, #tpu.memory_space<vmem>>, vector<512x64xf32>
    %add3A = arith.constant 9.99999971E-10 : f32
    %add3A_9 = vector.broadcast %add3A : f32 to vector<512x1xf32>
    %add3A_10 = arith.addf %broadcast_in_dim3A, %add3A_9 : vector<512x1xf32>
    %div3A = vector.broadcast %add3A_10 : vector<512x1xf32> to vector<512x64xf32>
    %div3A_11 = arith.divf %get3A_8, %div3A : vector<512x64xf32>
    %get3A_12 = arith.constant 0 : index
    %get3A_13 = arith.constant 0 : index
    %get3A_14 = vector.load %arg3[%get3A_12, %get3A_13] : memref<64x128xf32, #tpu.memory_space<vmem>>, vector<64x128xf32>
    %dot_general3A = arith.constant dense<0.000000e+00> : vector<512x128xf32>
    %dot_general3A_15 = tpu.matmul %div3A_11, %get3A_14, %dot_general3A {dimension_numbers = #tpu.dot_dimension_numbers<[1], [0], [0], [1], [0, 0, 1, 1], [], []>, precision = #tpu.contract_precision<fp32>, transpose_lhs_hint = false} : vector<512x64xf32>, vector<64x128xf32>, vector<512x128xf32> -> vector<512x128xf32>
    %get3A_16 = arith.constant 0 : index
    %get3A_17 = arith.constant 0 : index
    %get3A_18 = vector.load %arg4[%get3A_16, %get3A_17] : memref<1x128xf32, #tpu.memory_space<vmem>>, vector<1x128xf32>
    %add3A_19 = vector.broadcast %get3A_18 : vector<1x128xf32> to vector<512x128xf32>
    %add3A_20 = arith.addf %dot_general3A_15, %add3A_19 : vector<512x128xf32>
    %max3A = arith.constant 0.000000e+00 : f32
    %max3A_21 = vector.broadcast %max3A : f32 to vector<512x128xf32>
    %max3A_22 = arith.maximumf %add3A_20, %max3A_21 : vector<512x128xf32>
    %get3A_23 = arith.constant 0 : index
    %get3A_24 = arith.constant 0 : index
    %get3A_25 = vector.load %arg5[%get3A_23, %get3A_24] : memref<128x128xf32, #tpu.memory_space<vmem>>, vector<128x128xf32>
    %dot_general3A_26 = arith.constant dense<0.000000e+00> : vector<512x128xf32>
    %dot_general3A_27 = tpu.matmul %max3A_22, %get3A_25, %dot_general3A_26 {dimension_numbers = #tpu.dot_dimension_numbers<[1], [0], [0], [1], [0, 0, 1, 1], [], []>, precision = #tpu.contract_precision<fp32>, transpose_lhs_hint = false} : vector<512x128xf32>, vector<128x128xf32>, vector<512x128xf32> -> vector<512x128xf32>
    %get3A_28 = arith.constant 0 : index
    %get3A_29 = arith.constant 0 : index
    %get3A_30 = vector.load %arg6[%get3A_28, %get3A_29] : memref<1x128xf32, #tpu.memory_space<vmem>>, vector<1x128xf32>
    %add3A_31 = vector.broadcast %get3A_30 : vector<1x128xf32> to vector<512x128xf32>
    %add3A_32 = arith.addf %dot_general3A_27, %add3A_31 : vector<512x128xf32>
    %mul3A = arith.mulf %add3A_32, %add3A_32 : vector<512x128xf32>
    %reduce_sum3A_33 = arith.constant dense<0.000000e+00> : vector<512xf32>
    %reduce_sum3A_34 = vector.multi_reduction <add>, %mul3A, %reduce_sum3A_33 [1] : vector<512x128xf32> to vector<512xf32>
    %broadcast_in_dim3A_35 = vector.shape_cast %reduce_sum3A_34 : vector<512xf32> to vector<512x1xf32>
    %sqrt3A = math.sqrt %broadcast_in_dim3A_35 : vector<512x1xf32>
    %max3A_36 = arith.constant 9.99999996E-13 : f32
    %max3A_37 = vector.broadcast %max3A_36 : f32 to vector<512x1xf32>
    %max3A_38 = arith.maximumf %sqrt3A, %max3A_37 : vector<512x1xf32>
    %div3A_39 = vector.broadcast %max3A_38 : vector<512x1xf32> to vector<512x128xf32>
    %div3A_40 = arith.divf %add3A_32, %div3A_39 : vector<512x128xf32>
    %swap3A = arith.constant 0 : index
    %swap3A_41 = arith.constant 0 : index
    %swap3A_42 = vector.load %arg7[%swap3A, %swap3A_41] : memref<512x128xf32, #tpu.memory_space<vmem>>, vector<512x128xf32>
    tpu.vector_store %arg7[%swap3A, %swap3A_41], %div3A_40 {strides = array<i32>} : memref<512x128xf32, #tpu.memory_space<vmem>>, vector<512x128xf32>,
    return
  }
  func.func @transform_0(%arg0: i32) -> (i32, i32) {
    %c0_i32 = arith.constant 0 : i32
    %c0_i32_0 = arith.constant 0 : i32
    return %arg0, %c0_i32 : i32, i32
  }
  func.func @transform_1(%arg0: i32) -> (i32, i32) {
    %c0_i32 = arith.constant 0 : i32
    %c0_i32_0 = arith.constant 0 : i32
    return %arg0, %c0_i32 : i32, i32
  }
  func.func @transform_2(%arg0: i32) -> (i32, i32) {
    %c0_i32 = arith.constant 0 : i32
    %c0_i32_0 = arith.constant 0 : i32
    %c0_i32_1 = arith.constant 0 : i32
    return %c0_i32, %c0_i32_0 : i32, i32
  }
  func.func @transform_3(%arg0: i32) -> (i32, i32) {
    %c0_i32 = arith.constant 0 : i32
    %c0_i32_0 = arith.constant 0 : i32
    %c0_i32_1 = arith.constant 0 : i32
    return %c0_i32, %c0_i32_0 : i32, i32
  }
  func.func @transform_4(%arg0: i32) -> (i32, i32) {
    %c0_i32 = arith.constant 0 : i32
    %c0_i32_0 = arith.constant 0 : i32
    %c0_i32_1 = arith.constant 0 : i32
    return %c0_i32, %c0_i32_0 : i32, i32
  }
  func.func @transform_5(%arg0: i32) -> (i32, i32) {
    %c0_i32 = arith.constant 0 : i32
    %c0_i32_0 = arith.constant 0 : i32
    %c0_i32_1 = arith.constant 0 : i32
    return %c0_i32, %c0_i32_0 : i32, i32
  }
  func.func @transform_6(%arg0: i32) -> (i32, i32) {
    %c0_i32 = arith.constant 0 : i32
    %c0_i32_0 = arith.constant 0 : i32
    return %arg0, %c0_i32 : i32, i32
  }
}

</mosaic_0001>

<sc_bundles>
// kernel: kernel.5.cloned.1.call-start
scs
__scs_entry_jumppad:
0x0: {  	(pc) =	sbr.rel $0x88, $3  }
0x1: {  	(tag) =	ssettag $0x0;
	lr =	simm.s32 $0x1  }
0x2: {  	[smem:$0x3F9B] =	sst lr;
	_ =	strace $0xD0000000  }
0x3: {  	_ = 	snop  }
0x4: {  	_ = 	snop  }
0x5: {  	_ = 	snop  }
0x6: {  	_ = 	snop  }
0x7: {  	_ = 	snop  }
__scs_overlays_trampoline_lowered:
0x8: {  	[smem:$0x3FAA] =	sst s0  }
0x9: {  	[smem:$0x3FAB] =	sst s1  }
0xa: {  	[smem:$0x3FAC] =	sst s2  }
0xb: {  	[smem:$0x3FAD] =	sst s3  }
0xc: {  	[smem:$0x3FAE] =	sst s4  }
0xd: {  	[smem:$0x3FAF] =	sst s5  }
0xe: {  	[smem:$0x3FB0] =	sst s6  }
0xf: {  	[smem:$0x3FB1] =	sst s7  }
0x10: {  	[smem:$0x3FB2] =	sst s8  }
0x11: {  	[smem:$0x3FB3] =	sst s9;
	s0 =	simm.s32 @!p0 $0x0  }
0x12: {  	s1 =	sld [smem:$0x3F99];
	s0 =	simm.s32 @p0 $0x1  }
0x13: {  	[smem:$0x3FB4] =	sst s0;
	s0 =	simm.s32 @!p1 $0x0  }
0x14: {  	s2 =	sld [smem:$0x3F98];
	s0 =	simm.s32 @p1 $0x1  }
0x15: {  	[smem:$0x3FB5] =	sst s0;
	s0 =	simm.s32 @!p2 $0x0  }
0x16: {  	s3 =	sld [smem:$0x3FDB];
	s0 =	simm.s32 @p2 $0x1  }
0x17: {  	s4 =	simm.s32 $0x1BF5;
	[smem:$0x3FB7] =	sst s0  }
0x18: {  	s0 =	sld [smem:$0x3F9A];
	_ =	swait.ge [sflag:s4], $0x0  }
0x19: {  	s7 =	sld [smem:$0x3F9B]  }
0x1a: {  	s8 =	sadd.s32 $0xFFFFE003, lr  }
0x1b: {  	s9 =	sadd.s32 $0xFFFFFEF7, lr;
	s5 =	simm.s32 $0xFFFFFFFF;
	p2 =	slt.u32 s8, $0xFFFFF086  }
0x1c: {  	p1 =	slt.u32 s9, $0xF7A;
	s5 =	simm.s32 @!p2 $0x0  }
0x1d: {  	s5 =	simm.s32 @p1 $0x1;
	p0 =	seq.s32 s7, s2  }
0x1e: {  	s7 =	smul.u32 @!p0 $0xF7A, s2;
	p2 =	seq.s32 @!p0 s5, $0x0  }
0x1f: {  	s9 =	smul.u32 $0xF7A, s1;
	s8 =	simm.s32 @!p0 $0x1BF5;
	p2 =	por !p2, p0  }
0x20: {  	[sflag:s8] =	ssyncset.s32 @!p0 $0xFFFFF086;
	s6 =	sadd.s32 @!p0 s3, s7;
	s7 =	simm.s32 @!p0 $0x108  }
0x21: {  	s3 =	sadd.s32 s3, s9;
	s6 =	sadd.s32 @!p0 $0x88, s6;
	s7 =	simm.s32 @p2 $0x1082  }
0x22: {  	[simem:s7], [sflag:s8] =	dma.local @!p0 [hbm:s6], $0xF7A  }
0x23: {  	s9 =	sor.u32 $0xD0000000, s2;
	s6 =	simm.s32 $0x108;
	_ =	swait.ge @!p0 [sflag:s8], $0x0  }
0x24: {  	s3 =	sadd.s32 $0x88, s3;
	s6 =	simm.s32 @!p1 $0x1082;
	[sflag:s4] =	ssyncset.s32 $0xFFFFF086  }
0x25: {  	[simem:s6], [sflag:s4] =	dma.local [hbm:s3], $0xF7A  }
0x26: {  	[smem:$0x3F9B] =	sst s1;
	(tag) =	ssettag s2;
	_ =	strace s9  }
0x27: {  	s1 =	sld [smem:$0x3FAB]  }
0x28: {  	s2 =	sld [smem:$0x3FAC]  }
0x29: {  	s4 =	sld [smem:$0x3FAE]  }
0x2a: {  	p0 =	seq.s32 s5, $0x0;
	s5 =	sld [smem:$0x3FAF]  }
0x2b: {  	s6 =	sld [smem:$0x3FB0]  }
0x2c: {  	s7 =	sld [smem:$0x3FB1]  }
0x2d: {  	s3 =	simm.s32 $0x108;
	s8 =	sld [smem:$0x3FB2]  }
0x2e: {  	s3 =	simm.s32 @!p0 $0x1082;
	s9 =	sld [smem:$0x3FB3]  }
0x2f: {  	lr =	sadd.s32 s0, s3;
	s0 =	sld [smem:$0x3FAA]  }
0x30: {  	s3 =	sld [smem:$0x3FAD]  }
0x31: {  	[smem:$0x3FB6] =	sst s10  }
0x32: {  	s10 =	sld [smem:$0x3FB4];
	_ =	sdelay $0x3  }
0x33: {  	p0 =	seq.s32 s10, $0x1;
	s10 =	sld [smem:$0x3FB6];
	_ =	sdelay $0x3  }
0x34: {  	[smem:$0x3FB6] =	sst s10  }
0x35: {  	s10 =	sld [smem:$0x3FB5];
	_ =	sdelay $0x3  }
0x36: {  	p1 =	seq.s32 s10, $0x1;
	s10 =	sld [smem:$0x3FB6];
	_ =	sdelay $0x3  }
0x37: {  	[smem:$0x3FB6] =	sst s10  }
0x38: {  	s10 =	sld [smem:$0x3FB7]  }
0x39: {  	_ = 	snop;
	(pc) =	sbr.ind lr, $3  }
0x3a: {  	_ = 	snop  }
0x3b: {  	_ = 	snop  }
0x3c: {  	p2 =	seq.s32 s10, $0x1;
	s10 =	sld [smem:$0x3FB6]  }
0x3d: {  	_ =	shalt  }
0x3e: {  	_ =	shalt  }
0x3f: {  	_ =	shalt  }
0x40: {  	_ =	shalt  }
0x41: {  	_ =	shalt  }
0x42: {  	_ =	shalt  }
0x43: {  	_ =	shalt  }
0x44: {  	_ =	shalt  }
0x45: {  	_ =	shalt  }
0x46: {  	_ =	shalt  }
0x47: {  	_ =	shalt  }
0x48: {  	_ =	shalt  }
0x49: {  	_ =	shalt  }
0x4a: {  	_ =	shalt  }
0x4b: {  	_ =	shalt  }
0x4c: {  	_ =	shalt  }
0x4d: {  	_ =	shalt  }
0x4e: {  	_ =	shalt  }
0x4f: {  	_ =	shalt  }
0x50: {  	_ =	shalt  }
0x51: {  	_ =	shalt  }
0x52: {  	_ =	shalt  }
0x53: {  	_ =	shalt  }
0x54: {  	_ =	shalt  }
0x55: {  	_ =	shalt  }
0x56: {  	_ =	shalt  }
0x57: {  	_ =	shalt  }
0x58: {  	_ =	shalt  }
0x59: {  	_ =	shalt  }
0x5a: {  	_ =	shalt  }
0x5b: {  	_ =	shalt  }
0x5c: {  	_ =	shalt  }
0x5d: {  	_ =	shalt  }
0x5e: {  	_ =	shalt  }
0x5f: {  	_ =	shalt  }
0x60: {  	_ =	shalt  }
0x61: {  	_ =	shalt  }
0x62: {  	_ =	shalt  }
0x63: {  	_ =	shalt  }
0x64: {  	_ =	shalt  }
0x65: {  	_ =	shalt  }
0x66: {  	_ =	shalt  }
0x67: {  	_ =	shalt  }
0x68: {  	_ =	shalt  }
0x69: {  	_ =	shalt  }
0x6a: {  	_ =	shalt  }
0x6b: {  	_ =	shalt  }
0x6c: {  	_ =	shalt  }
0x6d: {  	_ =	shalt  }
0x6e: {  	_ =	shalt  }
0x6f: {  	_ =	shalt  }
0x70: {  	_ =	shalt  }
0x71: {  	_ =	shalt  }
0x72: {  	_ =	shalt  }
0x73: {  	_ =	shalt  }
0x74: {  	_ =	shalt  }
0x75: {  	_ =	shalt  }
0x76: {  	_ =	shalt  }
0x77: {  	_ =	shalt  }
0x78: {  	_ =	shalt  }
0x79: {  	_ =	shalt  }
0x7a: {  	_ =	shalt  }
0x7b: {  	_ =	shalt  }
0x7c: {  	_ =	shalt  }
0x7d: {  	_ =	shalt  }
0x7e: {  	_ =	shalt  }
0x7f: {  	_ =	shalt  }
0x80: {  	_ =	shalt  }
0x81: {  	_ =	shalt  }
0x82: {  	_ =	shalt  }
0x83: {  	_ =	shalt  }
0x84: {  	_ =	shalt  }
0x85: {  	_ =	shalt  }
0x86: {  	_ =	shalt  }
0x87: {  	_ =	shalt  }
.Lfunc_end0:
.L_simem_size_0:
called_computation_lowered:
.L_overlay_start_0:
0x88: {  	s2 =	sld [smem:$0x3FD9]  }
0x89: {  	s3 =	sld [smem:$0x3FFE];
	_ =	sdelay $0x1  }
0x8a: {  	s1 =	srdreg.scid  }
0x8b: {  	s0 =	sand.u32 $0x1, s1  }
0x8c: {  	s16 =	sshll.u32 s0, $0xA;
	s2 =	sadd.s32 s3, s2  }
0x8d: {  	s2 =	sadd.s32 s2, s16  }
0x8e: {  	[smem:$0x3FC2] =	sst s2  }
0x8f: {  	_ = 	snop  }
0x90: {  	(tm) =	ssettm $0x1  }
0x91: {  	s17 =	sld [smem:$0x3FFB];
	_ =	sdelay $0x3  }
0x92: {  	_ =	strace s17  }
0x93: {  	s2 =	sld [smem:$0x3FFC];
	_ =	sdelay $0x3  }
0x94: {  	_ =	strace s2  }
0x95: {  	s2 =	sld [smem:$0x3FFD];
	_ =	sdelay $0x3  }
0x96: {  	_ =	strace s2  }
0x97: {  	_ =	strace $0x8FFFFFFF  }
0x98: {  	s18 =	sld [smem:$0x3FDB];
	_ =	sdelay $0x1  }
0x99: {  	s19 =	simm.s32 $_scs_section_size  }
0x9a: {  	s4 =	simm.s32 $_size__tile_overlayer_lowered;
	s5 =	simm.s32 $_tile_overlayer_lowered  }
0x9b: {  	s22 =	simm.s32 $0x1BFF;
	s21 =	sshll.u32 s5, $0x1;
	s2 =	sadd.s32 s19, s18  }
0x9c: {  	s6 =	simm.s32 $0x0;
	s20 =	sshll.u32 s4, $0x1;
	s4 =	sadd.s32 s21, s2  }
0x9d: {  	[timem:s6], [sflag:s22] =	dma.local [hbm:s4], s20  }
0x9e: {  	_ =	swait.ge [sflag:s22], s20  }
0x9f: {  	s3 =	ssub.s32 $0x0, s20;
	[sflag:s22] =	ssyncset.done $0x0  }
0xa0: {  	[sflag:s22] =	ssyncadd.s32 s3;
	_ =	sdelay $0x1  }
0xa1: {  	s23 =	simm.s32 $0x1B8B  }
0xa2: {  	_ =	swait.ge [sflag:s23], $0x1  }
0xa3: {  	[sflag:s23] =	ssyncset.done $0x0  }
0xa4: {  	s25 =	simm.s32 $0x1B8E;
	s24 =	sld [smem:$0x3FFE];
	[sflag:s23] =	ssyncadd.s32 $0xFFFFFFFF  }
0xa5: {  	s26 =	simm.s32 $execute0_lowered;
	[smem:$0x3FD2] =	sst s25  }
0xa6: {  	s4 =	sshll.u32 s26, $0x1;
	_ =	strace $0x80000046;
	[dreg:$0x1] =	wrdreg $0xFFFFFFFF  }
0xa7: {  	s28 =	simm.s32 $_size_execute0_lowered;
	s2 =	sadd.s32 s2, s4;
	[dreg:$0x0] =	wrdreg $0x0  }
0xa8: {  	s4 =	sshll.u32 s28, $0x1;
	[dreg:$0x2] =	wrdreg s2  }
0xa9: {  	[dreg:$0x3] =	wrdreg s4  }
0xaa: {  	[dreg:$0x4] =	wrdreg $0xC0  }
0xab: {  	_ =	task [dreg:s6], $0x5FFFF  }
0xac: {  	[dreg:$0x1] =	wrdreg $0xFFFFFFFF  }
0xad: {  	[dreg:$0x0] =	wrdreg $0x60  }
0xae: {  	[dreg:$0x2] =	wrdreg s24  }
0xaf: {  	[dreg:$0x3] =	wrdreg $0x9  }
0xb0: {  	_ =	task.clear_ibuf [dreg:s6], $0x4FFFF;
	_ =	strace $0x90000046  }
0xb1: {  	s29 =	simm.s32 $0x9;
	_ =	strace $0x80000048  }
0xb2: {  	_ =	swait.ge [sflag:s29], $0x1  }
0xb3: {  	[sflag:s29] =	ssyncadd.s32 $0xFFFFFFFF  }
0xb4: {  	_ =	strace $0x90000048  }
0xb5: {  	_ =	sfence  }
0xb6: {  	s30 =	sld [smem:$0x0];
	_ =	sdelay $0x2  }
0xb7: {  	s31 =	sshll.u32 s1, $0xD;
	s1 =	sshrl.u32 s1, $0x2  }
0xb8: {  	s3 =	sand.u32 $0x4000, s31;
	s1 =	sadd.s32 s1, s30  }
0xb9: {  	s0 =	sor.u32 s3, s0;
	s1 =	sshll.u32 s1, $0x11  }
0xba: {  	s0 =	sor.u32 s1, s0  }
0xbb: {  	s0 =	sadd.s32 $0x8F2B, s0  }
0xbc: {  	[sflag:s0] =	ssyncadd.remote.s32 $0x1  }
0xbd: {  	_ =	sfence.sel $0xFFFF  }
0xbe: {  	[dreg:$0x0] =	wrdreg $0xFFFFFFFF;
	(pc) =	sbr.abs _section_cstart, $3  }
0xbf: {  	[dreg:$0x1] =	wrdreg $0xFFFFFFFF  }
0xc0: {  	_ =	task.clear_ibuf [dreg:s6], $0x2FFFF;
	_ =	strace $0x9FFFFFFF  }
0xc1: {  	(tm) =	ssettm $0x7FFFFFFF  }
tec
execute0_lowered:
.L_overlay_start_1:
0x0: {  	(tag) =	ssettag $0x1  }
0x1: {  	s3 =	rddreg [dreg:$0x0]  }
0x2: {  	s0 =	rddreg [dreg:$0x1]  }
0x3: {  	s2 =	simm.s32 $0x0;
	s4 =	srdreg.scid;
	s1 =	stileid.u32  }
0x4: {  	[smem:$0x7FF] =	sst s2;
	s4 =	sand.u32 $0x1, s4;
	s5 =	sshll.u32 s1, $0xF  }
0x5: {  	s6 =	smul.u32 $0x6400, s1;
	_ =	strace $0x80000047;
	s7 =	ssub.s32 $0x2, s4  }
0x6: {  	s5 =	sadd.s32 s5, s3;
	s9 =	smul.u32 $0x3200, s4;
	s4 =	sshll.u32 s4, $0xE  }
0x7: {  	s8 =	sshrl.u32 s7, $0x1;
	s6 =	sadd.s32 s6, s3;
	s4 =	sadd.s32 s4, s5  }
0x8: {  	s30 =	ssub.s32 s7, s8;
	s31 =	sadd.s32 s9, s6;
	s4 =	sadd.s32 $0x1080, s4  }
0x9: {  	s6 =	simm.s32 $0x1;
	s7 =	simm.s32 $0x400;
	s8 =	simm.s32 $0x800  }
0xa: {  	s9 =	simm.s32 $0x0;
	s3 =	smax.u32 s30, $0x1;
	s5 =	sadd.s32 $0x81000, s31  }
.LBB2_1:
0xb: {  	s10 =	sadd.s32 $0xFFFFFF80, s4  }
0xc: {  	[tilespmem:s2], [sflag:$0x1] =	stream.linear.gather [hbm4b:s10+s2], $0x400, $0x38;
	[tilespmem:$0xE80] =	vst v63  }
0xd: {  	_ =	swait.ge [sflag:s6], $0x400  }
0xe: {  	[sflag:s6] =	ssyncset.done $0x0  }
0xf: {  	[sflag:s6] =	ssyncadd.s32 $0xFFFFFC00  }
0x10: {  	[tilespmem:s7], [sflag:$0x1] =	stream.linear.gather [hbm4b:s4+s2], $0x400, $0x38;
	[tilespmem:$0xE80] =	vst v63  }
0x11: {  	_ =	swait.ge [sflag:s6], $0x400  }
0x12: {  	[sflag:s6] =	ssyncset.done $0x0  }
0x13: {  	[sflag:s6] =	ssyncadd.s32 $0xFFFFFC00  }
0x14: {  	v7 =	vld [tilespmem:$0x3E0]  }
0x15: {  	v0 =	vld [tilespmem:$0x6B8]  }
0x16: {  	v1 =	vld [tilespmem:$0x5B8]  }
0x17: {  	v3 =	vld [tilespmem:$0x430]  }
0x18: {  	v5 =	vld [tilespmem:$0x738]  }
0x19: {  	v2 =	vld [tilespmem:$0x638]  }
0x1a: {  	v8 =	vld [tilespmem:$0x730]  }
0x1b: {  	v4 =	vld [tilespmem:$0x630]  }
0x1c: {  	v6 =	vld [tilespmem:$0x5B0]  }
0x1d: {  	s11 =	simm.s32 $0xC8;
	s12 =	smov.u32 s4;
	s10 =	simm.s32 $0x0;
	[tilespmem:$0xDD8] =	vst v7;
	v7 =	vld [tilespmem:$0x530]  }
.LBB2_2:
0x1e: {  	p0 =	sne.s32 s11, $0x3138  }
0x1f: {  	v9 =	vld [tilespmem:$0x4B0];
	s12 =	sadd.s32 $0x100, s12;
	s13 =	smov.u32 s11;
	s11 =	sadd.s32 $0xC8, s11  }
0x20: {  	[tilespmem:$0xD60] =	vst v8;
	v8 =	vld [tilespmem:$0x7B0]  }
0x21: {  	v10 =	vld [tilespmem:$0x438];
	[tilespmem:$0xD68] =	vst v5  }
0x22: {  	v5 =	vld [tilespmem:$0x538];
	[tilespmem:$0xB08] =	vst v6  }
0x23: {  	[tilespmem:$0xA40] =	vst v7;
	v6 =	vld [tilespmem:$0x7B8]  }
0x24: {  	v7 =	vld [tilespmem:$0x0];
	[tilespmem:$0x8B0] =	vst v3  }
0x25: {  	v3 =	vld [tilespmem:$0x10];
	[tilespmem:$0xE28] =	vst v8  }
0x26: {  	v8 =	vld [tilespmem:$0x20];
	[tilespmem:$0xBD0] =	vst v4  }
0x27: {  	v4 =	vld [tilespmem:$0x40];
	[tilespmem:$0xA48] =	vst v5  }
0x28: {  	v5 =	vld [tilespmem:$0x50];
	[tilespmem:$0xB10] =	vst v1  }
0x29: {  	v1 =	vld [tilespmem:$0x60];
	[tilespmem:$0xBD8] =	vst v2  }
0x2a: {  	v2 =	vld [tilespmem:$0x70];
	[tilespmem:$0xE30] =	vst v6  }
0x2b: {  	[tilespmem:$0x800] =	vst v7;
	v6 =	vld [tilespmem:$0x30]  }
0x2c: {  	[tilespmem:$0x8B8] =	vst v10;
	v7 =	vld [tilespmem:$0x4B8]  }
0x2d: {  	[tilespmem:$0x840] =	vst v4;
	v4 =	vld [tilespmem:$0x400]  }
0x2e: {  	[tilespmem:$0x810] =	vst v3;
	v3 =	vld [tilespmem:$0x410]  }
0x2f: {  	[tilespmem:$0x978] =	vst v9;
	v9 =	vld [tilespmem:$0x6B0]  }
0x30: {  	[tilespmem:$0x850] =	vst v5;
	v5 =	vld [tilespmem:$0x80]  }
0x31: {  	[tilespmem:$0x830] =	vst v6;
	v6 =	vld [tilespmem:$0x90]  }
0x32: {  	v10 =	vld [tilespmem:$0xA0];
	[tilespmem:$0x980] =	vst v7  }
0x33: {  	[tilespmem:$0x880] =	vst v4;
	v4 =	vld [tilespmem:$0xB0]  }
0x34: {  	v7 =	vld [tilespmem:$0x420];
	[tilespmem:$0xC98] =	vst v9  }
0x35: {  	[tilespmem:$0x8C8] =	vst v5;
	v5 =	vld [tilespmem:$0xD0]  }
0x36: {  	[tilespmem:$0x860] =	vst v1;
	v1 =	vld [tilespmem:$0xE0]  }
0x37: {  	[tilespmem:$0x8D8] =	vst v6;
	v6 =	vld [tilespmem:$0xF0]  }
0x38: {  	[tilespmem:$0x820] =	vst v8;
	v8 =	vld [tilespmem:$0xC0]  }
0x39: {  	[tilespmem:$0x8A0] =	vst v7;
	v7 =	vld [tilespmem:$0x490]  }
0x3a: {  	v9 =	vld [tilespmem:$0x4A0];
	[tilespmem:$0xCA0] =	vst v0  }
0x3b: {  	[tilespmem:$0x918] =	vst v5;
	v0 =	vld [tilespmem:$0x100]  }
0x3c: {  	[tilespmem:$0x890] =	vst v3;
	v3 =	vld [tilespmem:$0x480]  }
0x3d: {  	[tilespmem:$0x908] =	vst v8;
	v5 =	vld [tilespmem:$0x120]  }
0x3e: {  	[tilespmem:$0x870] =	vst v2;
	v2 =	vld [tilespmem:$0x130]  }
0x3f: {  	[tilespmem:$0x958] =	vst v7;
	v7 =	vld [tilespmem:$0x140]  }
0x40: {  	[tilespmem:$0x8E8] =	vst v10;
	v8 =	vld [tilespmem:$0x110]  }
0x41: {  	[tilespmem:$0x948] =	vst v3;
	v3 =	vld [tilespmem:$0x160]  }
0x42: {  	[tilespmem:$0x968] =	vst v9;
	v9 =	vld [tilespmem:$0x170]  }
0x43: {  	[tilespmem:$0x928] =	vst v1;
	v1 =	vld [tilespmem:$0x500]  }
0x44: {  	[tilespmem:$0x9B0] =	vst v5;
	v5 =	vld [tilespmem:$0x150]  }
0x45: {  	[tilespmem:$0x9A0] =	vst v8;
	v8 =	vld [tilespmem:$0x520]  }
0x46: {  	[tilespmem:$0x8F8] =	vst v4;
	v4 =	vld [tilespmem:$0x180]  }
0x47: {  	[tilespmem:$0x9F0] =	vst v3;
	v3 =	vld [tilespmem:$0x190]  }
0x48: {  	[tilespmem:$0x9C0] =	vst v2;
	v2 =	vld [tilespmem:$0x510]  }
0x49: {  	[tilespmem:$0x9E0] =	vst v5;
	v5 =	vld [tilespmem:$0x1B0]  }
0x4a: {  	[tilespmem:$0x990] =	vst v0;
	v0 =	vld [tilespmem:$0x1C0]  }
0x4b: {  	[tilespmem:$0x938] =	vst v6;
	v6 =	vld [tilespmem:$0x1D0]  }
0x4c: {  	[tilespmem:$0xA30] =	vst v8;
	v8 =	vld [tilespmem:$0x1A0]  }
0x4d: {  	[tilespmem:$0xA20] =	vst v2;
	v2 =	vld [tilespmem:$0x1F0]  }
0x4e: {  	[tilespmem:$0xA58] =	vst v4;
	v4 =	vld [tilespmem:$0x580]  }
0x4f: {  	[tilespmem:$0xA00] =	vst v9;
	v9 =	vld [tilespmem:$0x590]  }
0x50: {  	[tilespmem:$0xA88] =	vst v5;
	v5 =	vld [tilespmem:$0x1E0]  }
0x51: {  	[tilespmem:$0xA78] =	vst v8;
	v8 =	vld [tilespmem:$0x200]  }
0x52: {  	[tilespmem:$0x9D0] =	vst v7;
	v7 =	vld [tilespmem:$0x210]  }
0x53: {  	[tilespmem:$0xAC8] =	vst v2;
	v2 =	vld [tilespmem:$0x220]  }
0x54: {  	[tilespmem:$0xA98] =	vst v0;
	v0 =	vld [tilespmem:$0x5A0]  }
0x55: {  	[tilespmem:$0xAB8] =	vst v5;
	v5 =	vld [tilespmem:$0x240]  }
0x56: {  	[tilespmem:$0xA68] =	vst v3;
	v3 =	vld [tilespmem:$0x250]  }
0x57: {  	[tilespmem:$0xA10] =	vst v1;
	v1 =	vld [tilespmem:$0x260]  }
0x58: {  	[tilespmem:$0xB20] =	vst v8;
	v8 =	vld [tilespmem:$0x230]  }
0x59: {  	[tilespmem:$0xAF8] =	vst v0;
	v0 =	vld [tilespmem:$0x600]  }
0x5a: {  	[tilespmem:$0xB30] =	vst v7;
	v7 =	vld [tilespmem:$0x610]  }
0x5b: {  	[tilespmem:$0xAD8] =	vst v4;
	v4 =	vld [tilespmem:$0x620]  }
0x5c: {  	[tilespmem:$0xB60] =	vst v5;
	v5 =	vld [tilespmem:$0x270]  }
0x5d: {  	[tilespmem:$0xB50] =	vst v8;
	v8 =	vld [tilespmem:$0x290]  }
0x5e: {  	[tilespmem:$0xAA8] =	vst v6;
	v6 =	vld [tilespmem:$0x2A0]  }
0x5f: {  	[tilespmem:$0xBA0] =	vst v0;
	v0 =	vld [tilespmem:$0x2B0]  }
0x60: {  	[tilespmem:$0xB70] =	vst v3;
	v3 =	vld [tilespmem:$0x280]  }
0x61: {  	[tilespmem:$0xB90] =	vst v5;
	v5 =	vld [tilespmem:$0x2D0]  }
0x62: {  	[tilespmem:$0xB40] =	vst v2;
	v2 =	vld [tilespmem:$0x2E0]  }
0x63: {  	[tilespmem:$0xAE8] =	vst v9;
	v9 =	vld [tilespmem:$0x2F0]  }
0x64: {  	[tilespmem:$0xBF8] =	vst v8;
	v8 =	vld [tilespmem:$0x2C0]  }
0x65: {  	[tilespmem:$0xBE8] =	vst v3;
	v3 =	vld [tilespmem:$0x690]  }
0x66: {  	[tilespmem:$0xC08] =	vst v6;
	v6 =	vld [tilespmem:$0x6A0]  }
0x67: {  	[tilespmem:$0xBB0] =	vst v7;
	v7 =	vld [tilespmem:$0x300]  }
0x68: {  	[tilespmem:$0xC38] =	vst v5;
	v5 =	vld [tilespmem:$0x680]  }
0x69: {  	[tilespmem:$0xC28] =	vst v8;
	v8 =	vld [tilespmem:$0x320]  }
0x6a: {  	[tilespmem:$0xB80] =	vst v1;
	v1 =	vld [tilespmem:$0x330]  }
0x6b: {  	[tilespmem:$0xC78] =	vst v3;
	v3 =	vld [tilespmem:$0x340]  }
0x6c: {  	[tilespmem:$0xC48] =	vst v2;
	v2 =	vld [tilespmem:$0x310]  }
0x6d: {  	[tilespmem:$0xC68] =	vst v5;
	v5 =	vld [tilespmem:$0x360]  }
0x6e: {  	[tilespmem:$0xC18] =	vst v0;
	v0 =	vld [tilespmem:$0x370]  }
0x6f: {  	[tilespmem:$0xBC0] =	vst v4;
	v4 =	vld [tilespmem:$0x700]  }
0x70: {  	[tilespmem:$0xCD0] =	vst v8;
	v8 =	vld [tilespmem:$0x350]  }
0x71: {  	[tilespmem:$0xCC0] =	vst v2;
	v2 =	vld [tilespmem:$0x720]  }
0x72: {  	[tilespmem:$0xCE0] =	vst v1;
	v1 =	vld [tilespmem:$0x380]  }
0x73: {  	[tilespmem:$0xC88] =	vst v6;
	v6 =	vld [tilespmem:$0x390]  }
0x74: {  	[tilespmem:$0xD10] =	vst v5;
	v5 =	vld [tilespmem:$0x710]  }
0x75: {  	[tilespmem:$0xD00] =	vst v8;
	v8 =	vld [tilespmem:$0x3B0]  }
0x76: {  	[tilespmem:$0xC58] =	vst v9;
	v9 =	vld [tilespmem:$0x3C0]  }
0x77: {  	[tilespmem:$0xD50] =	vst v2;
	v2 =	vld [tilespmem:$0x3D0]  }
0x78: {  	[tilespmem:$0xD20] =	vst v0;
	v0 =	vld [tilespmem:$0x3A0]  }
0x79: {  	[tilespmem:$0xD40] =	vst v5;
	v5 =	vld [tilespmem:$0x3F0]  }
0x7a: {  	[tilespmem:$0xCF0] =	vst v3;
	v3 =	vld [tilespmem:$0x780]  }
0x7b: {  	[tilespmem:$0xCB0] =	vst v7;
	v7 =	vld [tilespmem:$0x790]  }
0x7c: {  	[tilespmem:$0xDA8] =	vst v8;
	v8 =	vld [tilespmem:$0x7A0]  }
0x7d: {  	[tilespmem:$0xD98] =	vst v0  }
0x7e: {  	[tilespmem:$0xDB8] =	vst v9  }
0x7f: {  	[tilespmem:$0xD78] =	vst v1  }
0x80: {  	[tilespmem:$0xDE8] =	vst v5  }
0x81: {  	[tilespmem:$0xE18] =	vst v8  }
0x82: {  	[tilespmem:$0xD30] =	vst v4  }
0x83: {  	[tilespmem:$0xDF8] =	vst v3  }
0x84: {  	[tilespmem:$0xDC8] =	vst v2  }
0x85: {  	s14 =	sadd.s32 s10, s5;
	s10 =	smov.u32 s13;
	[tilespmem:$0xD88] =	vst v6  }
0x86: {  	[tilespmem:$0xE08] =	vst v7  }
0x87: {  	[hbm4b:s14+s2] =	stream.linear.scatter [tilespmem:s8], [sflag:$0x1], $0x640, $0x38;
	[tilespmem:$0xE80] =	vst v63  }
0x88: {  	_ =	swait.ge [sflag:s6], $0x640  }
0x89: {  	[sflag:s6] =	ssyncset.done $0x0  }
0x8a: {  	s13 =	sadd.s32 $0xFFFFFF80, s12;
	[sflag:s6] =	ssyncadd.s32 $0xFFFFF9C0  }
0x8b: {  	[tilespmem:s2], [sflag:$0x1] =	stream.linear.gather [hbm4b:s13+s2], $0x400, $0x38;
	[tilespmem:$0xE80] =	vst v63  }
0x8c: {  	_ =	swait.ge [sflag:s6], $0x400  }
0x8d: {  	[sflag:s6] =	ssyncset.done $0x0  }
0x8e: {  	[sflag:s6] =	ssyncadd.s32 $0xFFFFFC00  }
0x8f: {  	[tilespmem:s7], [sflag:$0x1] =	stream.linear.gather [hbm4b:s12+s2], $0x400, $0x38;
	[tilespmem:$0xE80] =	vst v63  }
0x90: {  	_ =	swait.ge [sflag:s6], $0x400  }
0x91: {  	[sflag:s6] =	ssyncset.done $0x0  }
0x92: {  	[sflag:s6] =	ssyncadd.s32 $0xFFFFFC00  }
0x93: {  	v4 =	vld [tilespmem:$0x3E0]  }
0x94: {  	v0 =	vld [tilespmem:$0x6B8]  }
0x95: {  	v1 =	vld [tilespmem:$0x5B8]  }
0x96: {  	v3 =	vld [tilespmem:$0x430]  }
0x97: {  	v5 =	vld [tilespmem:$0x738]  }
.Ltmp0:
0x98: {  	v2 =	vld [tilespmem:$0x638];
	[tilespmem:$0xDD8] =	vst v4;
	(pc) =	sbr.rel @p0 .LBB2_2-.Ltmp0, $4  }
0x99: {  	v8 =	vld [tilespmem:$0x730]  }
0x9a: {  	v4 =	vld [tilespmem:$0x630]  }
0x9b: {  	v6 =	vld [tilespmem:$0x5B0]  }
0x9c: {  	v7 =	vld [tilespmem:$0x530]  }
0x9d: {  	[tilespmem:$0x8B0] =	vst v3  }
0x9e: {  	[tilespmem:$0xD60] =	vst v8  }
0x9f: {  	[tilespmem:$0xD68] =	vst v5  }
0xa0: {  	v26 =	vld [tilespmem:$0x7B0];
	[tilespmem:$0xBD0] =	vst v4  }
0xa1: {  	v27 =	vld [tilespmem:$0x538];
	[tilespmem:$0xB08] =	vst v6  }
0xa2: {  	v29 =	vld [tilespmem:$0x0];
	[tilespmem:$0xBD8] =	vst v2  }
0xa3: {  	v30 =	vld [tilespmem:$0x438];
	[tilespmem:$0xA40] =	vst v7  }
0xa4: {  	v31 =	vld [tilespmem:$0x40];
	[tilespmem:$0xB10] =	vst v1  }
0xa5: {  	v32 =	vld [tilespmem:$0x10];
	[tilespmem:$0xE28] =	vst v26  }
0xa6: {  	v33 =	vld [tilespmem:$0x4B0];
	[tilespmem:$0xA48] =	vst v27  }
0xa7: {  	v34 =	vld [tilespmem:$0x50];
	[tilespmem:$0x800] =	vst v29  }
0xa8: {  	v35 =	vld [tilespmem:$0x30];
	[tilespmem:$0x8B8] =	vst v30  }
0xa9: {  	v37 =	vld [tilespmem:$0x400];
	[tilespmem:$0x840] =	vst v31  }
0xaa: {  	v38 =	vld [tilespmem:$0x6B0];
	[tilespmem:$0x810] =	vst v32  }
0xab: {  	v39 =	vld [tilespmem:$0x80];
	[tilespmem:$0x978] =	vst v33  }
0xac: {  	v40 =	vld [tilespmem:$0x60];
	[tilespmem:$0x850] =	vst v34  }
0xad: {  	v41 =	vld [tilespmem:$0x90];
	[tilespmem:$0x830] =	vst v35  }
0xae: {  	v42 =	vld [tilespmem:$0x20];
	[tilespmem:$0x880] =	vst v37  }
0xaf: {  	v43 =	vld [tilespmem:$0x420];
	[tilespmem:$0xC98] =	vst v38  }
0xb0: {  	v44 =	vld [tilespmem:$0xD0];
	[tilespmem:$0x8C8] =	vst v39  }
0xb1: {  	v45 =	vld [tilespmem:$0x410];
	[tilespmem:$0x860] =	vst v40  }
0xb2: {  	v46 =	vld [tilespmem:$0xC0];
	[tilespmem:$0x8D8] =	vst v41  }
0xb3: {  	v47 =	vld [tilespmem:$0x70];
	[tilespmem:$0x820] =	vst v42  }
0xb4: {  	v48 =	vld [tilespmem:$0x490];
	[tilespmem:$0x8A0] =	vst v43  }
0xb5: {  	v49 =	vld [tilespmem:$0xA0];
	[tilespmem:$0x918] =	vst v44  }
0xb6: {  	v50 =	vld [tilespmem:$0x480];
	[tilespmem:$0x890] =	vst v45  }
0xb7: {  	v51 =	vld [tilespmem:$0x4A0];
	[tilespmem:$0x908] =	vst v46  }
0xb8: {  	v52 =	vld [tilespmem:$0xE0];
	[tilespmem:$0x870] =	vst v47  }
0xb9: {  	v53 =	vld [tilespmem:$0x120];
	[tilespmem:$0x958] =	vst v48  }
0xba: {  	v54 =	vld [tilespmem:$0x110];
	[tilespmem:$0x8E8] =	vst v49  }
0xbb: {  	v55 =	vld [tilespmem:$0xB0];
	[tilespmem:$0x948] =	vst v50  }
0xbc: {  	v56 =	vld [tilespmem:$0x160];
	[tilespmem:$0x968] =	vst v51  }
0xbd: {  	v57 =	vld [tilespmem:$0x130];
	[tilespmem:$0x928] =	vst v52  }
0xbe: {  	v58 =	vld [tilespmem:$0x150];
	[tilespmem:$0x9B0] =	vst v53  }
0xbf: {  	v59 =	vld [tilespmem:$0x100];
	[tilespmem:$0x9A0] =	vst v54  }
0xc0: {  	v60 =	vld [tilespmem:$0xF0];
	[tilespmem:$0x8F8] =	vst v55  }
0xc1: {  	v61 =	vld [tilespmem:$0x520];
	[tilespmem:$0x9F0] =	vst v56  }
0xc2: {  	v62 =	vld [tilespmem:$0x510];
	[tilespmem:$0x9C0] =	vst v57  }
0xc3: {  	v63 =	vld [tilespmem:$0x180];
	[tilespmem:$0x9E0] =	vst v58  }
0xc4: {  	v9 =	vld [tilespmem:$0x1B0];
	[tilespmem:$0x990] =	vst v59  }
0xc5: {  	v10 =	vld [tilespmem:$0x1A0];
	[tilespmem:$0x938] =	vst v60  }
0xc6: {  	v11 =	vld [tilespmem:$0x140];
	[tilespmem:$0xA30] =	vst v61  }
0xc7: {  	v12 =	vld [tilespmem:$0x1F0];
	[tilespmem:$0xA20] =	vst v62  }
0xc8: {  	v13 =	vld [tilespmem:$0x1C0];
	[tilespmem:$0xA58] =	vst v63  }
0xc9: {  	v14 =	vld [tilespmem:$0x1E0];
	[tilespmem:$0xA88] =	vst v9  }
0xca: {  	v15 =	vld [tilespmem:$0x190];
	[tilespmem:$0xA78] =	vst v10  }
0xcb: {  	v16 =	vld [tilespmem:$0x500];
	[tilespmem:$0x9D0] =	vst v11  }
0xcc: {  	v17 =	vld [tilespmem:$0x200];
	[tilespmem:$0xAC8] =	vst v12  }
0xcd: {  	v18 =	vld [tilespmem:$0x5A0];
	[tilespmem:$0xA98] =	vst v13  }
0xce: {  	v19 =	vld [tilespmem:$0x210];
	[tilespmem:$0xAB8] =	vst v14  }
0xcf: {  	v20 =	vld [tilespmem:$0x580];
	[tilespmem:$0xA68] =	vst v15  }
0xd0: {  	v21 =	vld [tilespmem:$0x240];
	[tilespmem:$0xA10] =	vst v16  }
0xd1: {  	v22 =	vld [tilespmem:$0x230];
	[tilespmem:$0xB20] =	vst v17  }
0xd2: {  	v23 =	vld [tilespmem:$0x1D0];
	[tilespmem:$0xAF8] =	vst v18  }
0xd3: {  	v24 =	vld [tilespmem:$0x600];
	[tilespmem:$0xB30] =	vst v19  }
0xd4: {  	v25 =	vld [tilespmem:$0x250];
	[tilespmem:$0xAD8] =	vst v20  }
0xd5: {  	v28 =	vld [tilespmem:$0x7B8];
	[tilespmem:$0xB60] =	vst v21  }
0xd6: {  	v36 =	vld [tilespmem:$0x4B8];
	[tilespmem:$0xB50] =	vst v22  }
0xd7: {  	[tilespmem:$0xAA8] =	vst v23  }
0xd8: {  	v8 =	vld [tilespmem:$0x170];
	[tilespmem:$0xBA0] =	vst v24  }
0xd9: {  	v26 =	vld [tilespmem:$0x270];
	[tilespmem:$0xB70] =	vst v25  }
0xda: {  	v27 =	vld [tilespmem:$0x220];
	[tilespmem:$0xE30] =	vst v28  }
0xdb: {  	v29 =	vld [tilespmem:$0x290];
	[tilespmem:$0x980] =	vst v36  }
0xdc: {  	v30 =	vld [tilespmem:$0x280];
	[tilespmem:$0xCA0] =	vst v0  }
0xdd: {  	v31 =	vld [tilespmem:$0x2A0];
	[tilespmem:$0xA00] =	vst v8  }
0xde: {  	v32 =	vld [tilespmem:$0x610];
	[tilespmem:$0xB90] =	vst v26  }
0xdf: {  	v33 =	vld [tilespmem:$0x2D0];
	[tilespmem:$0xB40] =	vst v27  }
0xe0: {  	v34 =	vld [tilespmem:$0x2C0];
	[tilespmem:$0xBF8] =	vst v29  }
0xe1: {  	v35 =	vld [tilespmem:$0x260];
	[tilespmem:$0xBE8] =	vst v30  }
0xe2: {  	v37 =	vld [tilespmem:$0x2E0];
	[tilespmem:$0xC08] =	vst v31  }
0xe3: {  	v38 =	vld [tilespmem:$0x680];
	[tilespmem:$0xBB0] =	vst v32  }
0xe4: {  	v39 =	vld [tilespmem:$0x2B0];
	[tilespmem:$0xC38] =	vst v33  }
0xe5: {  	v40 =	vld [tilespmem:$0x620];
	[tilespmem:$0xC28] =	vst v34  }
0xe6: {  	v41 =	vld [tilespmem:$0x320];
	[tilespmem:$0xB80] =	vst v35  }
0xe7: {  	v42 =	vld [tilespmem:$0x310];
	[tilespmem:$0xC48] =	vst v37  }
0xe8: {  	v43 =	vld [tilespmem:$0x330];
	[tilespmem:$0xC68] =	vst v38  }
0xe9: {  	v44 =	vld [tilespmem:$0x6A0];
	[tilespmem:$0xC18] =	vst v39  }
0xea: {  	v45 =	vld [tilespmem:$0x360];
	[tilespmem:$0xBC0] =	vst v40  }
0xeb: {  	v46 =	vld [tilespmem:$0x350];
	[tilespmem:$0xCD0] =	vst v41  }
0xec: {  	v47 =	vld [tilespmem:$0x2F0];
	[tilespmem:$0xCC0] =	vst v42  }
0xed: {  	v48 =	vld [tilespmem:$0x720];
	[tilespmem:$0xCE0] =	vst v43  }
0xee: {  	v49 =	vld [tilespmem:$0x370];
	[tilespmem:$0xC88] =	vst v44  }
0xef: {  	v50 =	vld [tilespmem:$0x710];
	[tilespmem:$0xD10] =	vst v45  }
0xf0: {  	v51 =	vld [tilespmem:$0x340];
	[tilespmem:$0xD00] =	vst v46  }
0xf1: {  	v52 =	vld [tilespmem:$0x300];
	[tilespmem:$0xC58] =	vst v47  }
0xf2: {  	v53 =	vld [tilespmem:$0x3B0];
	[tilespmem:$0xD50] =	vst v48  }
0xf3: {  	v54 =	vld [tilespmem:$0x3A0];
	[tilespmem:$0xD20] =	vst v49  }
0xf4: {  	v55 =	vld [tilespmem:$0x3C0];
	[tilespmem:$0xD40] =	vst v50  }
0xf5: {  	v56 =	vld [tilespmem:$0x380];
	[tilespmem:$0xCF0] =	vst v51  }
0xf6: {  	v57 =	vld [tilespmem:$0x3F0];
	[tilespmem:$0xCB0] =	vst v52  }
0xf7: {  	v58 =	vld [tilespmem:$0x7A0];
	[tilespmem:$0xDA8] =	vst v53  }
0xf8: {  	v59 =	vld [tilespmem:$0x700];
	[tilespmem:$0xD98] =	vst v54  }
0xf9: {  	v60 =	vld [tilespmem:$0x780];
	[tilespmem:$0xDB8] =	vst v55  }
0xfa: {  	v61 =	vld [tilespmem:$0x3D0];
	[tilespmem:$0xD78] =	vst v56  }
0xfb: {  	v62 =	vld [tilespmem:$0x390];
	[tilespmem:$0xDE8] =	vst v57  }
0xfc: {  	v63 =	vld [tilespmem:$0x790];
	[tilespmem:$0xE18] =	vst v58  }
0xfd: {  	v28 =	vld [tilespmem:$0x590];
	[tilespmem:$0xD30] =	vst v59  }
0xfe: {  	v36 =	vld [tilespmem:$0x690];
	[tilespmem:$0xDF8] =	vst v60  }
0xff: {  	[tilespmem:$0xDC8] =	vst v61  }
0x100: {  	[tilespmem:$0xD88] =	vst v62  }
0x101: {  	s9 =	sadd.s32 $0x1, s9;
	[tilespmem:$0xE08] =	vst v63  }
0x102: {  	p0 =	sne.s32 s9, s3;
	[tilespmem:$0xAE8] =	vst v28  }
.Ltmp1:
0x103: {  	s10 =	sadd.s32 s10, s5;
	[tilespmem:$0xC78] =	vst v36;
	(pc) =	sbr.rel @p0 .LBB2_1-.Ltmp1, $4  }
0x104: {  	[hbm4b:s10+s2] =	stream.linear.scatter [tilespmem:s8], [sflag:$0x1], $0x640, $0x38;
	[tilespmem:$0xE80] =	vst v63  }
0x105: {  	_ =	swait.ge [sflag:s6], $0x640  }
0x106: {  	[sflag:s6] =	ssyncset.done $0x0  }
0x107: {  	[sflag:s6] =	ssyncadd.s32 $0xFFFFF9C0  }
0x108: {  	_ =	sfence.sel $0x180000  }
0x109: {  	[bflag:$0x0] =	sbarrier.arrive $0xFFFF  }
0x10a: {  	p0 =	sne.s32 s1, $0x0;
	_ =	strace $0x90000047  }
0x10b: {  	s0 =	sadd.s32 @!p0 $0x100000, s0;
	[bflag:$0x2] =	sbarrier.arrive $0xFFFF  }
0x10c: {  	[sflag:s0] =	ssyncadd.tile.s32 @!p0 $0x1;
	_ =	shalt  }
.Lfunc_end2:
_tile_overlayer_lowered:
.L_overlay_start_2:
0x10d: {  	(tag) =	ssettag $0x2  }
0x10e: {  	s0 =	rddreg [dreg:$0x0];
	s2 =	stileid.u32  }
0x10f: {  	s1 =	rddreg [dreg:$0x1];
	p0 =	sne.s32 s2, $0x0  }
0x110: {  	s3 =	rddreg [dreg:$0x2];
	[bflag:$0x3] =	sbarrier.arrive $0xFFFF;
	s2 =	simm.s32 @!p0 $0x1C01  }
0x111: {  	[timem:s3], [sflag:s2] =	dma.local @!p0 [hbm:s0], s1  }
0x112: {  	s0 =	simm.s32 @!p0 $0x1  }
0x113: {  	_ =	swait.ge @!p0 [sflag:s0], s1  }
0x114: {  	s1 =	ssub.s32 @!p0 $0x0, s1;
	[sflag:s0] =	ssyncset.done @!p0 $0x0  }
0x115: {  	[sflag:s0] =	ssyncadd.s32 @!p0 s1  }
0x116: {  	[bflag:$0x3] =	sbarrier.arrive $0xFFFF  }
0x117: {  	_ =	shalt  }

// kernel: kernel.8.cloned.1.call-start
scs
__scs_entry_jumppad:
0x0: {  	(pc) =	sbr.rel $0x88, $3  }
0x1: {  	(tag) =	ssettag $0x0;
	lr =	simm.s32 $0x1  }
0x2: {  	[smem:$0x3F9B] =	sst lr;
	_ =	strace $0xD0000000  }
0x3: {  	_ = 	snop  }
0x4: {  	_ = 	snop  }
0x5: {  	_ = 	snop  }
0x6: {  	_ = 	snop  }
0x7: {  	_ = 	snop  }
__scs_overlays_trampoline_lowered:
0x8: {  	[smem:$0x3FAA] =	sst s0  }
0x9: {  	[smem:$0x3FAB] =	sst s1  }
0xa: {  	[smem:$0x3FAC] =	sst s2  }
0xb: {  	[smem:$0x3FAD] =	sst s3  }
0xc: {  	[smem:$0x3FAE] =	sst s4  }
0xd: {  	[smem:$0x3FAF] =	sst s5  }
0xe: {  	[smem:$0x3FB0] =	sst s6  }
0xf: {  	[smem:$0x3FB1] =	sst s7  }
0x10: {  	[smem:$0x3FB2] =	sst s8  }
0x11: {  	[smem:$0x3FB3] =	sst s9;
	s0 =	simm.s32 @!p0 $0x0  }
0x12: {  	s1 =	sld [smem:$0x3F99];
	s0 =	simm.s32 @p0 $0x1  }
0x13: {  	[smem:$0x3FB4] =	sst s0;
	s0 =	simm.s32 @!p1 $0x0  }
0x14: {  	s2 =	sld [smem:$0x3F98];
	s0 =	simm.s32 @p1 $0x1  }
0x15: {  	[smem:$0x3FB5] =	sst s0;
	s0 =	simm.s32 @!p2 $0x0  }
0x16: {  	s3 =	sld [smem:$0x3FDB];
	s0 =	simm.s32 @p2 $0x1  }
0x17: {  	s4 =	simm.s32 $0x1BF5;
	[smem:$0x3FB7] =	sst s0  }
0x18: {  	s0 =	sld [smem:$0x3F9A];
	_ =	swait.ge [sflag:s4], $0x0  }
0x19: {  	s7 =	sld [smem:$0x3F9B]  }
0x1a: {  	s8 =	sadd.s32 $0xFFFFE003, lr  }
0x1b: {  	s9 =	sadd.s32 $0xFFFFFEF7, lr;
	s5 =	simm.s32 $0xFFFFFFFF;
	p2 =	slt.u32 s8, $0xFFFFF086  }
0x1c: {  	p1 =	slt.u32 s9, $0xF7A;
	s5 =	simm.s32 @!p2 $0x0  }
0x1d: {  	s5 =	simm.s32 @p1 $0x1;
	p0 =	seq.s32 s7, s2  }
0x1e: {  	s7 =	smul.u32 @!p0 $0xF7A, s2;
	p2 =	seq.s32 @!p0 s5, $0x0  }
0x1f: {  	s9 =	smul.u32 $0xF7A, s1;
	s8 =	simm.s32 @!p0 $0x1BF5;
	p2 =	por !p2, p0  }
0x20: {  	[sflag:s8] =	ssyncset.s32 @!p0 $0xFFFFF086;
	s6 =	sadd.s32 @!p0 s3, s7;
	s7 =	simm.s32 @!p0 $0x108  }
0x21: {  	s3 =	sadd.s32 s3, s9;
	s6 =	sadd.s32 @!p0 $0x88, s6;
	s7 =	simm.s32 @p2 $0x1082  }
0x22: {  	[simem:s7], [sflag:s8] =	dma.local @!p0 [hbm:s6], $0xF7A  }
0x23: {  	s9 =	sor.u32 $0xD0000000, s2;
	s6 =	simm.s32 $0x108;
	_ =	swait.ge @!p0 [sflag:s8], $0x0  }
0x24: {  	s3 =	sadd.s32 $0x88, s3;
	s6 =	simm.s32 @!p1 $0x1082;
	[sflag:s4] =	ssyncset.s32 $0xFFFFF086  }
0x25: {  	[simem:s6], [sflag:s4] =	dma.local [hbm:s3], $0xF7A  }
0x26: {  	[smem:$0x3F9B] =	sst s1;
	(tag) =	ssettag s2;
	_ =	strace s9  }
0x27: {  	s1 =	sld [smem:$0x3FAB]  }
0x28: {  	s2 =	sld [smem:$0x3FAC]  }
0x29: {  	s4 =	sld [smem:$0x3FAE]  }
0x2a: {  	p0 =	seq.s32 s5, $0x0;
	s5 =	sld [smem:$0x3FAF]  }
0x2b: {  	s6 =	sld [smem:$0x3FB0]  }
0x2c: {  	s7 =	sld [smem:$0x3FB1]  }
0x2d: {  	s3 =	simm.s32 $0x108;
	s8 =	sld [smem:$0x3FB2]  }
0x2e: {  	s3 =	simm.s32 @!p0 $0x1082;
	s9 =	sld [smem:$0x3FB3]  }
0x2f: {  	lr =	sadd.s32 s0, s3;
	s0 =	sld [smem:$0x3FAA]  }
0x30: {  	s3 =	sld [smem:$0x3FAD]  }
0x31: {  	[smem:$0x3FB6] =	sst s10  }
0x32: {  	s10 =	sld [smem:$0x3FB4];
	_ =	sdelay $0x3  }
0x33: {  	p0 =	seq.s32 s10, $0x1;
	s10 =	sld [smem:$0x3FB6];
	_ =	sdelay $0x3  }
0x34: {  	[smem:$0x3FB6] =	sst s10  }
0x35: {  	s10 =	sld [smem:$0x3FB5];
	_ =	sdelay $0x3  }
0x36: {  	p1 =	seq.s32 s10, $0x1;
	s10 =	sld [smem:$0x3FB6];
	_ =	sdelay $0x3  }
0x37: {  	[smem:$0x3FB6] =	sst s10  }
0x38: {  	s10 =	sld [smem:$0x3FB7]  }
0x39: {  	_ = 	snop;
	(pc) =	sbr.ind lr, $3  }
0x3a: {  	_ = 	snop  }
0x3b: {  	_ = 	snop  }
0x3c: {  	p2 =	seq.s32 s10, $0x1;
	s10 =	sld [smem:$0x3FB6]  }
0x3d: {  	_ =	shalt  }
0x3e: {  	_ =	shalt  }
0x3f: {  	_ =	shalt  }
0x40: {  	_ =	shalt  }
0x41: {  	_ =	shalt  }
0x42: {  	_ =	shalt  }
0x43: {  	_ =	shalt  }
0x44: {  	_ =	shalt  }
0x45: {  	_ =	shalt  }
0x46: {  	_ =	shalt  }
0x47: {  	_ =	shalt  }
0x48: {  	_ =	shalt  }
0x49: {  	_ =	shalt  }
0x4a: {  	_ =	shalt  }
0x4b: {  	_ =	shalt  }
0x4c: {  	_ =	shalt  }
0x4d: {  	_ =	shalt  }
0x4e: {  	_ =	shalt  }
0x4f: {  	_ =	shalt  }
0x50: {  	_ =	shalt  }
0x51: {  	_ =	shalt  }
0x52: {  	_ =	shalt  }
0x53: {  	_ =	shalt  }
0x54: {  	_ =	shalt  }
0x55: {  	_ =	shalt  }
0x56: {  	_ =	shalt  }
0x57: {  	_ =	shalt  }
0x58: {  	_ =	shalt  }
0x59: {  	_ =	shalt  }
0x5a: {  	_ =	shalt  }
0x5b: {  	_ =	shalt  }
0x5c: {  	_ =	shalt  }
0x5d: {  	_ =	shalt  }
0x5e: {  	_ =	shalt  }
0x5f: {  	_ =	shalt  }
0x60: {  	_ =	shalt  }
0x61: {  	_ =	shalt  }
0x62: {  	_ =	shalt  }
0x63: {  	_ =	shalt  }
0x64: {  	_ =	shalt  }
0x65: {  	_ =	shalt  }
0x66: {  	_ =	shalt  }
0x67: {  	_ =	shalt  }
0x68: {  	_ =	shalt  }
0x69: {  	_ =	shalt  }
0x6a: {  	_ =	shalt  }
0x6b: {  	_ =	shalt  }
0x6c: {  	_ =	shalt  }
0x6d: {  	_ =	shalt  }
0x6e: {  	_ =	shalt  }
0x6f: {  	_ =	shalt  }
0x70: {  	_ =	shalt  }
0x71: {  	_ =	shalt  }
0x72: {  	_ =	shalt  }
0x73: {  	_ =	shalt  }
0x74: {  	_ =	shalt  }
0x75: {  	_ =	shalt  }
0x76: {  	_ =	shalt  }
0x77: {  	_ =	shalt  }
0x78: {  	_ =	shalt  }
0x79: {  	_ =	shalt  }
0x7a: {  	_ =	shalt  }
0x7b: {  	_ =	shalt  }
0x7c: {  	_ =	shalt  }
0x7d: {  	_ =	shalt  }
0x7e: {  	_ =	shalt  }
0x7f: {  	_ =	shalt  }
0x80: {  	_ =	shalt  }
0x81: {  	_ =	shalt  }
0x82: {  	_ =	shalt  }
0x83: {  	_ =	shalt  }
0x84: {  	_ =	shalt  }
0x85: {  	_ =	shalt  }
0x86: {  	_ =	shalt  }
0x87: {  	_ =	shalt  }
.Lfunc_end0:
.L_simem_size_0:
called_computation.1_lowered:
.L_overlay_start_0:
0x88: {  	s2 =	sld [smem:$0x3FD9]  }
0x89: {  	s3 =	sld [smem:$0x3FFE];
	_ =	sdelay $0x1  }
0x8a: {  	s1 =	srdreg.scid  }
0x8b: {  	s0 =	sand.u32 $0x1, s1  }
0x8c: {  	s17 =	sshll.u32 s0, $0xA;
	s2 =	sadd.s32 s3, s2  }
0x8d: {  	s2 =	sadd.s32 s2, s17  }
0x8e: {  	[smem:$0x3FC2] =	sst s2  }
0x8f: {  	_ = 	snop  }
0x90: {  	s2 =	sld [smem:$0x3FD0];
	(tm) =	ssettm $0x1  }
0x91: {  	s18 =	sld [smem:$0x3FFB];
	_ =	sdelay $0x3  }
0x92: {  	_ =	strace s18  }
0x93: {  	s3 =	sld [smem:$0x3FFC];
	_ =	sdelay $0x3  }
0x94: {  	_ =	strace s3  }
0x95: {  	s3 =	sld [smem:$0x3FFD];
	_ =	sdelay $0x3  }
0x96: {  	_ =	strace s3  }
0x97: {  	_ =	strace $0x8FFFFFFF  }
0x98: {  	s19 =	sld [smem:$0x3FDB];
	_ =	sdelay $0x1  }
0x99: {  	s4 =	simm.s32 $_scs_section_size  }
0x9a: {  	s5 =	simm.s32 $_size__tile_overlayer_lowered;
	s6 =	simm.s32 $_tile_overlayer_lowered  }
0x9b: {  	s22 =	simm.s32 $0x1BFF;
	s21 =	sshll.u32 s6, $0x1;
	s3 =	sadd.s32 s4, s19  }
0x9c: {  	s7 =	simm.s32 $0x0;
	s20 =	sshll.u32 s5, $0x1;
	s5 =	sadd.s32 s21, s3  }
0x9d: {  	[timem:s7], [sflag:s22] =	dma.local [hbm:s5], s20  }
0x9e: {  	_ =	swait.ge [sflag:s22], s20  }
0x9f: {  	s4 =	ssub.s32 $0x0, s20;
	[sflag:s22] =	ssyncset.done $0x0  }
0xa0: {  	[sflag:s22] =	ssyncadd.s32 s4;
	_ =	sdelay $0x1  }
0xa1: {  	s23 =	simm.s32 $0x1B8B  }
0xa2: {  	_ =	swait.ge [sflag:s23], $0x1  }
0xa3: {  	[sflag:s23] =	ssyncset.done $0x0  }
0xa4: {  	s25 =	simm.s32 $0x1B8E;
	s24 =	sld [smem:$0x3FFE];
	[sflag:s23] =	ssyncadd.s32 $0xFFFFFFFF  }
0xa5: {  	s26 =	simm.s32 $execute0_lowered;
	[smem:$0x3FD2] =	sst s25  }
0xa6: {  	s5 =	sshll.u32 s26, $0x1;
	_ =	strace $0x80000049;
	[dreg:$0x1] =	wrdreg $0xFFFFFFFF  }
0xa7: {  	s28 =	simm.s32 $_size_execute0_lowered;
	s3 =	sadd.s32 s3, s5;
	[dreg:$0x0] =	wrdreg $0x0  }
0xa8: {  	s5 =	sshll.u32 s28, $0x1;
	[dreg:$0x2] =	wrdreg s3  }
0xa9: {  	[dreg:$0x3] =	wrdreg s5  }
0xaa: {  	[dreg:$0x4] =	wrdreg $0xC0  }
0xab: {  	_ =	task [dreg:s7], $0x5FFFF  }
0xac: {  	[dreg:$0x1] =	wrdreg $0xFFFFFFFF  }
0xad: {  	[dreg:$0x0] =	wrdreg $0x60  }
0xae: {  	[dreg:$0x2] =	wrdreg s24  }
0xaf: {  	[dreg:$0x3] =	wrdreg s2  }
0xb0: {  	[dreg:$0x4] =	wrdreg $0x9  }
0xb1: {  	_ =	task.clear_ibuf [dreg:s7], $0x5FFFF;
	_ =	strace $0x90000049  }
0xb2: {  	s29 =	simm.s32 $0x9;
	_ =	strace $0x8000004B  }
0xb3: {  	_ =	swait.ge [sflag:s29], $0x1  }
0xb4: {  	[sflag:s29] =	ssyncadd.s32 $0xFFFFFFFF  }
0xb5: {  	_ =	strace $0x9000004B  }
0xb6: {  	_ =	sfence  }
0xb7: {  	s30 =	sld [smem:$0x0];
	_ =	sdelay $0x2  }
0xb8: {  	s31 =	sshll.u32 s1, $0xD;
	s1 =	sshrl.u32 s1, $0x2  }
0xb9: {  	s3 =	sand.u32 $0x4000, s31;
	s1 =	sadd.s32 s1, s30  }
0xba: {  	s0 =	sor.u32 s3, s0;
	s1 =	sshll.u32 s1, $0x11  }
0xbb: {  	s0 =	sor.u32 s1, s0  }
0xbc: {  	s0 =	sadd.s32 $0x8F2B, s0  }
0xbd: {  	[sflag:s0] =	ssyncadd.remote.s32 $0x1  }
0xbe: {  	_ =	sfence.sel $0xFFFF  }
0xbf: {  	[dreg:$0x0] =	wrdreg $0xFFFFFFFF;
	(pc) =	sbr.abs _section_cstart, $3  }
0xc0: {  	[dreg:$0x1] =	wrdreg $0xFFFFFFFF  }
0xc1: {  	_ =	task.clear_ibuf [dreg:s7], $0x2FFFF;
	_ =	strace $0x9FFFFFFF  }
0xc2: {  	(tm) =	ssettm $0x7FFFFFFF  }
0xc3: {  	_ =	shalt  }
tec
execute0_lowered:
.L_overlay_start_1:
0x0: {  	(tag) =	ssettag $0x1  }
0x1: {  	s4 =	rddreg [dreg:$0x0]  }
0x2: {  	s9 =	rddreg [dreg:$0x1]  }
0x3: {  	s0 =	rddreg [dreg:$0x2];
	s3 =	srdreg.scid  }
0x4: {  	s1 =	stileid.u32;
	s2 =	simm.s32 $0x0;
	s13 =	simm.s32 $0x320  }
0x5: {  	s14 =	simm.s32 $0x3520;
	s15 =	simm.s32 $0x190;
	s16 =	simm.s32 $0x6720  }
0x6: {  	s17 =	simm.s32 $0x258;
	s18 =	simm.s32 $0x9920;
	s19 =	simm.s32 $0x1  }
0x7: {  	s20 =	simm.s32 $0x2;
	s21 =	simm.s32 $0xCB20;
	s22 =	simm.s32 $0x0  }
0x8: {  	s3 =	sand.u32 $0x1, s3;
	s5 =	sshll.u32 s1, $0x1;
	[smem:$0x7FF] =	sst s2  }
0x9: {  	s8 =	sor.u32 s3, s5;
	_ =	strace $0x8000004A;
	s31 =	ssub.s32 $0x2, s3  }
0xa: {  	s3 =	sadd.s32 $0x81000, s4;
	s4 =	sadd.s32 $0x1027400, s4;
	s6 =	smul.u32 $0x3200, s8  }
0xb: {  	s7 =	sshrl.u32 s31, $0x1;
	s11 =	sshll.u32 s8, $0x9;
	s12 =	sshll.u32 s8, $0xC  }
0xc: {  	s10 =	ssub.s32 s31, s7;
	s7 =	sor.u32 $0x4, s11;
	s8 =	sor.u32 $0x6, s11  }
0xd: {  	s9 =	sadd.s32 s9, s12;
	s11 =	simm.s32 $0x3;
	s5 =	sadd.s32 s3, s6  }
0xe: {  	s12 =	simm.s32 $0xC8;
	s10 =	smax.u32 s10, $0x1;
	s6 =	sadd.s32 $0x32, s5  }
.LBB2_1:
0xf: {  	[tilespmem:s2], [sflag:$0x3] =	stream.linear.gather [hbm4b:s5+s2], $0x190, $0x38;
	[tilespmem:$0x14B20] =	vst v63  }
0x10: {  	_ =	swait.ge [sflag:s11], $0x190  }
0x11: {  	[sflag:s11] =	ssyncset.done $0x0  }
0x12: {  	[sflag:s11] =	ssyncadd.s32 $0xFFFFFE70  }
0x13: {  	[tilespmem:s13], [sflag:$0x1] =	stream.indirect.gather [hbm4b:s4+s12], $0x40, s2, s12, $0xb8;
	[tilespmem:$0x14B20] =	vst v63  }
0x14: {  	_ = 	snop  }
0x15: {  	[tilespmem:s14], [sflag:$0x1] =	stream.indirect.gather [hbm4b:s4+s12], $0x40, s12, s12, $0xb8;
	[tilespmem:$0x14B20] =	vst v63  }
0x16: {  	_ = 	snop  }
0x17: {  	[tilespmem:s15], [sflag:$0x3] =	stream.linear.gather [hbm4b:s6+s2], $0x190, $0x38;
	[tilespmem:$0x14B20] =	vst v63  }
0x18: {  	_ =	swait.ge [sflag:s11], $0x190  }
0x19: {  	[sflag:s11] =	ssyncset.done $0x0  }
0x1a: {  	[sflag:s11] =	ssyncadd.s32 $0xFFFFFE70  }
0x1b: {  	[tilespmem:s16], [sflag:$0x2] =	stream.indirect.gather [hbm4b:s4+s12], $0x40, s15, s12, $0xb8;
	[tilespmem:$0x14B20] =	vst v63  }
0x1c: {  	s23 =	simm.s32 $0x0  }
0x1d: {  	[tilespmem:s18], [sflag:$0x2] =	stream.indirect.gather [hbm4b:s4+s12], $0x40, s17, s12, $0xb8;
	[tilespmem:$0x14B20] =	vst v63  }
.LBB2_2:
0x1e: {  	_ =	swait.ge [sflag:s19], $0x3200  }
0x1f: {  	[sflag:s19] =	ssyncset.done $0x0  }
0x20: {  	[sflag:s19] =	ssyncadd.s32 $0xFFFFCE00  }
0x21: {  	_ =	swait.ge [sflag:s19], $0x3200  }
0x22: {  	[sflag:s19] =	ssyncset.done $0x0  }
0x23: {  	s25 =	simm.s32 $0x360;
	[sflag:s19] =	ssyncadd.s32 $0xFFFFCE00  }
0x24: {  	v1 =	vld [tilespmem:s25+$0x0]  }
0x25: {  	v3 =	vld [tilespmem:s25+$0x10]  }
0x26: {  	v0 =	vld [tilespmem:s25+$0xFFFFFFC0]  }
0x27: {  	v4 =	vld [tilespmem:s25+$0xFFFFFFD0]  }
0x28: {  	v5 =	vld [tilespmem:s25+$0xFFFFFFE0]  }
0x29: {  	v7 =	vld [tilespmem:s25+$0xFFFFFFF0]  }
0x2a: {  	v8 =	vimm.f32 $0.0e+00;
	v2 =	vld [tilespmem:s25+$0x20]  }
0x2b: {  	s24 =	simm.s32 $0x0;
	v10 =	vimm.f32 $0.0e+00;
	v11 =	vimm.f32 $0.0e+00;
	v9 =	vimm.f32 $0.0e+00;
	v6 =	vld [tilespmem:s25+$0x30];
	s25 =	simm.s32 $0x3E0  }
.LBB2_3:
0x2c: {  	v12 =	vld [tilespmem:s25+$0x0]  }
0x2d: {  	v8 =	vadd.f32 v0, v8;
	v10 =	vadd.f32 v4, v10;
	s24 =	sadd.s32 $0x2, s24;
	v13 =	vld [tilespmem:s25+$0x10]  }
0x2e: {  	v11 =	vadd.f32 v5, v11;
	p0 =	slt.u32 s24, $0xC6;
	v0 =	vld [tilespmem:s25+$0xFFFFFFC0];
	v7 =	vadd.f32 v7, v9  }
.Ltmp0:
0x2f: {  	v8 =	vadd.f32 v1, v8;
	v10 =	vadd.f32 v3, v10;
	v4 =	vld [tilespmem:s25+$0xFFFFFFD0];
	(pc) =	sbr.rel @p0 .LBB2_3-.Ltmp0, $4  }
0x30: {  	v11 =	vadd.f32 v2, v11;
	v5 =	vld [tilespmem:s25+$0xFFFFFFE0];
	v9 =	vadd.f32 v6, v7  }
0x31: {  	v7 =	vld [tilespmem:s25+$0xFFFFFFF0];
	v1 =	vmov v12  }
0x32: {  	v2 =	vld [tilespmem:s25+$0x20];
	v3 =	vmov v13  }
0x33: {  	v6 =	vld [tilespmem:s25+$0x30];
	s25 =	sadd.s32 $0x80, s25  }
0x34: {  	v0 =	vadd.f32 v0, v8  }
0x35: {  	v4 =	vadd.f32 v4, v10  }
0x36: {  	s24 =	sshll.u32 s23, $0xA;
	v5 =	vadd.f32 v5, v11;
	v0 =	vadd.f32 v1, v0  }
0x37: {  	s24 =	sshra.s32 s24, $0x2;
	v1 =	vadd.f32 v7, v9;
	v3 =	vadd.f32 v3, v4  }
0x38: {  	v2 =	vadd.f32 v2, v5;
	[tilespmem:s24+$0xCB20] =	vst v0  }
0x39: {  	v0 =	vadd.f32 v6, v1;
	[tilespmem:s24+$0xCB30] =	vst v3  }
0x3a: {  	[tilespmem:s24+$0xCB40] =	vst v2  }
0x3b: {  	s26 =	simm.s32 $0x3590;
	[tilespmem:s24+$0xCB50] =	vst v0  }
0x3c: {  	v1 =	vld [tilespmem:s26+$0xFFFFFFD0]  }
0x3d: {  	v3 =	vld [tilespmem:s26+$0xFFFFFFE0]  }
0x3e: {  	v0 =	vld [tilespmem:s26+$0xFFFFFF90]  }
0x3f: {  	v4 =	vld [tilespmem:s26+$0xFFFFFFA0]  }
0x40: {  	v5 =	vld [tilespmem:s26+$0xFFFFFFB0]  }
0x41: {  	v7 =	vld [tilespmem:s26+$0xFFFFFFC0]  }
0x42: {  	v8 =	vimm.f32 $0.0e+00;
	v2 =	vld [tilespmem:s26+$0xFFFFFFF0]  }
0x43: {  	s25 =	simm.s32 $0x0;
	v10 =	vimm.f32 $0.0e+00;
	v11 =	vimm.f32 $0.0e+00;
	v9 =	vimm.f32 $0.0e+00;
	v6 =	vld [tilespmem:s26+$0x0];
	s26 =	simm.s32 $0x3610  }
.LBB2_5:
0x44: {  	v12 =	vld [tilespmem:s26+$0xFFFFFFD0]  }
0x45: {  	v8 =	vadd.f32 v0, v8;
	v10 =	vadd.f32 v4, v10;
	s25 =	sadd.s32 $0x2, s25;
	v13 =	vld [tilespmem:s26+$0xFFFFFFE0]  }
0x46: {  	v11 =	vadd.f32 v5, v11;
	p0 =	slt.u32 s25, $0xC6;
	v0 =	vld [tilespmem:s26+$0xFFFFFF90];
	v7 =	vadd.f32 v7, v9  }
.Ltmp1:
0x47: {  	v8 =	vadd.f32 v1, v8;
	v10 =	vadd.f32 v3, v10;
	v4 =	vld [tilespmem:s26+$0xFFFFFFA0];
	(pc) =	sbr.rel @p0 .LBB2_5-.Ltmp1, $4  }
0x48: {  	v11 =	vadd.f32 v2, v11;
	v5 =	vld [tilespmem:s26+$0xFFFFFFB0];
	v9 =	vadd.f32 v6, v7  }
0x49: {  	v7 =	vld [tilespmem:s26+$0xFFFFFFC0];
	v1 =	vmov v12  }
0x4a: {  	v2 =	vld [tilespmem:s26+$0xFFFFFFF0];
	v3 =	vmov v13  }
0x4b: {  	v6 =	vld [tilespmem:s26+$0x0];
	s26 =	sadd.s32 $0x80, s26  }
0x4c: {  	v0 =	vadd.f32 v0, v8  }
0x4d: {  	v4 =	vadd.f32 v4, v10  }
0x4e: {  	v5 =	vadd.f32 v5, v11;
	v0 =	vadd.f32 v1, v0  }
0x4f: {  	s25 =	sshll.u32 s23, $0x2;
	v1 =	vadd.f32 v7, v9;
	v3 =	vadd.f32 v3, v4  }
0x50: {  	s26 =	sadd.s32 s25, s7;
	v2 =	vadd.f32 v2, v5;
	[tilespmem:s24+$0xCB60] =	vst v0  }
0x51: {  	s26 =	smul.u32 $0x19, s26;
	v0 =	vadd.f32 v6, v1;
	[tilespmem:s24+$0xCB70] =	vst v3  }
0x52: {  	[tilespmem:s24+$0xCB80] =	vst v2  }
0x53: {  	s26 =	sadd.s32 s3, s26;
	[tilespmem:s24+$0xCB90] =	vst v0  }
0x54: {  	[tilespmem:s2], [sflag:$0x3] =	stream.linear.gather [hbm4b:s26+s2], $0x190, $0x38;
	[tilespmem:$0x14B20] =	vst v63  }
0x55: {  	_ =	swait.ge [sflag:s11], $0x190  }
0x56: {  	[sflag:s11] =	ssyncset.done $0x0  }
0x57: {  	[sflag:s11] =	ssyncadd.s32 $0xFFFFFE70  }
0x58: {  	[tilespmem:s13], [sflag:$0x1] =	stream.indirect.gather [hbm4b:s4+s12], $0x40, s2, s12, $0xb8;
	[tilespmem:$0x14B20] =	vst v63  }
0x59: {  	_ = 	snop  }
0x5a: {  	[tilespmem:s14], [sflag:$0x1] =	stream.indirect.gather [hbm4b:s4+s12], $0x40, s12, s12, $0xb8;
	[tilespmem:$0x14B20] =	vst v63  }
0x5b: {  	_ =	swait.ge [sflag:s20], $0x3200  }
0x5c: {  	[sflag:s20] =	ssyncset.done $0x0  }
0x5d: {  	[sflag:s20] =	ssyncadd.s32 $0xFFFFCE00  }
0x5e: {  	_ =	swait.ge [sflag:s20], $0x3200  }
0x5f: {  	[sflag:s20] =	ssyncset.done $0x0  }
0x60: {  	s28 =	simm.s32 $0x6720;
	[sflag:s20] =	ssyncadd.s32 $0xFFFFCE00  }
0x61: {  	v1 =	vld [tilespmem:s28+$0x40]  }
0x62: {  	v2 =	vld [tilespmem:s28+$0x50]  }
0x63: {  	v0 =	vld [tilespmem:s28+$0x0]  }
0x64: {  	v3 =	vld [tilespmem:s28+$0x10]  }
0x65: {  	v5 =	vld [tilespmem:s28+$0x20]  }
0x66: {  	v6 =	vld [tilespmem:s28+$0x30]  }
0x67: {  	v8 =	vimm.f32 $0.0e+00;
	v4 =	vld [tilespmem:s28+$0x60]  }
0x68: {  	v10 =	vimm.f32 $0.0e+00;
	v11 =	vimm.f32 $0.0e+00;
	v9 =	vimm.f32 $0.0e+00;
	s26 =	simm.s32 $0x0;
	v7 =	vld [tilespmem:s28+$0x70];
	s28 =	simm.s32 $0x67A0  }
.LBB2_7:
0x69: {  	v12 =	vld [tilespmem:s28+$0x40]  }
0x6a: {  	v8 =	vadd.f32 v0, v8;
	v10 =	vadd.f32 v3, v10;
	s26 =	sadd.s32 $0x2, s26;
	v13 =	vld [tilespmem:s28+$0x50]  }
0x6b: {  	v11 =	vadd.f32 v5, v11;
	p0 =	slt.u32 s26, $0xC6;
	v0 =	vld [tilespmem:s28+$0x0];
	v6 =	vadd.f32 v6, v9  }
.Ltmp2:
0x6c: {  	v8 =	vadd.f32 v1, v8;
	v10 =	vadd.f32 v2, v10;
	v3 =	vld [tilespmem:s28+$0x10];
	(pc) =	sbr.rel @p0 .LBB2_7-.Ltmp2, $4  }
0x6d: {  	v11 =	vadd.f32 v4, v11;
	v5 =	vld [tilespmem:s28+$0x20];
	v9 =	vadd.f32 v7, v6  }
0x6e: {  	v6 =	vld [tilespmem:s28+$0x30];
	v1 =	vmov v12  }
0x6f: {  	v4 =	vld [tilespmem:s28+$0x60];
	v2 =	vmov v13  }
0x70: {  	v7 =	vld [tilespmem:s28+$0x70];
	s28 =	sadd.s32 $0x80, s28  }
0x71: {  	v0 =	vadd.f32 v0, v8  }
0x72: {  	v3 =	vadd.f32 v3, v10  }
0x73: {  	v5 =	vadd.f32 v5, v11;
	v0 =	vadd.f32 v1, v0  }
0x74: {  	v1 =	vadd.f32 v6, v9;
	v2 =	vadd.f32 v2, v3  }
0x75: {  	v3 =	vadd.f32 v4, v5;
	[tilespmem:s24+$0xCBA0] =	vst v0  }
0x76: {  	v0 =	vadd.f32 v7, v1;
	[tilespmem:s24+$0xCBB0] =	vst v2  }
0x77: {  	[tilespmem:s24+$0xCBC0] =	vst v3  }
0x78: {  	s28 =	simm.s32 $0x9920;
	[tilespmem:s24+$0xCBD0] =	vst v0  }
0x79: {  	v1 =	vld [tilespmem:s28+$0x40]  }
0x7a: {  	v2 =	vld [tilespmem:s28+$0x50]  }
0x7b: {  	v0 =	vld [tilespmem:s28+$0x0]  }
0x7c: {  	v3 =	vld [tilespmem:s28+$0x10]  }
0x7d: {  	v5 =	vld [tilespmem:s28+$0x20]  }
0x7e: {  	v7 =	vld [tilespmem:s28+$0x30]  }
0x7f: {  	v8 =	vimm.f32 $0.0e+00;
	v4 =	vld [tilespmem:s28+$0x60]  }
0x80: {  	s26 =	simm.s32 $0x0;
	v10 =	vimm.f32 $0.0e+00;
	v11 =	vimm.f32 $0.0e+00;
	v9 =	vimm.f32 $0.0e+00;
	v6 =	vld [tilespmem:s28+$0x70];
	s28 =	simm.s32 $0x99A0  }
.LBB2_9:
0x81: {  	v12 =	vld [tilespmem:s28+$0x40]  }
0x82: {  	v8 =	vadd.f32 v0, v8;
	v10 =	vadd.f32 v3, v10;
	s26 =	sadd.s32 $0x2, s26;
	v13 =	vld [tilespmem:s28+$0x50]  }
0x83: {  	v11 =	vadd.f32 v5, v11;
	p0 =	slt.u32 s26, $0xC6;
	v0 =	vld [tilespmem:s28+$0x0];
	v7 =	vadd.f32 v7, v9  }
.Ltmp3:
0x84: {  	v8 =	vadd.f32 v1, v8;
	v10 =	vadd.f32 v2, v10;
	v3 =	vld [tilespmem:s28+$0x10];
	(pc) =	sbr.rel @p0 .LBB2_9-.Ltmp3, $4  }
0x85: {  	v11 =	vadd.f32 v4, v11;
	v5 =	vld [tilespmem:s28+$0x20];
	v9 =	vadd.f32 v6, v7  }
0x86: {  	v7 =	vld [tilespmem:s28+$0x30];
	v1 =	vmov v12  }
0x87: {  	v4 =	vld [tilespmem:s28+$0x60];
	v2 =	vmov v13  }
0x88: {  	v6 =	vld [tilespmem:s28+$0x70];
	s28 =	sadd.s32 $0x80, s28  }
0x89: {  	v0 =	vadd.f32 v0, v8  }
0x8a: {  	v3 =	vadd.f32 v3, v10  }
0x8b: {  	v5 =	vadd.f32 v5, v11;
	v0 =	vadd.f32 v1, v0  }
0x8c: {  	v61 =	vadd.f32 v7, v9;
	v2 =	vadd.f32 v2, v3  }
0x8d: {  	s25 =	sadd.s32 s25, s8;
	v62 =	vadd.f32 v4, v5;
	[tilespmem:s24+$0xCBE0] =	vst v0  }
0x8e: {  	s25 =	smul.u32 $0x19, s25;
	v63 =	vadd.f32 v6, v61;
	[tilespmem:s24+$0xCBF0] =	vst v2  }
0x8f: {  	[tilespmem:s24+$0xCC00] =	vst v62  }
0x90: {  	s23 =	sadd.s32 $0x1, s23;
	s31 =	sadd.s32 s3, s25;
	[tilespmem:s24+$0xCC10] =	vst v63  }
0x91: {  	[tilespmem:s15], [sflag:$0x3] =	stream.linear.gather [hbm4b:s31+s2], $0x190, $0x38;
	[tilespmem:$0x14B20] =	vst v63  }
0x92: {  	p0 =	sne.s32 s23, $0x7F;
	_ =	swait.ge [sflag:s11], $0x190  }
.Ltmp4:
0x93: {  	[sflag:s11] =	ssyncset.done $0x0;
	(pc) =	sbr.rel @p0 .LBB2_2-.Ltmp4, $4  }
0x94: {  	[sflag:s11] =	ssyncadd.s32 $0xFFFFFE70  }
0x95: {  	[tilespmem:s16], [sflag:$0x2] =	stream.indirect.gather [hbm4b:s4+s12], $0x40, s15, s12, $0xb8;
	[tilespmem:$0x14B20] =	vst v63  }
0x96: {  	_ = 	snop  }
0x97: {  	[tilespmem:s18], [sflag:$0x2] =	stream.indirect.gather [hbm4b:s4+s12], $0x40, s17, s12, $0xb8;
	[tilespmem:$0x14B20] =	vst v63  }
0x98: {  	_ =	swait.ge [sflag:s19], $0x3200  }
0x99: {  	[sflag:s19] =	ssyncset.done $0x0  }
0x9a: {  	[sflag:s19] =	ssyncadd.s32 $0xFFFFCE00  }
0x9b: {  	_ =	swait.ge [sflag:s19], $0x3200  }
0x9c: {  	[sflag:s19] =	ssyncset.done $0x0  }
0x9d: {  	s24 =	simm.s32 $0x360;
	[sflag:s19] =	ssyncadd.s32 $0xFFFFCE00  }
0x9e: {  	v1 =	vld [tilespmem:s24+$0x0]  }
0x9f: {  	v2 =	vld [tilespmem:s24+$0x10]  }
0xa0: {  	v0 =	vld [tilespmem:s24+$0xFFFFFFC0]  }
0xa1: {  	v3 =	vld [tilespmem:s24+$0xFFFFFFD0]  }
0xa2: {  	v5 =	vld [tilespmem:s24+$0xFFFFFFE0]  }
0xa3: {  	v6 =	vld [tilespmem:s24+$0xFFFFFFF0]  }
0xa4: {  	v8 =	vimm.f32 $0.0e+00;
	v4 =	vld [tilespmem:s24+$0x20]  }
0xa5: {  	s23 =	simm.s32 $0x0;
	v10 =	vimm.f32 $0.0e+00;
	v11 =	vimm.f32 $0.0e+00;
	v9 =	vimm.f32 $0.0e+00;
	v7 =	vld [tilespmem:s24+$0x30];
	s24 =	simm.s32 $0x3E0  }
.LBB2_12:
0xa6: {  	v12 =	vld [tilespmem:s24+$0x0]  }
0xa7: {  	v8 =	vadd.f32 v0, v8;
	v10 =	vadd.f32 v3, v10;
	s23 =	sadd.s32 $0x2, s23;
	v13 =	vld [tilespmem:s24+$0x10]  }
0xa8: {  	v11 =	vadd.f32 v5, v11;
	p0 =	slt.u32 s23, $0xC6;
	v0 =	vld [tilespmem:s24+$0xFFFFFFC0];
	v6 =	vadd.f32 v6, v9  }
.Ltmp5:
0xa9: {  	v8 =	vadd.f32 v1, v8;
	v10 =	vadd.f32 v2, v10;
	v3 =	vld [tilespmem:s24+$0xFFFFFFD0];
	(pc) =	sbr.rel @p0 .LBB2_12-.Ltmp5, $4  }
0xaa: {  	v11 =	vadd.f32 v4, v11;
	v5 =	vld [tilespmem:s24+$0xFFFFFFE0];
	v9 =	vadd.f32 v7, v6  }
0xab: {  	v6 =	vld [tilespmem:s24+$0xFFFFFFF0];
	v1 =	vmov v12  }
0xac: {  	v4 =	vld [tilespmem:s24+$0x20];
	v2 =	vmov v13  }
0xad: {  	v7 =	vld [tilespmem:s24+$0x30];
	s24 =	sadd.s32 $0x80, s24  }
0xae: {  	v0 =	vadd.f32 v0, v8  }
0xaf: {  	v3 =	vadd.f32 v3, v10  }
0xb0: {  	v5 =	vadd.f32 v5, v11;
	v0 =	vadd.f32 v1, v0  }
0xb1: {  	v1 =	vadd.f32 v6, v9;
	v2 =	vadd.f32 v2, v3  }
0xb2: {  	v3 =	vadd.f32 v4, v5;
	[tilespmem:$0x14A20] =	vst v0  }
0xb3: {  	v0 =	vadd.f32 v7, v1;
	[tilespmem:$0x14A30] =	vst v2  }
0xb4: {  	[tilespmem:$0x14A40] =	vst v3  }
0xb5: {  	s24 =	simm.s32 $0x3590;
	[tilespmem:$0x14A50] =	vst v0  }
0xb6: {  	v1 =	vld [tilespmem:s24+$0xFFFFFFD0]  }
0xb7: {  	v2 =	vld [tilespmem:s24+$0xFFFFFFE0]  }
0xb8: {  	v0 =	vld [tilespmem:s24+$0xFFFFFF90]  }
0xb9: {  	v3 =	vld [tilespmem:s24+$0xFFFFFFA0]  }
0xba: {  	v5 =	vld [tilespmem:s24+$0xFFFFFFB0]  }
0xbb: {  	v6 =	vld [tilespmem:s24+$0xFFFFFFC0]  }
0xbc: {  	v8 =	vimm.f32 $0.0e+00;
	v4 =	vld [tilespmem:s24+$0xFFFFFFF0]  }
0xbd: {  	s23 =	simm.s32 $0x0;
	v10 =	vimm.f32 $0.0e+00;
	v11 =	vimm.f32 $0.0e+00;
	v9 =	vimm.f32 $0.0e+00;
	v7 =	vld [tilespmem:s24+$0x0];
	s24 =	simm.s32 $0x3610  }
.LBB2_14:
0xbe: {  	v12 =	vld [tilespmem:s24+$0xFFFFFFD0]  }
0xbf: {  	v8 =	vadd.f32 v0, v8;
	v10 =	vadd.f32 v3, v10;
	s23 =	sadd.s32 $0x2, s23;
	v13 =	vld [tilespmem:s24+$0xFFFFFFE0]  }
0xc0: {  	v11 =	vadd.f32 v5, v11;
	p0 =	slt.u32 s23, $0xC6;
	v0 =	vld [tilespmem:s24+$0xFFFFFF90];
	v6 =	vadd.f32 v6, v9  }
.Ltmp6:
0xc1: {  	v8 =	vadd.f32 v1, v8;
	v10 =	vadd.f32 v2, v10;
	v3 =	vld [tilespmem:s24+$0xFFFFFFA0];
	(pc) =	sbr.rel @p0 .LBB2_14-.Ltmp6, $4  }
0xc2: {  	v11 =	vadd.f32 v4, v11;
	v5 =	vld [tilespmem:s24+$0xFFFFFFB0];
	v9 =	vadd.f32 v7, v6  }
0xc3: {  	v6 =	vld [tilespmem:s24+$0xFFFFFFC0];
	v1 =	vmov v12  }
0xc4: {  	v4 =	vld [tilespmem:s24+$0xFFFFFFF0];
	v2 =	vmov v13  }
0xc5: {  	v7 =	vld [tilespmem:s24+$0x0];
	s24 =	sadd.s32 $0x80, s24  }
0xc6: {  	v0 =	vadd.f32 v0, v8  }
0xc7: {  	v3 =	vadd.f32 v3, v10  }
0xc8: {  	v5 =	vadd.f32 v5, v11;
	v0 =	vadd.f32 v1, v0  }
0xc9: {  	v1 =	vadd.f32 v6, v9;
	v2 =	vadd.f32 v2, v3  }
0xca: {  	v3 =	vadd.f32 v4, v5;
	[tilespmem:$0x14A60] =	vst v0  }
0xcb: {  	v0 =	vadd.f32 v7, v1;
	[tilespmem:$0x14A70] =	vst v2  }
0xcc: {  	[tilespmem:$0x14A80] =	vst v3  }
0xcd: {  	[tilespmem:$0x14A90] =	vst v0  }
0xce: {  	_ =	swait.ge [sflag:s20], $0x3200  }
0xcf: {  	[sflag:s20] =	ssyncset.done $0x0  }
0xd0: {  	[sflag:s20] =	ssyncadd.s32 $0xFFFFCE00  }
0xd1: {  	_ =	swait.ge [sflag:s20], $0x3200  }
0xd2: {  	[sflag:s20] =	ssyncset.done $0x0  }
0xd3: {  	s24 =	simm.s32 $0x6720;
	[sflag:s20] =	ssyncadd.s32 $0xFFFFCE00  }
0xd4: {  	v1 =	vld [tilespmem:s24+$0x40]  }
0xd5: {  	v2 =	vld [tilespmem:s24+$0x50]  }
0xd6: {  	v0 =	vld [tilespmem:s24+$0x0]  }
0xd7: {  	v3 =	vld [tilespmem:s24+$0x10]  }
0xd8: {  	v5 =	vld [tilespmem:s24+$0x20]  }
0xd9: {  	v6 =	vld [tilespmem:s24+$0x30]  }
0xda: {  	v8 =	vimm.f32 $0.0e+00;
	v4 =	vld [tilespmem:s24+$0x60]  }
0xdb: {  	s23 =	simm.s32 $0x0;
	v10 =	vimm.f32 $0.0e+00;
	v11 =	vimm.f32 $0.0e+00;
	v9 =	vimm.f32 $0.0e+00;
	v7 =	vld [tilespmem:s24+$0x70];
	s24 =	simm.s32 $0x67A0  }
.LBB2_16:
0xdc: {  	v12 =	vld [tilespmem:s24+$0x40]  }
0xdd: {  	v8 =	vadd.f32 v0, v8;
	v10 =	vadd.f32 v3, v10;
	s23 =	sadd.s32 $0x2, s23;
	v13 =	vld [tilespmem:s24+$0x50]  }
0xde: {  	v11 =	vadd.f32 v5, v11;
	p0 =	slt.u32 s23, $0xC6;
	v0 =	vld [tilespmem:s24+$0x0];
	v6 =	vadd.f32 v6, v9  }
.Ltmp7:
0xdf: {  	v8 =	vadd.f32 v1, v8;
	v10 =	vadd.f32 v2, v10;
	v3 =	vld [tilespmem:s24+$0x10];
	(pc) =	sbr.rel @p0 .LBB2_16-.Ltmp7, $4  }
0xe0: {  	v11 =	vadd.f32 v4, v11;
	v5 =	vld [tilespmem:s24+$0x20];
	v9 =	vadd.f32 v7, v6  }
0xe1: {  	v6 =	vld [tilespmem:s24+$0x30];
	v1 =	vmov v12  }
0xe2: {  	v4 =	vld [tilespmem:s24+$0x60];
	v2 =	vmov v13  }
0xe3: {  	v7 =	vld [tilespmem:s24+$0x70];
	s24 =	sadd.s32 $0x80, s24  }
0xe4: {  	v0 =	vadd.f32 v0, v8  }
0xe5: {  	v3 =	vadd.f32 v3, v10  }
0xe6: {  	v5 =	vadd.f32 v5, v11;
	v0 =	vadd.f32 v1, v0  }
0xe7: {  	v1 =	vadd.f32 v6, v9;
	v2 =	vadd.f32 v2, v3  }
0xe8: {  	v3 =	vadd.f32 v4, v5;
	[tilespmem:$0x14AA0] =	vst v0  }
0xe9: {  	v0 =	vadd.f32 v7, v1;
	[tilespmem:$0x14AB0] =	vst v2  }
0xea: {  	[tilespmem:$0x14AC0] =	vst v3  }
0xeb: {  	s24 =	simm.s32 $0x9920;
	[tilespmem:$0x14AD0] =	vst v0  }
0xec: {  	v1 =	vld [tilespmem:s24+$0x40]  }
0xed: {  	v2 =	vld [tilespmem:s24+$0x50]  }
0xee: {  	v0 =	vld [tilespmem:s24+$0x0]  }
0xef: {  	v3 =	vld [tilespmem:s24+$0x10]  }
0xf0: {  	v5 =	vld [tilespmem:s24+$0x20]  }
0xf1: {  	v6 =	vld [tilespmem:s24+$0x30]  }
0xf2: {  	v8 =	vimm.f32 $0.0e+00;
	v4 =	vld [tilespmem:s24+$0x60]  }
0xf3: {  	s23 =	simm.s32 $0x0;
	v10 =	vimm.f32 $0.0e+00;
	v11 =	vimm.f32 $0.0e+00;
	v9 =	vimm.f32 $0.0e+00;
	v7 =	vld [tilespmem:s24+$0x70];
	s24 =	simm.s32 $0x99A0  }
.LBB2_18:
0xf4: {  	v12 =	vld [tilespmem:s24+$0x40]  }
0xf5: {  	v8 =	vadd.f32 v0, v8;
	v10 =	vadd.f32 v3, v10;
	s23 =	sadd.s32 $0x2, s23;
	v13 =	vld [tilespmem:s24+$0x50]  }
0xf6: {  	v11 =	vadd.f32 v5, v11;
	p0 =	slt.u32 s23, $0xC6;
	v0 =	vld [tilespmem:s24+$0x0];
	v6 =	vadd.f32 v6, v9  }
.Ltmp8:
0xf7: {  	v8 =	vadd.f32 v1, v8;
	v10 =	vadd.f32 v2, v10;
	v3 =	vld [tilespmem:s24+$0x10];
	(pc) =	sbr.rel @p0 .LBB2_18-.Ltmp8, $4  }
0xf8: {  	v11 =	vadd.f32 v4, v11;
	v5 =	vld [tilespmem:s24+$0x20];
	v9 =	vadd.f32 v7, v6  }
0xf9: {  	v6 =	vld [tilespmem:s24+$0x30];
	v1 =	vmov v12  }
0xfa: {  	v4 =	vld [tilespmem:s24+$0x60];
	v2 =	vmov v13  }
0xfb: {  	v7 =	vld [tilespmem:s24+$0x70];
	s24 =	sadd.s32 $0x80, s24  }
0xfc: {  	v0 =	vadd.f32 v0, v8  }
0xfd: {  	v3 =	vadd.f32 v3, v10  }
0xfe: {  	v5 =	vadd.f32 v5, v11;
	v0 =	vadd.f32 v1, v0  }
0xff: {  	v61 =	vadd.f32 v6, v9;
	v2 =	vadd.f32 v2, v3  }
0x100: {  	v62 =	vadd.f32 v4, v5;
	[tilespmem:$0x14AE0] =	vst v0  }
0x101: {  	s22 =	sadd.s32 $0x1, s22;
	v63 =	vadd.f32 v7, v61;
	[tilespmem:$0x14AF0] =	vst v2  }
0x102: {  	p0 =	sne.s32 s22, s10;
	[tilespmem:$0x14B00] =	vst v62  }
.Ltmp9:
0x103: {  	[tilespmem:$0x14B10] =	vst v63;
	(pc) =	sbr.rel @p0 .LBB2_1-.Ltmp9, $4  }
0x104: {  	[hbm4b:s9+s2] =	stream.linear.scatter [tilespmem:s21], [sflag:$0x3], $0x8000, $0x38;
	[tilespmem:$0x14B20] =	vst v63  }
0x105: {  	_ =	swait.ge [sflag:s11], $0x8000  }
0x106: {  	[sflag:s11] =	ssyncset.done $0x0  }
0x107: {  	[sflag:s11] =	ssyncadd.s32 $0xFFFF8000  }
0x108: {  	_ =	sfence.sel $0x180000  }
0x109: {  	[bflag:$0x0] =	sbarrier.arrive $0xFFFF  }
0x10a: {  	p0 =	sne.s32 s1, $0x0;
	_ =	strace $0x9000004A  }
0x10b: {  	s0 =	sadd.s32 @!p0 $0x100000, s0;
	[bflag:$0x2] =	sbarrier.arrive $0xFFFF  }
0x10c: {  	[sflag:s0] =	ssyncadd.tile.s32 @!p0 $0x1;
	_ =	shalt  }
.Lfunc_end2:
_tile_overlayer_lowered:
.L_overlay_start_2:
0x10d: {  	(tag) =	ssettag $0x2  }
0x10e: {  	s0 =	rddreg [dreg:$0x0];
	s2 =	stileid.u32  }
0x10f: {  	s1 =	rddreg [dreg:$0x1];
	p0 =	sne.s32 s2, $0x0  }
0x110: {  	s3 =	rddreg [dreg:$0x2];
	[bflag:$0x3] =	sbarrier.arrive $0xFFFF;
	s2 =	simm.s32 @!p0 $0x1C03  }
0x111: {  	[timem:s3], [sflag:s2] =	dma.local @!p0 [hbm:s0], s1  }
0x112: {  	s0 =	simm.s32 @!p0 $0x3  }
0x113: {  	_ =	swait.ge @!p0 [sflag:s0], s1  }
0x114: {  	s1 =	ssub.s32 @!p0 $0x0, s1;
	[sflag:s0] =	ssyncset.done @!p0 $0x0  }
0x115: {  	[sflag:s0] =	ssyncadd.s32 @!p0 s1  }
0x116: {  	[bflag:$0x3] =	sbarrier.arrive $0xFFFF  }
0x117: {  	_ =	shalt  }

</sc_bundles>
